<compile_context>
chip_gen: v7x
topology: tpu7x:2x2x1
jax: 0.10.2.dev20260603
libtpu: 0.0.44.dev20260713+nightly
codegen_flags: <defaults>
</compile_context>

<pallas_src>
import functools

import jax
import jax.numpy as jnp
from jax import lax
from jax.experimental import pallas as pl
from jax.experimental.pallas import tpu as pltpu
from jax.experimental.pallas import tpu_sc as plsc

N = 10000
NP = 10240
E = 320000
HID = 128
NCORES = 2
NSUB = 16
NW = NCORES * NSUB
CHUNK = 128
NCHUNK = 79
EPW = NCHUNK * CHUNK
EPAD = EPW * NW
NCH_TOT = EPAD // CHUNK
C_BIG = 104
C_SMALL = 56
EPAD_L = (NSUB * (C_BIG + C_SMALL) + (C_BIG - C_SMALL)) * CHUNK
SL = NP // NSUB

_mesh = plsc.VectorSubcoreMesh(core_axis_name="c", subcore_axis_name="s",
                               num_cores=NCORES, num_subcores=NSUB)



@functools.partial(
    pl.kernel,
    out_type=jax.ShapeDtypeStruct((NCORES, NP), jnp.float32),
    mesh=_mesh,
    scratch_types=[
        pltpu.VMEM((NCHUNK, CHUNK), jnp.int32),
        pltpu.VMEM((CHUNK,), jnp.float32),
        pltpu.VMEM((SL,), jnp.float32),
        pltpu.VMEM_SHARED((NP,), jnp.float32),
        pltpu.SemaphoreType.DMA,
    ],
)
def _sc_degree(dst_hbm, out_hbm, dst_v, ones_v, zer_v, acc_sh, sem):
    c = lax.axis_index("c")
    s = lax.axis_index("s")
    wid = c * NSUB + s
    pltpu.sync_copy(dst_hbm.at[wid], dst_v)
    for i in range(CHUNK // 16):
        ones_v[pl.ds(i * 16, 16)] = jnp.full((16,), 1.0, jnp.float32)
    for i in range(SL // 16):
        zer_v[pl.ds(i * 16, 16)] = jnp.zeros((16,), jnp.float32)
    pltpu.sync_copy(zer_v, acc_sh.at[pl.ds(s * SL, SL)])
    plsc.subcore_barrier()

    def body(j, carry):
        pltpu.sync_copy(ones_v, acc_sh.at[dst_v.at[j]], add=True)
        return carry

    lax.fori_loop(0, NCHUNK, body, 0)
    plsc.subcore_barrier()
    pltpu.sync_copy(acc_sh.at[pl.ds(s * SL, SL)], out_hbm.at[c, pl.ds(s * SL, SL)])



@functools.partial(
    pl.kernel,
    out_type=jax.ShapeDtypeStruct((NCORES, NP, HID), jnp.float32),
    mesh=_mesh,
    scratch_types=[
        pltpu.VMEM((2, CHUNK), jnp.int32),
        pltpu.VMEM((C_BIG, CHUNK), jnp.int32),
        pltpu.VMEM((2, CHUNK, HID), jnp.float32),
        pltpu.VMEM_SHARED((NP, HID), jnp.float32),
        pltpu.SemaphoreType.DMA,
    ],
)
def _sc_layer(src_hbm, dst_hbm, tbl_hbm, zer_hbm, out_hbm,
              src_v, dst_v, rows_v, acc_sh, sem):
    c = lax.axis_index("c")
    s = lax.axis_index("s")
    pltpu.sync_copy(zer_hbm, acc_sh.at[pl.ds(s * SL, SL)])
    plsc.subcore_barrier()

    def run(cb, nch):
        pltpu.sync_copy(dst_hbm.at[pl.ds(cb, nch)], dst_v.at[pl.ds(0, nch)])
        pltpu.sync_copy(src_hbm.at[cb], src_v.at[0])
        pltpu.async_copy(tbl_hbm.at[src_v.at[0]], rows_v.at[0], sem)
        pltpu.sync_copy(src_hbm.at[cb + 1], src_v.at[1])

        def body(j, carry):
            buf = lax.rem(j, 2)
            nbuf = lax.rem(j + 1, 2)
            pltpu.make_async_copy(tbl_hbm.at[src_v.at[buf]], rows_v.at[buf],
                                  sem).wait()

            @pl.when(j + 1 < nch)
            def _():
                pltpu.async_copy(tbl_hbm.at[src_v.at[nbuf]], rows_v.at[nbuf],
                                 sem)

            pltpu.sync_copy(rows_v.at[buf], acc_sh.at[dst_v.at[j]], add=True)

            @pl.when(j + 2 < nch)
            def _():
                pltpu.sync_copy(src_hbm.at[cb + j + 2], src_v.at[buf])
            return carry

        lax.fori_loop(0, nch, body, 0)

    @pl.when(c == 0)
    def _():
        run(s * C_BIG, C_BIG)

    @pl.when(c == 1)
    def _():
        run(NSUB * C_BIG + s * C_SMALL, C_SMALL)

    plsc.subcore_barrier()
    pltpu.sync_copy(acc_sh.at[pl.ds(s * SL, SL)], out_hbm.at[c, pl.ds(s * SL, SL)])



def _tc_pre_body(x_ref, degp_ref, wpre_ref, bpre_ref, wg1_ref, o_ref):
    deg = degp_ref[0, :] + degp_ref[1, :] + 1.0
    dinv = lax.rsqrt(deg)
    h = jnp.dot(x_ref[...], wpre_ref[...],
                preferred_element_type=jnp.float32) + bpre_ref[...]
    hw = jnp.dot(h, wg1_ref[...], preferred_element_type=jnp.float32)
    o_ref[...] = hw * dinv[:, None]


def _tc_mid_body(p_ref, hws_ref, degp_ref, bg_ref, wg2_ref, o_ref):
    deg = degp_ref[0, :] + degp_ref[1, :] + 1.0
    dinv = lax.rsqrt(deg)
    agg = dinv[:, None] * (p_ref[0] + p_ref[1] + hws_ref[...]) + bg_ref[...]
    h1 = jnp.maximum(agg, 0.0)
    o_ref[...] = jnp.dot(h1, wg2_ref[...],
                         preferred_element_type=jnp.float32) * dinv[:, None]


def _tc_fin_body(p_ref, hws_ref, degp_ref, bg_ref, wpost_ref, bpost_ref,
                 ea_ref, wd0_ref, bd0_ref, wd1_ref, bd1_ref, wd2_ref,
                 bd2_ref, wd3_ref, bd3_ref, wfin_ref, bfin_ref, o_ref):
    deg = degp_ref[0, :] + degp_ref[1, :] + 1.0
    dinv = lax.rsqrt(deg)
    agg = dinv[:, None] * (p_ref[0] + p_ref[1] + hws_ref[...]) + bg_ref[...]
    h2 = jnp.maximum(agg, 0.0)
    feat = jnp.dot(h2, wpost_ref[...],
                   preferred_element_type=jnp.float32) + bpost_ref[...]
    e = jnp.maximum(jnp.dot(ea_ref[...], wd0_ref[...],
                            preferred_element_type=jnp.float32) + bd0_ref[...], 0.0)
    e = jnp.maximum(jnp.dot(e, wd1_ref[...],
                            preferred_element_type=jnp.float32) + bd1_ref[...], 0.0)
    e = jnp.maximum(jnp.dot(e, wd2_ref[...],
                            preferred_element_type=jnp.float32) + bd2_ref[...], 0.0)
    dist = jnp.dot(e, wd3_ref[...],
                   preferred_element_type=jnp.float32) + bd3_ref[...]
    merged = jnp.concatenate([feat, dist], axis=1)
    y = jnp.dot(merged, wfin_ref[...],
                preferred_element_type=jnp.float32) + bfin_ref[...]
    o_ref[...] = jax.nn.sigmoid(y)


def _tc_call(body, out_shape, *args):
    return pl.pallas_call(body, out_shape=out_shape)(*args)



def kernel(x, edge_index, edge_attr, W_pre, b_pre, Wg1, bg1, Wg2, bg2,
           W_post, b_post, Wd0, bd0, Wd1, bd1, Wd2, bd2, Wd3, bd3,
           W_fin, b_fin):
    f32 = jnp.float32
    src = edge_index[0]
    dst = edge_index[1]
    pad = EPAD_L - E
    pad_dst = N + jnp.arange(pad, dtype=jnp.int32) % (NP - N)
    src_flat = jnp.concatenate([src, jnp.zeros((pad,), jnp.int32)])
    dst_flat = jnp.concatenate([dst, pad_dst])
    src_p = src_flat.reshape(EPAD_L // CHUNK, CHUNK)
    dst_p = dst_flat.reshape(EPAD_L // CHUNK, CHUNK)
    dst_deg = dst_flat[:EPAD].reshape(NW, NCHUNK, CHUNK)
    xp = jnp.concatenate([x, jnp.zeros((NP - N, x.shape[1]), f32)], axis=0)
    eap = jnp.zeros((NP, HID), f32).at[:N, :edge_attr.shape[1]].set(edge_attr)
    wd0p = jnp.zeros((HID, HID), f32).at[:Wd0.shape[0]].set(Wd0)
    zer_sl = jnp.zeros((SL, HID), f32)

    degp = _sc_degree(dst_deg)

    hw1s = _tc_call(_tc_pre_body, jax.ShapeDtypeStruct((NP, HID), f32),
                    xp, degp, W_pre, b_pre, Wg1)
    p1 = _sc_layer(src_p, dst_p, hw1s, zer_sl)
    hw2s = _tc_call(_tc_mid_body, jax.ShapeDtypeStruct((NP, HID), f32),
                    p1, hw1s, degp, bg1, Wg2)
    p2 = _sc_layer(src_p, dst_p, hw2s, zer_sl)

    y2d = _tc_call(_tc_fin_body, jax.ShapeDtypeStruct((NP, 1), f32),
                   p2, hw2s, degp, bg2, W_post, b_post, eap, wd0p, bd0,
                   Wd1, bd1, Wd2, bd2, Wd3, bd3, W_fin, b_fin)
    return y2d[:N, 0]

# --- scband reference (transcript-rebuilt; emitter-appended) ---
"""Pipeline reference for scband-attribute-decoupled-gnn-32031866093971 (READ-ONLY COPY).

The authoritative reference and input builder live on the scoring server;
editing this copy changes nothing except your own understanding.
"""

import jax, jax.numpy as jnp
import numpy as np

N = 10000
E = 320000
D_FEAT = 128
HID = 128
K = 5
NUM_CLASSES = 1


def _lin_init(key, fi, fo):
    kw, kb = jax.random.split(key)
    W = jax.random.normal(kw, (fi, fo), jnp.float32) / np.sqrt(fi)
    b = jnp.zeros((fo,), jnp.float32)
    return W, b


def setup_inputs(seed: int = 0) -> dict:
    key = jax.random.key(seed)
    ks = jax.random.split(key, 16)
    inp = {}
    inp["x"] = jax.random.normal(ks[0], (N, D_FEAT), jnp.float32)
    inp["edge_index"] = jax.random.randint(ks[1], (2, E), 0, N, dtype=jnp.int32)
    inp["edge_attr"] = jax.random.normal(ks[2], (N, K), jnp.float32)
    # NodeAttributeAggregator params
    inp["W_pre"], inp["b_pre"] = _lin_init(ks[3], D_FEAT, HID)
    inp["Wg1"], inp["bg1"] = _lin_init(ks[4], HID, HID)
    inp["Wg2"], inp["bg2"] = _lin_init(ks[5], HID, HID)
    inp["W_post"], inp["b_post"] = _lin_init(ks[6], HID, HID)
    # EdgeAttributeAggregator MLP (3 hidden layers + output)
    inp["Wd0"], inp["bd0"] = _lin_init(ks[7], K, HID)
    inp["Wd1"], inp["bd1"] = _lin_init(ks[8], HID, HID)
    inp["Wd2"], inp["bd2"] = _lin_init(ks[9], HID, HID)
    inp["Wd3"], inp["bd3"] = _lin_init(ks[10], HID, HID)
    # final post_process_mlp on concatenated features
    inp["W_fin"], inp["b_fin"] = _lin_init(ks[11], 2 * HID, NUM_CLASSES)
    return inp


def reference(x, edge_index, edge_attr, W_pre, b_pre, Wg1, bg1, Wg2, bg2,
              W_post, b_post, Wd0, bd0, Wd1, bd1, Wd2, bd2, Wd3, bd3,
              W_fin, b_fin):
    # --- NodeAttributeAggregator (feat branch): pre-MLP -> GCN -> act -> GCN -> act -> post-MLP ---
    src = edge_index[0]
    dst = edge_index[1]
    loop = jnp.arange(N, dtype=src.dtype)
    src = jnp.concatenate([src, loop])
    dst = jnp.concatenate([dst, loop])
    deg = jnp.zeros((N,), jnp.float32).at[dst].add(1.0)
    dinv = 1.0 / jnp.sqrt(jnp.clip(deg, 1.0))
    norm = dinv[src] * dinv[dst]

    def gcn(h, W, b):
        hw = h @ W
        msg = jnp.take(hw, src, axis=0) * norm[:, None]
        agg = jnp.zeros((N, hw.shape[1]), hw.dtype).at[dst].add(msg)
        return agg + b

    h = x @ W_pre + b_pre
    h = jax.nn.relu(gcn(h, Wg1, bg1))
    h = jax.nn.relu(gcn(h, Wg2, bg2))
    feat_out = h @ W_post + b_post

    # --- EdgeAttributeAggregator (dist branch): reshape(-1, K) -> 3-hidden MLP ---
    e = edge_attr.reshape(-1, K)
    e = jax.nn.relu(e @ Wd0 + bd0)
    e = jax.nn.relu(e @ Wd1 + bd1)
    e = jax.nn.relu(e @ Wd2 + bd2)
    dist_out = e @ Wd3 + bd3

    # --- merge='cat' + final MLP + squeeze + sigmoid ---
    merged = jnp.concatenate([feat_out, dist_out], axis=1)
    y = merged @ W_fin + b_fin
    y = jnp.squeeze(y, 1)
    return jax.nn.sigmoid(y)

if __name__ == "__main__":
    import jax
    _d = setup_inputs()
    print(jax.jit(kernel)(*tuple(_d.values())))

</pallas_src>

<mosaic_0001>
#map = affine_map<(d0, d1) -> (0, 0)>
#map1 = affine_map<(d0, d1) -> (0, 0, 0)>
module attributes {stable_mosaic.version = 14 : i64} {
  func.func @_sc_layer(%arg0: i32, %arg1: i32, %arg2: memref<2608x128xi32, #tpu.memory_space<hbm>>, %arg3: memref<2608x128xi32, #tpu.memory_space<hbm>>, %arg4: memref<10240x128xf32, #tpu.memory_space<hbm>>, %arg5: memref<640x128xf32, #tpu.memory_space<hbm>>, %arg6: memref<2x10240x128xf32, #tpu.memory_space<hbm>>, %arg7: memref<2x128xi32, #tpu.memory_space<vmem>>, %arg8: memref<104x128xi32, #tpu.memory_space<vmem>>, %arg9: memref<2x128x128xf32, #tpu.memory_space<vmem>>, %arg10: memref<10240x128xf32, #tpu.memory_space<vmem_shared>>, %arg11: memref<!tpu.dma_semaphore, #tpu.memory_space<semaphore_mem>>) attributes {dimension_semantics = [#tpu.dimension_semantics<core_parallel>, #tpu.dimension_semantics<subcore_parallel>], iteration_bounds = array<i64: 2, 16>, scalar_prefetch = 0 : i64, scratch_operands = 5 : i64, tpu.core_type = #tpu.core_type<sc_vector_subcore>, window_params = [{transform_indices = #map}, {transform_indices = #map}, {transform_indices = #map}, {transform_indices = #map}, {transform_indices = #map1}]} {
    %mul3A = arith.constant 640 : i32
    %mul3A_0 = arith.muli %arg1, %mul3A : i32
    "tpu.region"() ({
      %run_scoped3A = tpu.sem_alloc : memref<!tpu.dma_semaphore, #tpu.memory_space<semaphore_mem>>
      %dma_start3A = arith.constant 0 : i32
      %dma_start3A_13 = tpu.memref_slice %arg10[%mul3A_0, %dma_start3A] : memref<10240x128xf32, #tpu.memory_space<vmem_shared>> -> memref<640x128xf32, #tpu.memory_space<vmem_shared>>
      tpu.enqueue_dma source(%arg5 : memref<640x128xf32, #tpu.memory_space<hbm>>) target(%dma_start3A_13 : memref<640x128xf32, #tpu.memory_space<vmem_shared>>) target_semaphore(%run_scoped3A : memref<!tpu.dma_semaphore, #tpu.memory_space<semaphore_mem>>)
      %dma_wait3A = arith.constant 0 : i32
      %dma_wait3A_14 = tpu.memref_slice %arg10[%mul3A_0, %dma_wait3A] : memref<10240x128xf32, #tpu.memory_space<vmem_shared>> -> memref<640x128xf32, #tpu.memory_space<vmem_shared>>
      tpu.wait_dma2 semaphore(%run_scoped3A : memref<!tpu.dma_semaphore, #tpu.memory_space<semaphore_mem>>) src(%arg5 : memref<640x128xf32, #tpu.memory_space<hbm>>) dst(%dma_wait3A_14 : memref<640x128xf32, #tpu.memory_space<vmem_shared>>)
      tpu.yield
    }) : () -> ()
    %barrier3A = arith.constant 0 : index
    tpu.barrier barrier_id(%barrier3A)
    %eq3A = arith.constant 0 : i32
    %eq3A_1 = arith.cmpi eq, %arg0, %eq3A : i32
    %convert_element_type3A = arith.extui %eq3A_1 : i1 to i32
    %cond3A = arith.constant 0 : i32
    %cond3A_2 = arith.cmpi ne, %convert_element_type3A, %cond3A : i32
    scf.if %cond3A_2 {
      %mul3A_13 = arith.constant 104 : i32
      %mul3A_14 = arith.muli %arg1, %mul3A_13 : i32
      "tpu.region"() ({
        %run_scoped3A_33 = tpu.sem_alloc : memref<!tpu.dma_semaphore, #tpu.memory_space<semaphore_mem>>
        %dma_start3A_34 = arith.constant 0 : i32
        %dma_start3A_35 = arith.constant 0 : i32
        %dma_start3A_36 = tpu.memref_slice %arg8[%dma_start3A_34, %dma_start3A_35] : memref<104x128xi32, #tpu.memory_space<vmem>> -> memref<104x128xi32, #tpu.memory_space<vmem>>
        %dma_start3A_37 = arith.constant 0 : i32
        %dma_start3A_38 = tpu.memref_slice %arg3[%mul3A_14, %dma_start3A_37] : memref<2608x128xi32, #tpu.memory_space<hbm>> -> memref<104x128xi32, #tpu.memory_space<hbm>>
        %dma_start3A_39 = arith.constant 0 : i32
        %dma_start3A_40 = arith.constant 0 : i32
        %dma_start3A_41 = tpu.memref_slice %arg8[%dma_start3A_39, %dma_start3A_40] : memref<104x128xi32, #tpu.memory_space<vmem>> -> memref<104x128xi32, #tpu.memory_space<vmem>>
        %dma_start3A_42 = arith.constant 0 : i32
        %dma_start3A_43 = tpu.memref_slice %arg3[%mul3A_14, %dma_start3A_42] : memref<2608x128xi32, #tpu.memory_space<hbm>> -> memref<104x128xi32, #tpu.memory_space<hbm>>
        tpu.enqueue_dma source(%dma_start3A_43 : memref<104x128xi32, #tpu.memory_space<hbm>>) target(%dma_start3A_41 : memref<104x128xi32, #tpu.memory_space<vmem>>) target_semaphore(%run_scoped3A_33 : memref<!tpu.dma_semaphore, #tpu.memory_space<semaphore_mem>>)
        %dma_wait3A = arith.constant 0 : i32
        %dma_wait3A_44 = arith.constant 0 : i32
        %dma_wait3A_45 = tpu.memref_slice %arg8[%dma_wait3A, %dma_wait3A_44] : memref<104x128xi32, #tpu.memory_space<vmem>> -> memref<104x128xi32, #tpu.memory_space<vmem>>
        %dma_wait3A_46 = arith.constant 0 : i32
        %dma_wait3A_47 = tpu.memref_slice %arg3[%mul3A_14, %dma_wait3A_46] : memref<2608x128xi32, #tpu.memory_space<hbm>> -> memref<104x128xi32, #tpu.memory_space<hbm>>
        %dma_wait3A_48 = arith.constant 0 : i32
        %dma_wait3A_49 = arith.constant 0 : i32
        %dma_wait3A_50 = tpu.memref_slice %arg8[%dma_wait3A_48, %dma_wait3A_49] : memref<104x128xi32, #tpu.memory_space<vmem>> -> memref<104x128xi32, #tpu.memory_space<vmem>>
        %dma_wait3A_51 = arith.constant 0 : i32
        %dma_wait3A_52 = tpu.memref_slice %arg3[%mul3A_14, %dma_wait3A_51] : memref<2608x128xi32, #tpu.memory_space<hbm>> -> memref<104x128xi32, #tpu.memory_space<hbm>>
        tpu.wait_dma2 semaphore(%run_scoped3A_33 : memref<!tpu.dma_semaphore, #tpu.memory_space<semaphore_mem>>) src(%dma_wait3A_52 : memref<104x128xi32, #tpu.memory_space<hbm>>) dst(%dma_wait3A_50 : memref<104x128xi32, #tpu.memory_space<vmem>>)
        tpu.yield
      }) : () -> ()
      %run_scoped3A = arith.constant 0 : i32
      "tpu.region"() ({
        %run_scoped3A_33 = tpu.sem_alloc : memref<!tpu.dma_semaphore, #tpu.memory_space<semaphore_mem>>
        %dma_start3A_34 = arith.constant 0 : i32
        %dma_start3A_35 = tpu.memref_slice %arg7[%run_scoped3A, %dma_start3A_34] : memref<2x128xi32, #tpu.memory_space<vmem>> -> memref<1x128xi32, #tpu.memory_space<vmem>>
        %dma_start3A_36 = tpu.memref_squeeze %dma_start3A_35 : memref<1x128xi32, #tpu.memory_space<vmem>> -> memref<128xi32, #tpu.memory_space<vmem>>
        %dma_start3A_37 = arith.constant 0 : i32
        %dma_start3A_38 = tpu.memref_slice %arg2[%mul3A_14, %dma_start3A_37] : memref<2608x128xi32, #tpu.memory_space<hbm>> -> memref<1x128xi32, #tpu.memory_space<hbm>>
        %dma_start3A_39 = tpu.memref_squeeze %dma_start3A_38 : memref<1x128xi32, #tpu.memory_space<hbm>> -> memref<128xi32, #tpu.memory_space<hbm>>
        %dma_start3A_40 = arith.constant 0 : i32
        %dma_start3A_41 = tpu.memref_slice %arg7[%run_scoped3A, %dma_start3A_40] : memref<2x128xi32, #tpu.memory_space<vmem>> -> memref<1x128xi32, #tpu.memory_space<vmem>>
        %dma_start3A_42 = tpu.memref_squeeze %dma_start3A_41 : memref<1x128xi32, #tpu.memory_space<vmem>> -> memref<128xi32, #tpu.memory_space<vmem>>
        %dma_start3A_43 = arith.constant 0 : i32
        %dma_start3A_44 = tpu.memref_slice %arg2[%mul3A_14, %dma_start3A_43] : memref<2608x128xi32, #tpu.memory_space<hbm>> -> memref<1x128xi32, #tpu.memory_space<hbm>>
        %dma_start3A_45 = tpu.memref_squeeze %dma_start3A_44 : memref<1x128xi32, #tpu.memory_space<hbm>> -> memref<128xi32, #tpu.memory_space<hbm>>
        tpu.enqueue_dma source(%dma_start3A_45 : memref<128xi32, #tpu.memory_space<hbm>>) target(%dma_start3A_42 : memref<128xi32, #tpu.memory_space<vmem>>) target_semaphore(%run_scoped3A_33 : memref<!tpu.dma_semaphore, #tpu.memory_space<semaphore_mem>>)
        %dma_wait3A = arith.constant 0 : i32
        %dma_wait3A_46 = tpu.memref_slice %arg7[%run_scoped3A, %dma_wait3A] : memref<2x128xi32, #tpu.memory_space<vmem>> -> memref<1x128xi32, #tpu.memory_space<vmem>>
        %dma_wait3A_47 = tpu.memref_squeeze %dma_wait3A_46 : memref<1x128xi32, #tpu.memory_space<vmem>> -> memref<128xi32, #tpu.memory_space<vmem>>
        %dma_wait3A_48 = arith.constant 0 : i32
        %dma_wait3A_49 = tpu.memref_slice %arg2[%mul3A_14, %dma_wait3A_48] : memref<2608x128xi32, #tpu.memory_space<hbm>> -> memref<1x128xi32, #tpu.memory_space<hbm>>
        %dma_wait3A_50 = tpu.memref_squeeze %dma_wait3A_49 : memref<1x128xi32, #tpu.memory_space<hbm>> -> memref<128xi32, #tpu.memory_space<hbm>>
        %dma_wait3A_51 = arith.constant 0 : i32
        %dma_wait3A_52 = tpu.memref_slice %arg7[%run_scoped3A, %dma_wait3A_51] : memref<2x128xi32, #tpu.memory_space<vmem>> -> memref<1x128xi32, #tpu.memory_space<vmem>>
        %dma_wait3A_53 = tpu.memref_squeeze %dma_wait3A_52 : memref<1x128xi32, #tpu.memory_space<vmem>> -> memref<128xi32, #tpu.memory_space<vmem>>
        %dma_wait3A_54 = arith.constant 0 : i32
        %dma_wait3A_55 = tpu.memref_slice %arg2[%mul3A_14, %dma_wait3A_54] : memref<2608x128xi32, #tpu.memory_space<hbm>> -> memref<1x128xi32, #tpu.memory_space<hbm>>
        %dma_wait3A_56 = tpu.memref_squeeze %dma_wait3A_55 : memref<1x128xi32, #tpu.memory_space<hbm>> -> memref<128xi32, #tpu.memory_space<hbm>>
        tpu.wait_dma2 semaphore(%run_scoped3A_33 : memref<!tpu.dma_semaphore, #tpu.memory_space<semaphore_mem>>) src(%dma_wait3A_56 : memref<128xi32, #tpu.memory_space<hbm>>) dst(%dma_wait3A_53 : memref<128xi32, #tpu.memory_space<vmem>>)
        tpu.yield
      }) : () -> ()
      %dma_start3A = arith.constant 0 : i32
      %dma_start3A_15 = arith.constant 0 : i32
      %dma_start3A_16 = arith.constant 0 : i32
      %dma_start3A_17 = arith.constant 0 : i32
      %dma_start3A_18 = tpu.memref_slice %arg9[%dma_start3A_15, %dma_start3A_16, %dma_start3A_17] : memref<2x128x128xf32, #tpu.memory_space<vmem>> -> memref<1x128x128xf32, #tpu.memory_space<vmem>>
      %dma_start3A_19 = tpu.memref_squeeze %dma_start3A_18 : memref<1x128x128xf32, #tpu.memory_space<vmem>> -> memref<128x128xf32, #tpu.memory_space<vmem>>
      %dma_start3A_20 = arith.constant 0 : i32
      %dma_start3A_21 = tpu.memref_slice %arg7[%dma_start3A, %dma_start3A_20] : memref<2x128xi32, #tpu.memory_space<vmem>> -> memref<1x128xi32, #tpu.memory_space<vmem>>
      %dma_start3A_22 = tpu.memref_squeeze %dma_start3A_21 : memref<1x128xi32, #tpu.memory_space<vmem>> -> memref<128xi32, #tpu.memory_space<vmem>>
      %dma_start3A_23 = arith.constant 0 : i32
      %dma_start3A_24 = arith.constant 0 : i32
      %dma_start3A_25 = tpu.memref_slice %arg4[%dma_start3A_23, %dma_start3A_24] : memref<10240x128xf32, #tpu.memory_space<hbm>> -> memref<10240x128xf32, #tpu.memory_space<hbm>>
      tpu.enqueue_indirect_dma source(%dma_start3A_25 : memref<10240x128xf32, #tpu.memory_space<hbm>>) target(%dma_start3A_19 : memref<128x128xf32, #tpu.memory_space<vmem>>) offsets(%dma_start3A_22 : memref<128xi32, #tpu.memory_space<vmem>>) semaphore(%arg11 : memref<!tpu.dma_semaphore, #tpu.memory_space<semaphore_mem>>)
      %add3A = arith.constant 1 : i32
      %add3A_26 = arith.addi %mul3A_14, %add3A : i32
      %run_scoped3A_27 = arith.constant 1 : i32
      "tpu.region"() ({
        %run_scoped3A_33 = tpu.sem_alloc : memref<!tpu.dma_semaphore, #tpu.memory_space<semaphore_mem>>
        %dma_start3A_34 = arith.constant 0 : i32
        %dma_start3A_35 = tpu.memref_slice %arg7[%run_scoped3A_27, %dma_start3A_34] : memref<2x128xi32, #tpu.memory_space<vmem>> -> memref<1x128xi32, #tpu.memory_space<vmem>>
        %dma_start3A_36 = tpu.memref_squeeze %dma_start3A_35 : memref<1x128xi32, #tpu.memory_space<vmem>> -> memref<128xi32, #tpu.memory_space<vmem>>
        %dma_start3A_37 = arith.constant 0 : i32
        %dma_start3A_38 = tpu.memref_slice %arg2[%add3A_26, %dma_start3A_37] : memref<2608x128xi32, #tpu.memory_space<hbm>> -> memref<1x128xi32, #tpu.memory_space<hbm>>
        %dma_start3A_39 = tpu.memref_squeeze %dma_start3A_38 : memref<1x128xi32, #tpu.memory_space<hbm>> -> memref<128xi32, #tpu.memory_space<hbm>>
        %dma_start3A_40 = arith.constant 0 : i32
        %dma_start3A_41 = tpu.memref_slice %arg7[%run_scoped3A_27, %dma_start3A_40] : memref<2x128xi32, #tpu.memory_space<vmem>> -> memref<1x128xi32, #tpu.memory_space<vmem>>
        %dma_start3A_42 = tpu.memref_squeeze %dma_start3A_41 : memref<1x128xi32, #tpu.memory_space<vmem>> -> memref<128xi32, #tpu.memory_space<vmem>>
        %dma_start3A_43 = arith.constant 0 : i32
        %dma_start3A_44 = tpu.memref_slice %arg2[%add3A_26, %dma_start3A_43] : memref<2608x128xi32, #tpu.memory_space<hbm>> -> memref<1x128xi32, #tpu.memory_space<hbm>>
        %dma_start3A_45 = tpu.memref_squeeze %dma_start3A_44 : memref<1x128xi32, #tpu.memory_space<hbm>> -> memref<128xi32, #tpu.memory_space<hbm>>
        tpu.enqueue_dma source(%dma_start3A_45 : memref<128xi32, #tpu.memory_space<hbm>>) target(%dma_start3A_42 : memref<128xi32, #tpu.memory_space<vmem>>) target_semaphore(%run_scoped3A_33 : memref<!tpu.dma_semaphore, #tpu.memory_space<semaphore_mem>>)
        %dma_wait3A = arith.constant 0 : i32
        %dma_wait3A_46 = tpu.memref_slice %arg7[%run_scoped3A_27, %dma_wait3A] : memref<2x128xi32, #tpu.memory_space<vmem>> -> memref<1x128xi32, #tpu.memory_space<vmem>>
        %dma_wait3A_47 = tpu.memref_squeeze %dma_wait3A_46 : memref<1x128xi32, #tpu.memory_space<vmem>> -> memref<128xi32, #tpu.memory_space<vmem>>
        %dma_wait3A_48 = arith.constant 0 : i32
        %dma_wait3A_49 = tpu.memref_slice %arg2[%add3A_26, %dma_wait3A_48] : memref<2608x128xi32, #tpu.memory_space<hbm>> -> memref<1x128xi32, #tpu.memory_space<hbm>>
        %dma_wait3A_50 = tpu.memref_squeeze %dma_wait3A_49 : memref<1x128xi32, #tpu.memory_space<hbm>> -> memref<128xi32, #tpu.memory_space<hbm>>
        %dma_wait3A_51 = arith.constant 0 : i32
        %dma_wait3A_52 = tpu.memref_slice %arg7[%run_scoped3A_27, %dma_wait3A_51] : memref<2x128xi32, #tpu.memory_space<vmem>> -> memref<1x128xi32, #tpu.memory_space<vmem>>
        %dma_wait3A_53 = tpu.memref_squeeze %dma_wait3A_52 : memref<1x128xi32, #tpu.memory_space<vmem>> -> memref<128xi32, #tpu.memory_space<vmem>>
        %dma_wait3A_54 = arith.constant 0 : i32
        %dma_wait3A_55 = tpu.memref_slice %arg2[%add3A_26, %dma_wait3A_54] : memref<2608x128xi32, #tpu.memory_space<hbm>> -> memref<1x128xi32, #tpu.memory_space<hbm>>
        %dma_wait3A_56 = tpu.memref_squeeze %dma_wait3A_55 : memref<1x128xi32, #tpu.memory_space<hbm>> -> memref<128xi32, #tpu.memory_space<hbm>>
        tpu.wait_dma2 semaphore(%run_scoped3A_33 : memref<!tpu.dma_semaphore, #tpu.memory_space<semaphore_mem>>) src(%dma_wait3A_56 : memref<128xi32, #tpu.memory_space<hbm>>) dst(%dma_wait3A_53 : memref<128xi32, #tpu.memory_space<vmem>>)
        tpu.yield
      }) : () -> ()
      %scan3A = arith.constant 0 : i32
      %scan3A_28 = arith.constant 0 : i32
      %scan3A_29 = arith.constant 104 : i32
      %scan3A_30 = arith.addi %scan3A_28, %scan3A_29 : i32
      %scan3A_31 = arith.constant 1 : i32
      scf.for %scan3A_33 = %scan3A_28 to %scan3A_30 step %scan3A_31  : i32 {
        %rem3A = arith.constant 2 : i32
        %rem3A_34 = arith.remsi %scan3A_33, %rem3A : i32
        %add3A_35 = arith.constant 1 : i32
        %add3A_36 = arith.addi %scan3A_33, %add3A_35 : i32
        %rem3A_37 = arith.constant 2 : i32
        %rem3A_38 = arith.remsi %add3A_36, %rem3A_37 : i32
        %dma_wait3A = arith.constant 0 : i32
        %dma_wait3A_39 = arith.constant 0 : i32
        %dma_wait3A_40 = tpu.memref_slice %arg9[%rem3A_34, %dma_wait3A, %dma_wait3A_39] : memref<2x128x128xf32, #tpu.memory_space<vmem>> -> memref<1x128x128xf32, #tpu.memory_space<vmem>>
        %dma_wait3A_41 = tpu.memref_squeeze %dma_wait3A_40 : memref<1x128x128xf32, #tpu.memory_space<vmem>> -> memref<128x128xf32, #tpu.memory_space<vmem>>
        %dma_wait3A_42 = arith.constant 0 : i32
        %dma_wait3A_43 = tpu.memref_slice %arg7[%rem3A_34, %dma_wait3A_42] : memref<2x128xi32, #tpu.memory_space<vmem>> -> memref<1x128xi32, #tpu.memory_space<vmem>>
        %dma_wait3A_44 = tpu.memref_squeeze %dma_wait3A_43 : memref<1x128xi32, #tpu.memory_space<vmem>> -> memref<128xi32, #tpu.memory_space<vmem>>
        %dma_wait3A_45 = arith.constant 0 : i32
        %dma_wait3A_46 = arith.constant 0 : i32
        %dma_wait3A_47 = tpu.memref_slice %arg4[%dma_wait3A_45, %dma_wait3A_46] : memref<10240x128xf32, #tpu.memory_space<hbm>> -> memref<10240x128xf32, #tpu.memory_space<hbm>>
        tpu.wait_indirect_dma semaphore(%arg11 : memref<!tpu.dma_semaphore, #tpu.memory_space<semaphore_mem>>) src(%dma_wait3A_47 : memref<10240x128xf32, #tpu.memory_space<hbm>>) dst(%dma_wait3A_41 : memref<128x128xf32, #tpu.memory_space<vmem>>)
        %add3A_48 = arith.constant 1 : i32
        %add3A_49 = arith.addi %scan3A_33, %add3A_48 : i32
        %lt3A = arith.constant 104 : i32
        %lt3A_50 = arith.cmpi slt, %add3A_49, %lt3A : i32
        %convert_element_type3A_51 = arith.extui %lt3A_50 : i1 to i32
        %cond3A_52 = arith.constant 0 : i32
        %cond3A_53 = arith.cmpi ne, %convert_element_type3A_51, %cond3A_52 : i32
        scf.if %cond3A_53 {
          %dma_start3A_61 = arith.constant 0 : i32
          %dma_start3A_62 = arith.constant 0 : i32
          %dma_start3A_63 = tpu.memref_slice %arg9[%rem3A_38, %dma_start3A_61, %dma_start3A_62] : memref<2x128x128xf32, #tpu.memory_space<vmem>> -> memref<1x128x128xf32, #tpu.memory_space<vmem>>
          %dma_start3A_64 = tpu.memref_squeeze %dma_start3A_63 : memref<1x128x128xf32, #tpu.memory_space<vmem>> -> memref<128x128xf32, #tpu.memory_space<vmem>>
          %dma_start3A_65 = arith.constant 0 : i32
          %dma_start3A_66 = tpu.memref_slice %arg7[%rem3A_38, %dma_start3A_65] : memref<2x128xi32, #tpu.memory_space<vmem>> -> memref<1x128xi32, #tpu.memory_space<vmem>>
          %dma_start3A_67 = tpu.memref_squeeze %dma_start3A_66 : memref<1x128xi32, #tpu.memory_space<vmem>> -> memref<128xi32, #tpu.memory_space<vmem>>
          %dma_start3A_68 = arith.constant 0 : i32
          %dma_start3A_69 = arith.constant 0 : i32
          %dma_start3A_70 = tpu.memref_slice %arg4[%dma_start3A_68, %dma_start3A_69] : memref<10240x128xf32, #tpu.memory_space<hbm>> -> memref<10240x128xf32, #tpu.memory_space<hbm>>
          tpu.enqueue_indirect_dma source(%dma_start3A_70 : memref<10240x128xf32, #tpu.memory_space<hbm>>) target(%dma_start3A_64 : memref<128x128xf32, #tpu.memory_space<vmem>>) offsets(%dma_start3A_67 : memref<128xi32, #tpu.memory_space<vmem>>) semaphore(%arg11 : memref<!tpu.dma_semaphore, #tpu.memory_space<semaphore_mem>>)
        } else {
        }
        "tpu.region"() ({
          %run_scoped3A_61 = tpu.sem_alloc : memref<!tpu.dma_semaphore, #tpu.memory_space<semaphore_mem>>
          %dma_start3A_62 = arith.constant 0 : i32
          %dma_start3A_63 = arith.constant 0 : i32
          %dma_start3A_64 = tpu.memref_slice %arg9[%rem3A_34, %dma_start3A_62, %dma_start3A_63] : memref<2x128x128xf32, #tpu.memory_space<vmem>> -> memref<1x128x128xf32, #tpu.memory_space<vmem>>
          %dma_start3A_65 = tpu.memref_squeeze %dma_start3A_64 : memref<1x128x128xf32, #tpu.memory_space<vmem>> -> memref<128x128xf32, #tpu.memory_space<vmem>>
          %dma_start3A_66 = arith.constant 0 : i32
          %dma_start3A_67 = tpu.memref_slice %arg8[%scan3A_33, %dma_start3A_66] : memref<104x128xi32, #tpu.memory_space<vmem>> -> memref<1x128xi32, #tpu.memory_space<vmem>>
          %dma_start3A_68 = tpu.memref_squeeze %dma_start3A_67 : memref<1x128xi32, #tpu.memory_space<vmem>> -> memref<128xi32, #tpu.memory_space<vmem>>
          %dma_start3A_69 = arith.constant 0 : i32
          %dma_start3A_70 = arith.constant 0 : i32
          %dma_start3A_71 = tpu.memref_slice %arg10[%dma_start3A_69, %dma_start3A_70] : memref<10240x128xf32, #tpu.memory_space<vmem_shared>> -> memref<10240x128xf32, #tpu.memory_space<vmem_shared>>
          tpu.enqueue_indirect_dma source(%dma_start3A_65 : memref<128x128xf32, #tpu.memory_space<vmem>>) target(%dma_start3A_71 : memref<10240x128xf32, #tpu.memory_space<vmem_shared>>) offsets(%dma_start3A_68 : memref<128xi32, #tpu.memory_space<vmem>>) semaphore(%run_scoped3A_61 : memref<!tpu.dma_semaphore, #tpu.memory_space<semaphore_mem>>) {add = true}
          %dma_wait3A_72 = arith.constant 0 : i32
          %dma_wait3A_73 = arith.constant 0 : i32
          %dma_wait3A_74 = tpu.memref_slice %arg9[%rem3A_34, %dma_wait3A_72, %dma_wait3A_73] : memref<2x128x128xf32, #tpu.memory_space<vmem>> -> memref<1x128x128xf32, #tpu.memory_space<vmem>>
          %dma_wait3A_75 = tpu.memref_squeeze %dma_wait3A_74 : memref<1x128x128xf32, #tpu.memory_space<vmem>> -> memref<128x128xf32, #tpu.memory_space<vmem>>
          %dma_wait3A_76 = arith.constant 0 : i32
          %dma_wait3A_77 = tpu.memref_slice %arg8[%scan3A_33, %dma_wait3A_76] : memref<104x128xi32, #tpu.memory_space<vmem>> -> memref<1x128xi32, #tpu.memory_space<vmem>>
          %dma_wait3A_78 = tpu.memref_squeeze %dma_wait3A_77 : memref<1x128xi32, #tpu.memory_space<vmem>> -> memref<128xi32, #tpu.memory_space<vmem>>
          %dma_wait3A_79 = arith.constant 0 : i32
          %dma_wait3A_80 = arith.constant 0 : i32
          %dma_wait3A_81 = tpu.memref_slice %arg10[%dma_wait3A_79, %dma_wait3A_80] : memref<10240x128xf32, #tpu.memory_space<vmem_shared>> -> memref<10240x128xf32, #tpu.memory_space<vmem_shared>>
          tpu.wait_indirect_dma semaphore(%run_scoped3A_61 : memref<!tpu.dma_semaphore, #tpu.memory_space<semaphore_mem>>) src(%dma_wait3A_75 : memref<128x128xf32, #tpu.memory_space<vmem>>) dst(%dma_wait3A_81 : memref<10240x128xf32, #tpu.memory_space<vmem_shared>>)
          tpu.yield
        }) : () -> ()
        %add3A_54 = arith.constant 2 : i32
        %add3A_55 = arith.addi %scan3A_33, %add3A_54 : i32
        %lt3A_56 = arith.constant 104 : i32
        %lt3A_57 = arith.cmpi slt, %add3A_55, %lt3A_56 : i32
        %convert_element_type3A_58 = arith.extui %lt3A_57 : i1 to i32
        %cond3A_59 = arith.constant 0 : i32
        %cond3A_60 = arith.cmpi ne, %convert_element_type3A_58, %cond3A_59 : i32
        scf.if %cond3A_60 {
          %add3A_61 = arith.addi %mul3A_14, %scan3A_33 : i32
          %add3A_62 = arith.constant 2 : i32
          %add3A_63 = arith.addi %add3A_61, %add3A_62 : i32
          "tpu.region"() ({
            %run_scoped3A_64 = tpu.sem_alloc : memref<!tpu.dma_semaphore, #tpu.memory_space<semaphore_mem>>
            %dma_start3A_65 = arith.constant 0 : i32
            %dma_start3A_66 = tpu.memref_slice %arg7[%rem3A_34, %dma_start3A_65] : memref<2x128xi32, #tpu.memory_space<vmem>> -> memref<1x128xi32, #tpu.memory_space<vmem>>
            %dma_start3A_67 = tpu.memref_squeeze %dma_start3A_66 : memref<1x128xi32, #tpu.memory_space<vmem>> -> memref<128xi32, #tpu.memory_space<vmem>>
            %dma_start3A_68 = arith.constant 0 : i32
            %dma_start3A_69 = tpu.memref_slice %arg2[%add3A_63, %dma_start3A_68] : memref<2608x128xi32, #tpu.memory_space<hbm>> -> memref<1x128xi32, #tpu.memory_space<hbm>>
            %dma_start3A_70 = tpu.memref_squeeze %dma_start3A_69 : memref<1x128xi32, #tpu.memory_space<hbm>> -> memref<128xi32, #tpu.memory_space<hbm>>
            %dma_start3A_71 = arith.constant 0 : i32
            %dma_start3A_72 = tpu.memref_slice %arg7[%rem3A_34, %dma_start3A_71] : memref<2x128xi32, #tpu.memory_space<vmem>> -> memref<1x128xi32, #tpu.memory_space<vmem>>
            %dma_start3A_73 = tpu.memref_squeeze %dma_start3A_72 : memref<1x128xi32, #tpu.memory_space<vmem>> -> memref<128xi32, #tpu.memory_space<vmem>>
            %dma_start3A_74 = arith.constant 0 : i32
            %dma_start3A_75 = tpu.memref_slice %arg2[%add3A_63, %dma_start3A_74] : memref<2608x128xi32, #tpu.memory_space<hbm>> -> memref<1x128xi32, #tpu.memory_space<hbm>>
            %dma_start3A_76 = tpu.memref_squeeze %dma_start3A_75 : memref<1x128xi32, #tpu.memory_space<hbm>> -> memref<128xi32, #tpu.memory_space<hbm>>
            tpu.enqueue_dma source(%dma_start3A_76 : memref<128xi32, #tpu.memory_space<hbm>>) target(%dma_start3A_73 : memref<128xi32, #tpu.memory_space<vmem>>) target_semaphore(%run_scoped3A_64 : memref<!tpu.dma_semaphore, #tpu.memory_space<semaphore_mem>>)
            %dma_wait3A_77 = arith.constant 0 : i32
            %dma_wait3A_78 = tpu.memref_slice %arg7[%rem3A_34, %dma_wait3A_77] : memref<2x128xi32, #tpu.memory_space<vmem>> -> memref<1x128xi32, #tpu.memory_space<vmem>>
            %dma_wait3A_79 = tpu.memref_squeeze %dma_wait3A_78 : memref<1x128xi32, #tpu.memory_space<vmem>> -> memref<128xi32, #tpu.memory_space<vmem>>
            %dma_wait3A_80 = arith.constant 0 : i32
            %dma_wait3A_81 = tpu.memref_slice %arg2[%add3A_63, %dma_wait3A_80] : memref<2608x128xi32, #tpu.memory_space<hbm>> -> memref<1x128xi32, #tpu.memory_space<hbm>>
            %dma_wait3A_82 = tpu.memref_squeeze %dma_wait3A_81 : memref<1x128xi32, #tpu.memory_space<hbm>> -> memref<128xi32, #tpu.memory_space<hbm>>
            %dma_wait3A_83 = arith.constant 0 : i32
            %dma_wait3A_84 = tpu.memref_slice %arg7[%rem3A_34, %dma_wait3A_83] : memref<2x128xi32, #tpu.memory_space<vmem>> -> memref<1x128xi32, #tpu.memory_space<vmem>>
            %dma_wait3A_85 = tpu.memref_squeeze %dma_wait3A_84 : memref<1x128xi32, #tpu.memory_space<vmem>> -> memref<128xi32, #tpu.memory_space<vmem>>
            %dma_wait3A_86 = arith.constant 0 : i32
            %dma_wait3A_87 = tpu.memref_slice %arg2[%add3A_63, %dma_wait3A_86] : memref<2608x128xi32, #tpu.memory_space<hbm>> -> memref<1x128xi32, #tpu.memory_space<hbm>>
            %dma_wait3A_88 = tpu.memref_squeeze %dma_wait3A_87 : memref<1x128xi32, #tpu.memory_space<hbm>> -> memref<128xi32, #tpu.memory_space<hbm>>
            tpu.wait_dma2 semaphore(%run_scoped3A_64 : memref<!tpu.dma_semaphore, #tpu.memory_space<semaphore_mem>>) src(%dma_wait3A_88 : memref<128xi32, #tpu.memory_space<hbm>>) dst(%dma_wait3A_85 : memref<128xi32, #tpu.memory_space<vmem>>)
            tpu.yield
          }) : () -> ()
        } else {
        }
      }
      %scan3A_32 = arith.constant 104 : i32
    } else {
    }
    %eq3A_3 = arith.constant 1 : i32
    %eq3A_4 = arith.cmpi eq, %arg0, %eq3A_3 : i32
    %convert_element_type3A_5 = arith.extui %eq3A_4 : i1 to i32
    %cond3A_6 = arith.constant 0 : i32
    %cond3A_7 = arith.cmpi ne, %convert_element_type3A_5, %cond3A_6 : i32
    scf.if %cond3A_7 {
      %mul3A_13 = arith.constant 56 : i32
      %mul3A_14 = arith.muli %arg1, %mul3A_13 : i32
      %add3A = arith.constant 1664 : i32
      %add3A_15 = arith.addi %add3A, %mul3A_14 : i32
      "tpu.region"() ({
        %run_scoped3A_35 = tpu.sem_alloc : memref<!tpu.dma_semaphore, #tpu.memory_space<semaphore_mem>>
        %dma_start3A_36 = arith.constant 0 : i32
        %dma_start3A_37 = arith.constant 0 : i32
        %dma_start3A_38 = tpu.memref_slice %arg8[%dma_start3A_36, %dma_start3A_37] : memref<104x128xi32, #tpu.memory_space<vmem>> -> memref<56x128xi32, #tpu.memory_space<vmem>>
        %dma_start3A_39 = arith.constant 0 : i32
        %dma_start3A_40 = tpu.memref_slice %arg3[%add3A_15, %dma_start3A_39] : memref<2608x128xi32, #tpu.memory_space<hbm>> -> memref<56x128xi32, #tpu.memory_space<hbm>>
        %dma_start3A_41 = arith.constant 0 : i32
        %dma_start3A_42 = arith.constant 0 : i32
        %dma_start3A_43 = tpu.memref_slice %arg8[%dma_start3A_41, %dma_start3A_42] : memref<104x128xi32, #tpu.memory_space<vmem>> -> memref<56x128xi32, #tpu.memory_space<vmem>>
        %dma_start3A_44 = arith.constant 0 : i32
        %dma_start3A_45 = tpu.memref_slice %arg3[%add3A_15, %dma_start3A_44] : memref<2608x128xi32, #tpu.memory_space<hbm>> -> memref<56x128xi32, #tpu.memory_space<hbm>>
        tpu.enqueue_dma source(%dma_start3A_45 : memref<56x128xi32, #tpu.memory_space<hbm>>) target(%dma_start3A_43 : memref<56x128xi32, #tpu.memory_space<vmem>>) target_semaphore(%run_scoped3A_35 : memref<!tpu.dma_semaphore, #tpu.memory_space<semaphore_mem>>)
        %dma_wait3A = arith.constant 0 : i32
        %dma_wait3A_46 = arith.constant 0 : i32
        %dma_wait3A_47 = tpu.memref_slice %arg8[%dma_wait3A, %dma_wait3A_46] : memref<104x128xi32, #tpu.memory_space<vmem>> -> memref<56x128xi32, #tpu.memory_space<vmem>>
        %dma_wait3A_48 = arith.constant 0 : i32
        %dma_wait3A_49 = tpu.memref_slice %arg3[%add3A_15, %dma_wait3A_48] : memref<2608x128xi32, #tpu.memory_space<hbm>> -> memref<56x128xi32, #tpu.memory_space<hbm>>
        %dma_wait3A_50 = arith.constant 0 : i32
        %dma_wait3A_51 = arith.constant 0 : i32
        %dma_wait3A_52 = tpu.memref_slice %arg8[%dma_wait3A_50, %dma_wait3A_51] : memref<104x128xi32, #tpu.memory_space<vmem>> -> memref<56x128xi32, #tpu.memory_space<vmem>>
        %dma_wait3A_53 = arith.constant 0 : i32
        %dma_wait3A_54 = tpu.memref_slice %arg3[%add3A_15, %dma_wait3A_53] : memref<2608x128xi32, #tpu.memory_space<hbm>> -> memref<56x128xi32, #tpu.memory_space<hbm>>
        tpu.wait_dma2 semaphore(%run_scoped3A_35 : memref<!tpu.dma_semaphore, #tpu.memory_space<semaphore_mem>>) src(%dma_wait3A_54 : memref<56x128xi32, #tpu.memory_space<hbm>>) dst(%dma_wait3A_52 : memref<56x128xi32, #tpu.memory_space<vmem>>)
        tpu.yield
      }) : () -> ()
      %run_scoped3A = arith.constant 0 : i32
      "tpu.region"() ({
        %run_scoped3A_35 = tpu.sem_alloc : memref<!tpu.dma_semaphore, #tpu.memory_space<semaphore_mem>>
        %dma_start3A_36 = arith.constant 0 : i32
        %dma_start3A_37 = tpu.memref_slice %arg7[%run_scoped3A, %dma_start3A_36] : memref<2x128xi32, #tpu.memory_space<vmem>> -> memref<1x128xi32, #tpu.memory_space<vmem>>
        %dma_start3A_38 = tpu.memref_squeeze %dma_start3A_37 : memref<1x128xi32, #tpu.memory_space<vmem>> -> memref<128xi32, #tpu.memory_space<vmem>>
        %dma_start3A_39 = arith.constant 0 : i32
        %dma_start3A_40 = tpu.memref_slice %arg2[%add3A_15, %dma_start3A_39] : memref<2608x128xi32, #tpu.memory_space<hbm>> -> memref<1x128xi32, #tpu.memory_space<hbm>>
        %dma_start3A_41 = tpu.memref_squeeze %dma_start3A_40 : memref<1x128xi32, #tpu.memory_space<hbm>> -> memref<128xi32, #tpu.memory_space<hbm>>
        %dma_start3A_42 = arith.constant 0 : i32
        %dma_start3A_43 = tpu.memref_slice %arg7[%run_scoped3A, %dma_start3A_42] : memref<2x128xi32, #tpu.memory_space<vmem>> -> memref<1x128xi32, #tpu.memory_space<vmem>>
        %dma_start3A_44 = tpu.memref_squeeze %dma_start3A_43 : memref<1x128xi32, #tpu.memory_space<vmem>> -> memref<128xi32, #tpu.memory_space<vmem>>
        %dma_start3A_45 = arith.constant 0 : i32
        %dma_start3A_46 = tpu.memref_slice %arg2[%add3A_15, %dma_start3A_45] : memref<2608x128xi32, #tpu.memory_space<hbm>> -> memref<1x128xi32, #tpu.memory_space<hbm>>
        %dma_start3A_47 = tpu.memref_squeeze %dma_start3A_46 : memref<1x128xi32, #tpu.memory_space<hbm>> -> memref<128xi32, #tpu.memory_space<hbm>>
        tpu.enqueue_dma source(%dma_start3A_47 : memref<128xi32, #tpu.memory_space<hbm>>) target(%dma_start3A_44 : memref<128xi32, #tpu.memory_space<vmem>>) target_semaphore(%run_scoped3A_35 : memref<!tpu.dma_semaphore, #tpu.memory_space<semaphore_mem>>)
        %dma_wait3A = arith.constant 0 : i32
        %dma_wait3A_48 = tpu.memref_slice %arg7[%run_scoped3A, %dma_wait3A] : memref<2x128xi32, #tpu.memory_space<vmem>> -> memref<1x128xi32, #tpu.memory_space<vmem>>
        %dma_wait3A_49 = tpu.memref_squeeze %dma_wait3A_48 : memref<1x128xi32, #tpu.memory_space<vmem>> -> memref<128xi32, #tpu.memory_space<vmem>>
        %dma_wait3A_50 = arith.constant 0 : i32
        %dma_wait3A_51 = tpu.memref_slice %arg2[%add3A_15, %dma_wait3A_50] : memref<2608x128xi32, #tpu.memory_space<hbm>> -> memref<1x128xi32, #tpu.memory_space<hbm>>
        %dma_wait3A_52 = tpu.memref_squeeze %dma_wait3A_51 : memref<1x128xi32, #tpu.memory_space<hbm>> -> memref<128xi32, #tpu.memory_space<hbm>>
        %dma_wait3A_53 = arith.constant 0 : i32
        %dma_wait3A_54 = tpu.memref_slice %arg7[%run_scoped3A, %dma_wait3A_53] : memref<2x128xi32, #tpu.memory_space<vmem>> -> memref<1x128xi32, #tpu.memory_space<vmem>>
        %dma_wait3A_55 = tpu.memref_squeeze %dma_wait3A_54 : memref<1x128xi32, #tpu.memory_space<vmem>> -> memref<128xi32, #tpu.memory_space<vmem>>
        %dma_wait3A_56 = arith.constant 0 : i32
        %dma_wait3A_57 = tpu.memref_slice %arg2[%add3A_15, %dma_wait3A_56] : memref<2608x128xi32, #tpu.memory_space<hbm>> -> memref<1x128xi32, #tpu.memory_space<hbm>>
        %dma_wait3A_58 = tpu.memref_squeeze %dma_wait3A_57 : memref<1x128xi32, #tpu.memory_space<hbm>> -> memref<128xi32, #tpu.memory_space<hbm>>
        tpu.wait_dma2 semaphore(%run_scoped3A_35 : memref<!tpu.dma_semaphore, #tpu.memory_space<semaphore_mem>>) src(%dma_wait3A_58 : memref<128xi32, #tpu.memory_space<hbm>>) dst(%dma_wait3A_55 : memref<128xi32, #tpu.memory_space<vmem>>)
        tpu.yield
      }) : () -> ()
      %dma_start3A = arith.constant 0 : i32
      %dma_start3A_16 = arith.constant 0 : i32
      %dma_start3A_17 = arith.constant 0 : i32
      %dma_start3A_18 = arith.constant 0 : i32
      %dma_start3A_19 = tpu.memref_slice %arg9[%dma_start3A_16, %dma_start3A_17, %dma_start3A_18] : memref<2x128x128xf32, #tpu.memory_space<vmem>> -> memref<1x128x128xf32, #tpu.memory_space<vmem>>
      %dma_start3A_20 = tpu.memref_squeeze %dma_start3A_19 : memref<1x128x128xf32, #tpu.memory_space<vmem>> -> memref<128x128xf32, #tpu.memory_space<vmem>>
      %dma_start3A_21 = arith.constant 0 : i32
      %dma_start3A_22 = tpu.memref_slice %arg7[%dma_start3A, %dma_start3A_21] : memref<2x128xi32, #tpu.memory_space<vmem>> -> memref<1x128xi32, #tpu.memory_space<vmem>>
      %dma_start3A_23 = tpu.memref_squeeze %dma_start3A_22 : memref<1x128xi32, #tpu.memory_space<vmem>> -> memref<128xi32, #tpu.memory_space<vmem>>
      %dma_start3A_24 = arith.constant 0 : i32
      %dma_start3A_25 = arith.constant 0 : i32
      %dma_start3A_26 = tpu.memref_slice %arg4[%dma_start3A_24, %dma_start3A_25] : memref<10240x128xf32, #tpu.memory_space<hbm>> -> memref<10240x128xf32, #tpu.memory_space<hbm>>
      tpu.enqueue_indirect_dma source(%dma_start3A_26 : memref<10240x128xf32, #tpu.memory_space<hbm>>) target(%dma_start3A_20 : memref<128x128xf32, #tpu.memory_space<vmem>>) offsets(%dma_start3A_23 : memref<128xi32, #tpu.memory_space<vmem>>) semaphore(%arg11 : memref<!tpu.dma_semaphore, #tpu.memory_space<semaphore_mem>>)
      %add3A_27 = arith.constant 1 : i32
      %add3A_28 = arith.addi %add3A_15, %add3A_27 : i32
      %run_scoped3A_29 = arith.constant 1 : i32
      "tpu.region"() ({
        %run_scoped3A_35 = tpu.sem_alloc : memref<!tpu.dma_semaphore, #tpu.memory_space<semaphore_mem>>
        %dma_start3A_36 = arith.constant 0 : i32
        %dma_start3A_37 = tpu.memref_slice %arg7[%run_scoped3A_29, %dma_start3A_36] : memref<2x128xi32, #tpu.memory_space<vmem>> -> memref<1x128xi32, #tpu.memory_space<vmem>>
        %dma_start3A_38 = tpu.memref_squeeze %dma_start3A_37 : memref<1x128xi32, #tpu.memory_space<vmem>> -> memref<128xi32, #tpu.memory_space<vmem>>
        %dma_start3A_39 = arith.constant 0 : i32
        %dma_start3A_40 = tpu.memref_slice %arg2[%add3A_28, %dma_start3A_39] : memref<2608x128xi32, #tpu.memory_space<hbm>> -> memref<1x128xi32, #tpu.memory_space<hbm>>
        %dma_start3A_41 = tpu.memref_squeeze %dma_start3A_40 : memref<1x128xi32, #tpu.memory_space<hbm>> -> memref<128xi32, #tpu.memory_space<hbm>>
        %dma_start3A_42 = arith.constant 0 : i32
        %dma_start3A_43 = tpu.memref_slice %arg7[%run_scoped3A_29, %dma_start3A_42] : memref<2x128xi32, #tpu.memory_space<vmem>> -> memref<1x128xi32, #tpu.memory_space<vmem>>
        %dma_start3A_44 = tpu.memref_squeeze %dma_start3A_43 : memref<1x128xi32, #tpu.memory_space<vmem>> -> memref<128xi32, #tpu.memory_space<vmem>>
        %dma_start3A_45 = arith.constant 0 : i32
        %dma_start3A_46 = tpu.memref_slice %arg2[%add3A_28, %dma_start3A_45] : memref<2608x128xi32, #tpu.memory_space<hbm>> -> memref<1x128xi32, #tpu.memory_space<hbm>>
        %dma_start3A_47 = tpu.memref_squeeze %dma_start3A_46 : memref<1x128xi32, #tpu.memory_space<hbm>> -> memref<128xi32, #tpu.memory_space<hbm>>
        tpu.enqueue_dma source(%dma_start3A_47 : memref<128xi32, #tpu.memory_space<hbm>>) target(%dma_start3A_44 : memref<128xi32, #tpu.memory_space<vmem>>) target_semaphore(%run_scoped3A_35 : memref<!tpu.dma_semaphore, #tpu.memory_space<semaphore_mem>>)
        %dma_wait3A = arith.constant 0 : i32
        %dma_wait3A_48 = tpu.memref_slice %arg7[%run_scoped3A_29, %dma_wait3A] : memref<2x128xi32, #tpu.memory_space<vmem>> -> memref<1x128xi32, #tpu.memory_space<vmem>>
        %dma_wait3A_49 = tpu.memref_squeeze %dma_wait3A_48 : memref<1x128xi32, #tpu.memory_space<vmem>> -> memref<128xi32, #tpu.memory_space<vmem>>
        %dma_wait3A_50 = arith.constant 0 : i32
        %dma_wait3A_51 = tpu.memref_slice %arg2[%add3A_28, %dma_wait3A_50] : memref<2608x128xi32, #tpu.memory_space<hbm>> -> memref<1x128xi32, #tpu.memory_space<hbm>>
        %dma_wait3A_52 = tpu.memref_squeeze %dma_wait3A_51 : memref<1x128xi32, #tpu.memory_space<hbm>> -> memref<128xi32, #tpu.memory_space<hbm>>
        %dma_wait3A_53 = arith.constant 0 : i32
        %dma_wait3A_54 = tpu.memref_slice %arg7[%run_scoped3A_29, %dma_wait3A_53] : memref<2x128xi32, #tpu.memory_space<vmem>> -> memref<1x128xi32, #tpu.memory_space<vmem>>
        %dma_wait3A_55 = tpu.memref_squeeze %dma_wait3A_54 : memref<1x128xi32, #tpu.memory_space<vmem>> -> memref<128xi32, #tpu.memory_space<vmem>>
        %dma_wait3A_56 = arith.constant 0 : i32
        %dma_wait3A_57 = tpu.memref_slice %arg2[%add3A_28, %dma_wait3A_56] : memref<2608x128xi32, #tpu.memory_space<hbm>> -> memref<1x128xi32, #tpu.memory_space<hbm>>
        %dma_wait3A_58 = tpu.memref_squeeze %dma_wait3A_57 : memref<1x128xi32, #tpu.memory_space<hbm>> -> memref<128xi32, #tpu.memory_space<hbm>>
        tpu.wait_dma2 semaphore(%run_scoped3A_35 : memref<!tpu.dma_semaphore, #tpu.memory_space<semaphore_mem>>) src(%dma_wait3A_58 : memref<128xi32, #tpu.memory_space<hbm>>) dst(%dma_wait3A_55 : memref<128xi32, #tpu.memory_space<vmem>>)
        tpu.yield
      }) : () -> ()
      %scan3A = arith.constant 0 : i32
      %scan3A_30 = arith.constant 0 : i32
      %scan3A_31 = arith.constant 56 : i32
      %scan3A_32 = arith.addi %scan3A_30, %scan3A_31 : i32
      %scan3A_33 = arith.constant 1 : i32
      scf.for %scan3A_35 = %scan3A_30 to %scan3A_32 step %scan3A_33  : i32 {
        %rem3A = arith.constant 2 : i32
        %rem3A_36 = arith.remsi %scan3A_35, %rem3A : i32
        %add3A_37 = arith.constant 1 : i32
        %add3A_38 = arith.addi %scan3A_35, %add3A_37 : i32
        %rem3A_39 = arith.constant 2 : i32
        %rem3A_40 = arith.remsi %add3A_38, %rem3A_39 : i32
        %dma_wait3A = arith.constant 0 : i32
        %dma_wait3A_41 = arith.constant 0 : i32
        %dma_wait3A_42 = tpu.memref_slice %arg9[%rem3A_36, %dma_wait3A, %dma_wait3A_41] : memref<2x128x128xf32, #tpu.memory_space<vmem>> -> memref<1x128x128xf32, #tpu.memory_space<vmem>>
        %dma_wait3A_43 = tpu.memref_squeeze %dma_wait3A_42 : memref<1x128x128xf32, #tpu.memory_space<vmem>> -> memref<128x128xf32, #tpu.memory_space<vmem>>
        %dma_wait3A_44 = arith.constant 0 : i32
        %dma_wait3A_45 = tpu.memref_slice %arg7[%rem3A_36, %dma_wait3A_44] : memref<2x128xi32, #tpu.memory_space<vmem>> -> memref<1x128xi32, #tpu.memory_space<vmem>>
        %dma_wait3A_46 = tpu.memref_squeeze %dma_wait3A_45 : memref<1x128xi32, #tpu.memory_space<vmem>> -> memref<128xi32, #tpu.memory_space<vmem>>
        %dma_wait3A_47 = arith.constant 0 : i32
        %dma_wait3A_48 = arith.constant 0 : i32
        %dma_wait3A_49 = tpu.memref_slice %arg4[%dma_wait3A_47, %dma_wait3A_48] : memref<10240x128xf32, #tpu.memory_space<hbm>> -> memref<10240x128xf32, #tpu.memory_space<hbm>>
        tpu.wait_indirect_dma semaphore(%arg11 : memref<!tpu.dma_semaphore, #tpu.memory_space<semaphore_mem>>) src(%dma_wait3A_49 : memref<10240x128xf32, #tpu.memory_space<hbm>>) dst(%dma_wait3A_43 : memref<128x128xf32, #tpu.memory_space<vmem>>)
        %add3A_50 = arith.constant 1 : i32
        %add3A_51 = arith.addi %scan3A_35, %add3A_50 : i32
        %lt3A = arith.constant 56 : i32
        %lt3A_52 = arith.cmpi slt, %add3A_51, %lt3A : i32
        %convert_element_type3A_53 = arith.extui %lt3A_52 : i1 to i32
        %cond3A_54 = arith.constant 0 : i32
        %cond3A_55 = arith.cmpi ne, %convert_element_type3A_53, %cond3A_54 : i32
        scf.if %cond3A_55 {
          %dma_start3A_63 = arith.constant 0 : i32
          %dma_start3A_64 = arith.constant 0 : i32
          %dma_start3A_65 = tpu.memref_slice %arg9[%rem3A_40, %dma_start3A_63, %dma_start3A_64] : memref<2x128x128xf32, #tpu.memory_space<vmem>> -> memref<1x128x128xf32, #tpu.memory_space<vmem>>
          %dma_start3A_66 = tpu.memref_squeeze %dma_start3A_65 : memref<1x128x128xf32, #tpu.memory_space<vmem>> -> memref<128x128xf32, #tpu.memory_space<vmem>>
          %dma_start3A_67 = arith.constant 0 : i32
          %dma_start3A_68 = tpu.memref_slice %arg7[%rem3A_40, %dma_start3A_67] : memref<2x128xi32, #tpu.memory_space<vmem>> -> memref<1x128xi32, #tpu.memory_space<vmem>>
          %dma_start3A_69 = tpu.memref_squeeze %dma_start3A_68 : memref<1x128xi32, #tpu.memory_space<vmem>> -> memref<128xi32, #tpu.memory_space<vmem>>
          %dma_start3A_70 = arith.constant 0 : i32
          %dma_start3A_71 = arith.constant 0 : i32
          %dma_start3A_72 = tpu.memref_slice %arg4[%dma_start3A_70, %dma_start3A_71] : memref<10240x128xf32, #tpu.memory_space<hbm>> -> memref<10240x128xf32, #tpu.memory_space<hbm>>
          tpu.enqueue_indirect_dma source(%dma_start3A_72 : memref<10240x128xf32, #tpu.memory_space<hbm>>) target(%dma_start3A_66 : memref<128x128xf32, #tpu.memory_space<vmem>>) offsets(%dma_start3A_69 : memref<128xi32, #tpu.memory_space<vmem>>) semaphore(%arg11 : memref<!tpu.dma_semaphore, #tpu.memory_space<semaphore_mem>>)
        } else {
        }
        "tpu.region"() ({
          %run_scoped3A_63 = tpu.sem_alloc : memref<!tpu.dma_semaphore, #tpu.memory_space<semaphore_mem>>
          %dma_start3A_64 = arith.constant 0 : i32
          %dma_start3A_65 = arith.constant 0 : i32
          %dma_start3A_66 = tpu.memref_slice %arg9[%rem3A_36, %dma_start3A_64, %dma_start3A_65] : memref<2x128x128xf32, #tpu.memory_space<vmem>> -> memref<1x128x128xf32, #tpu.memory_space<vmem>>
          %dma_start3A_67 = tpu.memref_squeeze %dma_start3A_66 : memref<1x128x128xf32, #tpu.memory_space<vmem>> -> memref<128x128xf32, #tpu.memory_space<vmem>>
          %dma_start3A_68 = arith.constant 0 : i32
          %dma_start3A_69 = tpu.memref_slice %arg8[%scan3A_35, %dma_start3A_68] : memref<104x128xi32, #tpu.memory_space<vmem>> -> memref<1x128xi32, #tpu.memory_space<vmem>>
          %dma_start3A_70 = tpu.memref_squeeze %dma_start3A_69 : memref<1x128xi32, #tpu.memory_space<vmem>> -> memref<128xi32, #tpu.memory_space<vmem>>
          %dma_start3A_71 = arith.constant 0 : i32
          %dma_start3A_72 = arith.constant 0 : i32
          %dma_start3A_73 = tpu.memref_slice %arg10[%dma_start3A_71, %dma_start3A_72] : memref<10240x128xf32, #tpu.memory_space<vmem_shared>> -> memref<10240x128xf32, #tpu.memory_space<vmem_shared>>
          tpu.enqueue_indirect_dma source(%dma_start3A_67 : memref<128x128xf32, #tpu.memory_space<vmem>>) target(%dma_start3A_73 : memref<10240x128xf32, #tpu.memory_space<vmem_shared>>) offsets(%dma_start3A_70 : memref<128xi32, #tpu.memory_space<vmem>>) semaphore(%run_scoped3A_63 : memref<!tpu.dma_semaphore, #tpu.memory_space<semaphore_mem>>) {add = true}
          %dma_wait3A_74 = arith.constant 0 : i32
          %dma_wait3A_75 = arith.constant 0 : i32
          %dma_wait3A_76 = tpu.memref_slice %arg9[%rem3A_36, %dma_wait3A_74, %dma_wait3A_75] : memref<2x128x128xf32, #tpu.memory_space<vmem>> -> memref<1x128x128xf32, #tpu.memory_space<vmem>>
          %dma_wait3A_77 = tpu.memref_squeeze %dma_wait3A_76 : memref<1x128x128xf32, #tpu.memory_space<vmem>> -> memref<128x128xf32, #tpu.memory_space<vmem>>
          %dma_wait3A_78 = arith.constant 0 : i32
          %dma_wait3A_79 = tpu.memref_slice %arg8[%scan3A_35, %dma_wait3A_78] : memref<104x128xi32, #tpu.memory_space<vmem>> -> memref<1x128xi32, #tpu.memory_space<vmem>>
          %dma_wait3A_80 = tpu.memref_squeeze %dma_wait3A_79 : memref<1x128xi32, #tpu.memory_space<vmem>> -> memref<128xi32, #tpu.memory_space<vmem>>
          %dma_wait3A_81 = arith.constant 0 : i32
          %dma_wait3A_82 = arith.constant 0 : i32
          %dma_wait3A_83 = tpu.memref_slice %arg10[%dma_wait3A_81, %dma_wait3A_82] : memref<10240x128xf32, #tpu.memory_space<vmem_shared>> -> memref<10240x128xf32, #tpu.memory_space<vmem_shared>>
          tpu.wait_indirect_dma semaphore(%run_scoped3A_63 : memref<!tpu.dma_semaphore, #tpu.memory_space<semaphore_mem>>) src(%dma_wait3A_77 : memref<128x128xf32, #tpu.memory_space<vmem>>) dst(%dma_wait3A_83 : memref<10240x128xf32, #tpu.memory_space<vmem_shared>>)
          tpu.yield
        }) : () -> ()
        %add3A_56 = arith.constant 2 : i32
        %add3A_57 = arith.addi %scan3A_35, %add3A_56 : i32
        %lt3A_58 = arith.constant 56 : i32
        %lt3A_59 = arith.cmpi slt, %add3A_57, %lt3A_58 : i32
        %convert_element_type3A_60 = arith.extui %lt3A_59 : i1 to i32
        %cond3A_61 = arith.constant 0 : i32
        %cond3A_62 = arith.cmpi ne, %convert_element_type3A_60, %cond3A_61 : i32
        scf.if %cond3A_62 {
          %add3A_63 = arith.addi %add3A_15, %scan3A_35 : i32
          %add3A_64 = arith.constant 2 : i32
          %add3A_65 = arith.addi %add3A_63, %add3A_64 : i32
          "tpu.region"() ({
            %run_scoped3A_66 = tpu.sem_alloc : memref<!tpu.dma_semaphore, #tpu.memory_space<semaphore_mem>>
            %dma_start3A_67 = arith.constant 0 : i32
            %dma_start3A_68 = tpu.memref_slice %arg7[%rem3A_36, %dma_start3A_67] : memref<2x128xi32, #tpu.memory_space<vmem>> -> memref<1x128xi32, #tpu.memory_space<vmem>>
            %dma_start3A_69 = tpu.memref_squeeze %dma_start3A_68 : memref<1x128xi32, #tpu.memory_space<vmem>> -> memref<128xi32, #tpu.memory_space<vmem>>
            %dma_start3A_70 = arith.constant 0 : i32
            %dma_start3A_71 = tpu.memref_slice %arg2[%add3A_65, %dma_start3A_70] : memref<2608x128xi32, #tpu.memory_space<hbm>> -> memref<1x128xi32, #tpu.memory_space<hbm>>
            %dma_start3A_72 = tpu.memref_squeeze %dma_start3A_71 : memref<1x128xi32, #tpu.memory_space<hbm>> -> memref<128xi32, #tpu.memory_space<hbm>>
            %dma_start3A_73 = arith.constant 0 : i32
            %dma_start3A_74 = tpu.memref_slice %arg7[%rem3A_36, %dma_start3A_73] : memref<2x128xi32, #tpu.memory_space<vmem>> -> memref<1x128xi32, #tpu.memory_space<vmem>>
            %dma_start3A_75 = tpu.memref_squeeze %dma_start3A_74 : memref<1x128xi32, #tpu.memory_space<vmem>> -> memref<128xi32, #tpu.memory_space<vmem>>
            %dma_start3A_76 = arith.constant 0 : i32
            %dma_start3A_77 = tpu.memref_slice %arg2[%add3A_65, %dma_start3A_76] : memref<2608x128xi32, #tpu.memory_space<hbm>> -> memref<1x128xi32, #tpu.memory_space<hbm>>
            %dma_start3A_78 = tpu.memref_squeeze %dma_start3A_77 : memref<1x128xi32, #tpu.memory_space<hbm>> -> memref<128xi32, #tpu.memory_space<hbm>>
            tpu.enqueue_dma source(%dma_start3A_78 : memref<128xi32, #tpu.memory_space<hbm>>) target(%dma_start3A_75 : memref<128xi32, #tpu.memory_space<vmem>>) target_semaphore(%run_scoped3A_66 : memref<!tpu.dma_semaphore, #tpu.memory_space<semaphore_mem>>)
            %dma_wait3A_79 = arith.constant 0 : i32
            %dma_wait3A_80 = tpu.memref_slice %arg7[%rem3A_36, %dma_wait3A_79] : memref<2x128xi32, #tpu.memory_space<vmem>> -> memref<1x128xi32, #tpu.memory_space<vmem>>
            %dma_wait3A_81 = tpu.memref_squeeze %dma_wait3A_80 : memref<1x128xi32, #tpu.memory_space<vmem>> -> memref<128xi32, #tpu.memory_space<vmem>>
            %dma_wait3A_82 = arith.constant 0 : i32
            %dma_wait3A_83 = tpu.memref_slice %arg2[%add3A_65, %dma_wait3A_82] : memref<2608x128xi32, #tpu.memory_space<hbm>> -> memref<1x128xi32, #tpu.memory_space<hbm>>
            %dma_wait3A_84 = tpu.memref_squeeze %dma_wait3A_83 : memref<1x128xi32, #tpu.memory_space<hbm>> -> memref<128xi32, #tpu.memory_space<hbm>>
            %dma_wait3A_85 = arith.constant 0 : i32
            %dma_wait3A_86 = tpu.memref_slice %arg7[%rem3A_36, %dma_wait3A_85] : memref<2x128xi32, #tpu.memory_space<vmem>> -> memref<1x128xi32, #tpu.memory_space<vmem>>
            %dma_wait3A_87 = tpu.memref_squeeze %dma_wait3A_86 : memref<1x128xi32, #tpu.memory_space<vmem>> -> memref<128xi32, #tpu.memory_space<vmem>>
            %dma_wait3A_88 = arith.constant 0 : i32
            %dma_wait3A_89 = tpu.memref_slice %arg2[%add3A_65, %dma_wait3A_88] : memref<2608x128xi32, #tpu.memory_space<hbm>> -> memref<1x128xi32, #tpu.memory_space<hbm>>
            %dma_wait3A_90 = tpu.memref_squeeze %dma_wait3A_89 : memref<1x128xi32, #tpu.memory_space<hbm>> -> memref<128xi32, #tpu.memory_space<hbm>>
            tpu.wait_dma2 semaphore(%run_scoped3A_66 : memref<!tpu.dma_semaphore, #tpu.memory_space<semaphore_mem>>) src(%dma_wait3A_90 : memref<128xi32, #tpu.memory_space<hbm>>) dst(%dma_wait3A_87 : memref<128xi32, #tpu.memory_space<vmem>>)
            tpu.yield
          }) : () -> ()
        } else {
        }
      }
      %scan3A_34 = arith.constant 56 : i32
    } else {
    }
    %barrier3A_8 = arith.constant 0 : index
    tpu.barrier barrier_id(%barrier3A_8)
    %mul3A_9 = arith.constant 640 : i32
    %mul3A_10 = arith.muli %arg1, %mul3A_9 : i32
    %mul3A_11 = arith.constant 640 : i32
    %mul3A_12 = arith.muli %arg1, %mul3A_11 : i32
    "tpu.region"() ({
      %run_scoped3A = tpu.sem_alloc : memref<!tpu.dma_semaphore, #tpu.memory_space<semaphore_mem>>
      %dma_start3A = arith.constant 0 : i32
      %dma_start3A_13 = tpu.memref_slice %arg6[%arg0, %mul3A_12, %dma_start3A] : memref<2x10240x128xf32, #tpu.memory_space<hbm>> -> memref<1x640x128xf32, #tpu.memory_space<hbm>>
      %dma_start3A_14 = tpu.memref_squeeze %dma_start3A_13 : memref<1x640x128xf32, #tpu.memory_space<hbm>> -> memref<640x128xf32, #tpu.memory_space<hbm>>
      %dma_start3A_15 = arith.constant 0 : i32
      %dma_start3A_16 = tpu.memref_slice %arg10[%mul3A_10, %dma_start3A_15] : memref<10240x128xf32, #tpu.memory_space<vmem_shared>> -> memref<640x128xf32, #tpu.memory_space<vmem_shared>>
      tpu.enqueue_dma source(%dma_start3A_16 : memref<640x128xf32, #tpu.memory_space<vmem_shared>>) target(%dma_start3A_14 : memref<640x128xf32, #tpu.memory_space<hbm>>) target_semaphore(%run_scoped3A : memref<!tpu.dma_semaphore, #tpu.memory_space<semaphore_mem>>)
      %dma_wait3A = arith.constant 0 : i32
      %dma_wait3A_17 = tpu.memref_slice %arg6[%arg0, %mul3A_12, %dma_wait3A] : memref<2x10240x128xf32, #tpu.memory_space<hbm>> -> memref<1x640x128xf32, #tpu.memory_space<hbm>>
      %dma_wait3A_18 = tpu.memref_squeeze %dma_wait3A_17 : memref<1x640x128xf32, #tpu.memory_space<hbm>> -> memref<640x128xf32, #tpu.memory_space<hbm>>
      %dma_wait3A_19 = arith.constant 0 : i32
      %dma_wait3A_20 = tpu.memref_slice %arg10[%mul3A_10, %dma_wait3A_19] : memref<10240x128xf32, #tpu.memory_space<vmem_shared>> -> memref<640x128xf32, #tpu.memory_space<vmem_shared>>
      tpu.wait_dma2 semaphore(%run_scoped3A : memref<!tpu.dma_semaphore, #tpu.memory_space<semaphore_mem>>) src(%dma_wait3A_20 : memref<640x128xf32, #tpu.memory_space<vmem_shared>>) dst(%dma_wait3A_18 : memref<640x128xf32, #tpu.memory_space<hbm>>)
      tpu.yield
    }) : () -> ()
    return
  }
}

#map = affine_map<(d0, d1) -> (0, 0, 0)>
#map1 = affine_map<(d0, d1) -> (0, 0)>
module attributes {stable_mosaic.version = 14 : i64} {
  func.func @_sc_degree(%arg0: i32, %arg1: i32, %arg2: memref<32x79x128xi32, #tpu.memory_space<hbm>>, %arg3: memref<2x10240xf32, #tpu.memory_space<hbm>>, %arg4: memref<79x128xi32, #tpu.memory_space<vmem>>, %arg5: memref<128xf32, #tpu.memory_space<vmem>>, %arg6: memref<640xf32, #tpu.memory_space<vmem>>, %arg7: memref<10240xf32, #tpu.memory_space<vmem_shared>>, %arg8: memref<!tpu.dma_semaphore, #tpu.memory_space<semaphore_mem>>) attributes {dimension_semantics = [#tpu.dimension_semantics<core_parallel>, #tpu.dimension_semantics<subcore_parallel>], iteration_bounds = array<i64: 2, 16>, scalar_prefetch = 0 : i64, scratch_operands = 5 : i64, tpu.core_type = #tpu.core_type<sc_vector_subcore>, window_params = [{transform_indices = #map}, {transform_indices = #map1}]} {
    %mul3A = arith.constant 16 : i32
    %mul3A_0 = arith.muli %arg0, %mul3A : i32
    %add3A = arith.addi %mul3A_0, %arg1 : i32
    "tpu.region"() ({
      %run_scoped3A = tpu.sem_alloc : memref<!tpu.dma_semaphore, #tpu.memory_space<semaphore_mem>>
      %dma_start3A = arith.constant 0 : i32
      %dma_start3A_299 = arith.constant 0 : i32
      %dma_start3A_300 = tpu.memref_slice %arg2[%add3A, %dma_start3A, %dma_start3A_299] : memref<32x79x128xi32, #tpu.memory_space<hbm>> -> memref<1x79x128xi32, #tpu.memory_space<hbm>>
      %dma_start3A_301 = tpu.memref_squeeze %dma_start3A_300 : memref<1x79x128xi32, #tpu.memory_space<hbm>> -> memref<79x128xi32, #tpu.memory_space<hbm>>
      %dma_start3A_302 = arith.constant 0 : i32
      %dma_start3A_303 = arith.constant 0 : i32
      %dma_start3A_304 = tpu.memref_slice %arg2[%add3A, %dma_start3A_302, %dma_start3A_303] : memref<32x79x128xi32, #tpu.memory_space<hbm>> -> memref<1x79x128xi32, #tpu.memory_space<hbm>>
      %dma_start3A_305 = tpu.memref_squeeze %dma_start3A_304 : memref<1x79x128xi32, #tpu.memory_space<hbm>> -> memref<79x128xi32, #tpu.memory_space<hbm>>
      tpu.enqueue_dma source(%dma_start3A_305 : memref<79x128xi32, #tpu.memory_space<hbm>>) target(%arg4 : memref<79x128xi32, #tpu.memory_space<vmem>>) target_semaphore(%run_scoped3A : memref<!tpu.dma_semaphore, #tpu.memory_space<semaphore_mem>>)
      %dma_wait3A = arith.constant 0 : i32
      %dma_wait3A_306 = arith.constant 0 : i32
      %dma_wait3A_307 = tpu.memref_slice %arg2[%add3A, %dma_wait3A, %dma_wait3A_306] : memref<32x79x128xi32, #tpu.memory_space<hbm>> -> memref<1x79x128xi32, #tpu.memory_space<hbm>>
      %dma_wait3A_308 = tpu.memref_squeeze %dma_wait3A_307 : memref<1x79x128xi32, #tpu.memory_space<hbm>> -> memref<79x128xi32, #tpu.memory_space<hbm>>
      %dma_wait3A_309 = arith.constant 0 : i32
      %dma_wait3A_310 = arith.constant 0 : i32
      %dma_wait3A_311 = tpu.memref_slice %arg2[%add3A, %dma_wait3A_309, %dma_wait3A_310] : memref<32x79x128xi32, #tpu.memory_space<hbm>> -> memref<1x79x128xi32, #tpu.memory_space<hbm>>
      %dma_wait3A_312 = tpu.memref_squeeze %dma_wait3A_311 : memref<1x79x128xi32, #tpu.memory_space<hbm>> -> memref<79x128xi32, #tpu.memory_space<hbm>>
      tpu.wait_dma2 semaphore(%run_scoped3A : memref<!tpu.dma_semaphore, #tpu.memory_space<semaphore_mem>>) src(%dma_wait3A_312 : memref<79x128xi32, #tpu.memory_space<hbm>>) dst(%arg4 : memref<79x128xi32, #tpu.memory_space<vmem>>)
      tpu.yield
    }) : () -> ()
    %broadcast_in_dim3A = arith.constant 1.000000e+00 : f32
    %broadcast_in_dim3A_1 = vector.broadcast %broadcast_in_dim3A : f32 to vector<16xf32>
    %swap3A = arith.constant 0 : index
    %swap3A_2 = tpu.vector_load %arg5[%swap3A] {strides = array<i32>} : memref<128xf32, #tpu.memory_space<vmem>>, vector<16xf32>,
    %swap3A_3 = vector.shape_cast %swap3A_2 : vector<16xf32> to vector<16xf32>
    %swap3A_4 = vector.shape_cast %broadcast_in_dim3A_1 : vector<16xf32> to vector<16xf32>
    tpu.vector_store %arg5[%swap3A], %swap3A_4 {strides = array<i32>} : memref<128xf32, #tpu.memory_space<vmem>>, vector<16xf32>,
    %broadcast_in_dim3A_5 = arith.constant 1.000000e+00 : f32
    %broadcast_in_dim3A_6 = vector.broadcast %broadcast_in_dim3A_5 : f32 to vector<16xf32>
    %swap3A_7 = arith.constant 16 : index
    %swap3A_8 = tpu.vector_load %arg5[%swap3A_7] {strides = array<i32>} : memref<128xf32, #tpu.memory_space<vmem>>, vector<16xf32>,
    %swap3A_9 = vector.shape_cast %swap3A_8 : vector<16xf32> to vector<16xf32>
    %swap3A_10 = vector.shape_cast %broadcast_in_dim3A_6 : vector<16xf32> to vector<16xf32>
    tpu.vector_store %arg5[%swap3A_7], %swap3A_10 {strides = array<i32>} : memref<128xf32, #tpu.memory_space<vmem>>, vector<16xf32>,
    %broadcast_in_dim3A_11 = arith.constant 1.000000e+00 : f32
    %broadcast_in_dim3A_12 = vector.broadcast %broadcast_in_dim3A_11 : f32 to vector<16xf32>
    %swap3A_13 = arith.constant 32 : index
    %swap3A_14 = tpu.vector_load %arg5[%swap3A_13] {strides = array<i32>} : memref<128xf32, #tpu.memory_space<vmem>>, vector<16xf32>,
    %swap3A_15 = vector.shape_cast %swap3A_14 : vector<16xf32> to vector<16xf32>
    %swap3A_16 = vector.shape_cast %broadcast_in_dim3A_12 : vector<16xf32> to vector<16xf32>
    tpu.vector_store %arg5[%swap3A_13], %swap3A_16 {strides = array<i32>} : memref<128xf32, #tpu.memory_space<vmem>>, vector<16xf32>,
    %broadcast_in_dim3A_17 = arith.constant 1.000000e+00 : f32
    %broadcast_in_dim3A_18 = vector.broadcast %broadcast_in_dim3A_17 : f32 to vector<16xf32>
    %swap3A_19 = arith.constant 48 : index
    %swap3A_20 = tpu.vector_load %arg5[%swap3A_19] {strides = array<i32>} : memref<128xf32, #tpu.memory_space<vmem>>, vector<16xf32>,
    %swap3A_21 = vector.shape_cast %swap3A_20 : vector<16xf32> to vector<16xf32>
    %swap3A_22 = vector.shape_cast %broadcast_in_dim3A_18 : vector<16xf32> to vector<16xf32>
    tpu.vector_store %arg5[%swap3A_19], %swap3A_22 {strides = array<i32>} : memref<128xf32, #tpu.memory_space<vmem>>, vector<16xf32>,
    %broadcast_in_dim3A_23 = arith.constant 1.000000e+00 : f32
    %broadcast_in_dim3A_24 = vector.broadcast %broadcast_in_dim3A_23 : f32 to vector<16xf32>
    %swap3A_25 = arith.constant 64 : index
    %swap3A_26 = tpu.vector_load %arg5[%swap3A_25] {strides = array<i32>} : memref<128xf32, #tpu.memory_space<vmem>>, vector<16xf32>,
    %swap3A_27 = vector.shape_cast %swap3A_26 : vector<16xf32> to vector<16xf32>
    %swap3A_28 = vector.shape_cast %broadcast_in_dim3A_24 : vector<16xf32> to vector<16xf32>
    tpu.vector_store %arg5[%swap3A_25], %swap3A_28 {strides = array<i32>} : memref<128xf32, #tpu.memory_space<vmem>>, vector<16xf32>,
    %broadcast_in_dim3A_29 = arith.constant 1.000000e+00 : f32
    %broadcast_in_dim3A_30 = vector.broadcast %broadcast_in_dim3A_29 : f32 to vector<16xf32>
    %swap3A_31 = arith.constant 80 : index
    %swap3A_32 = tpu.vector_load %arg5[%swap3A_31] {strides = array<i32>} : memref<128xf32, #tpu.memory_space<vmem>>, vector<16xf32>,
    %swap3A_33 = vector.shape_cast %swap3A_32 : vector<16xf32> to vector<16xf32>
    %swap3A_34 = vector.shape_cast %broadcast_in_dim3A_30 : vector<16xf32> to vector<16xf32>
    tpu.vector_store %arg5[%swap3A_31], %swap3A_34 {strides = array<i32>} : memref<128xf32, #tpu.memory_space<vmem>>, vector<16xf32>,
    %broadcast_in_dim3A_35 = arith.constant 1.000000e+00 : f32
    %broadcast_in_dim3A_36 = vector.broadcast %broadcast_in_dim3A_35 : f32 to vector<16xf32>
    %swap3A_37 = arith.constant 96 : index
    %swap3A_38 = tpu.vector_load %arg5[%swap3A_37] {strides = array<i32>} : memref<128xf32, #tpu.memory_space<vmem>>, vector<16xf32>,
    %swap3A_39 = vector.shape_cast %swap3A_38 : vector<16xf32> to vector<16xf32>
    %swap3A_40 = vector.shape_cast %broadcast_in_dim3A_36 : vector<16xf32> to vector<16xf32>
    tpu.vector_store %arg5[%swap3A_37], %swap3A_40 {strides = array<i32>} : memref<128xf32, #tpu.memory_space<vmem>>, vector<16xf32>,
    %broadcast_in_dim3A_41 = arith.constant 1.000000e+00 : f32
    %broadcast_in_dim3A_42 = vector.broadcast %broadcast_in_dim3A_41 : f32 to vector<16xf32>
    %swap3A_43 = arith.constant 112 : index
    %swap3A_44 = tpu.vector_load %arg5[%swap3A_43] {strides = array<i32>} : memref<128xf32, #tpu.memory_space<vmem>>, vector<16xf32>,
    %swap3A_45 = vector.shape_cast %swap3A_44 : vector<16xf32> to vector<16xf32>
    %swap3A_46 = vector.shape_cast %broadcast_in_dim3A_42 : vector<16xf32> to vector<16xf32>
    tpu.vector_store %arg5[%swap3A_43], %swap3A_46 {strides = array<i32>} : memref<128xf32, #tpu.memory_space<vmem>>, vector<16xf32>,
    %broadcast_in_dim3A_47 = arith.constant 0.000000e+00 : f32
    %broadcast_in_dim3A_48 = vector.broadcast %broadcast_in_dim3A_47 : f32 to vector<16xf32>
    %swap3A_49 = arith.constant 0 : index
    %swap3A_50 = tpu.vector_load %arg6[%swap3A_49] {strides = array<i32>} : memref<640xf32, #tpu.memory_space<vmem>>, vector<16xf32>,
    %swap3A_51 = vector.shape_cast %swap3A_50 : vector<16xf32> to vector<16xf32>
    %swap3A_52 = vector.shape_cast %broadcast_in_dim3A_48 : vector<16xf32> to vector<16xf32>
    tpu.vector_store %arg6[%swap3A_49], %swap3A_52 {strides = array<i32>} : memref<640xf32, #tpu.memory_space<vmem>>, vector<16xf32>,
    %broadcast_in_dim3A_53 = arith.constant 0.000000e+00 : f32
    %broadcast_in_dim3A_54 = vector.broadcast %broadcast_in_dim3A_53 : f32 to vector<16xf32>
    %swap3A_55 = arith.constant 16 : index
    %swap3A_56 = tpu.vector_load %arg6[%swap3A_55] {strides = array<i32>} : memref<640xf32, #tpu.memory_space<vmem>>, vector<16xf32>,
    %swap3A_57 = vector.shape_cast %swap3A_56 : vector<16xf32> to vector<16xf32>
    %swap3A_58 = vector.shape_cast %broadcast_in_dim3A_54 : vector<16xf32> to vector<16xf32>
    tpu.vector_store %arg6[%swap3A_55], %swap3A_58 {strides = array<i32>} : memref<640xf32, #tpu.memory_space<vmem>>, vector<16xf32>,
    %broadcast_in_dim3A_59 = arith.constant 0.000000e+00 : f32
    %broadcast_in_dim3A_60 = vector.broadcast %broadcast_in_dim3A_59 : f32 to vector<16xf32>
    %swap3A_61 = arith.constant 32 : index
    %swap3A_62 = tpu.vector_load %arg6[%swap3A_61] {strides = array<i32>} : memref<640xf32, #tpu.memory_space<vmem>>, vector<16xf32>,
    %swap3A_63 = vector.shape_cast %swap3A_62 : vector<16xf32> to vector<16xf32>
    %swap3A_64 = vector.shape_cast %broadcast_in_dim3A_60 : vector<16xf32> to vector<16xf32>
    tpu.vector_store %arg6[%swap3A_61], %swap3A_64 {strides = array<i32>} : memref<640xf32, #tpu.memory_space<vmem>>, vector<16xf32>,
    %broadcast_in_dim3A_65 = arith.constant 0.000000e+00 : f32
    %broadcast_in_dim3A_66 = vector.broadcast %broadcast_in_dim3A_65 : f32 to vector<16xf32>
    %swap3A_67 = arith.constant 48 : index
    %swap3A_68 = tpu.vector_load %arg6[%swap3A_67] {strides = array<i32>} : memref<640xf32, #tpu.memory_space<vmem>>, vector<16xf32>,
    %swap3A_69 = vector.shape_cast %swap3A_68 : vector<16xf32> to vector<16xf32>
    %swap3A_70 = vector.shape_cast %broadcast_in_dim3A_66 : vector<16xf32> to vector<16xf32>
    tpu.vector_store %arg6[%swap3A_67], %swap3A_70 {strides = array<i32>} : memref<640xf32, #tpu.memory_space<vmem>>, vector<16xf32>,
    %broadcast_in_dim3A_71 = arith.constant 0.000000e+00 : f32
    %broadcast_in_dim3A_72 = vector.broadcast %broadcast_in_dim3A_71 : f32 to vector<16xf32>
    %swap3A_73 = arith.constant 64 : index
    %swap3A_74 = tpu.vector_load %arg6[%swap3A_73] {strides = array<i32>} : memref<640xf32, #tpu.memory_space<vmem>>, vector<16xf32>,
    %swap3A_75 = vector.shape_cast %swap3A_74 : vector<16xf32> to vector<16xf32>
    %swap3A_76 = vector.shape_cast %broadcast_in_dim3A_72 : vector<16xf32> to vector<16xf32>
    tpu.vector_store %arg6[%swap3A_73], %swap3A_76 {strides = array<i32>} : memref<640xf32, #tpu.memory_space<vmem>>, vector<16xf32>,
    %broadcast_in_dim3A_77 = arith.constant 0.000000e+00 : f32
    %broadcast_in_dim3A_78 = vector.broadcast %broadcast_in_dim3A_77 : f32 to vector<16xf32>
    %swap3A_79 = arith.constant 80 : index
    %swap3A_80 = tpu.vector_load %arg6[%swap3A_79] {strides = array<i32>} : memref<640xf32, #tpu.memory_space<vmem>>, vector<16xf32>,
    %swap3A_81 = vector.shape_cast %swap3A_80 : vector<16xf32> to vector<16xf32>
    %swap3A_82 = vector.shape_cast %broadcast_in_dim3A_78 : vector<16xf32> to vector<16xf32>
    tpu.vector_store %arg6[%swap3A_79], %swap3A_82 {strides = array<i32>} : memref<640xf32, #tpu.memory_space<vmem>>, vector<16xf32>,
    %broadcast_in_dim3A_83 = arith.constant 0.000000e+00 : f32
    %broadcast_in_dim3A_84 = vector.broadcast %broadcast_in_dim3A_83 : f32 to vector<16xf32>
    %swap3A_85 = arith.constant 96 : index
    %swap3A_86 = tpu.vector_load %arg6[%swap3A_85] {strides = array<i32>} : memref<640xf32, #tpu.memory_space<vmem>>, vector<16xf32>,
    %swap3A_87 = vector.shape_cast %swap3A_86 : vector<16xf32> to vector<16xf32>
    %swap3A_88 = vector.shape_cast %broadcast_in_dim3A_84 : vector<16xf32> to vector<16xf32>
    tpu.vector_store %arg6[%swap3A_85], %swap3A_88 {strides = array<i32>} : memref<640xf32, #tpu.memory_space<vmem>>, vector<16xf32>,
    %broadcast_in_dim3A_89 = arith.constant 0.000000e+00 : f32
    %broadcast_in_dim3A_90 = vector.broadcast %broadcast_in_dim3A_89 : f32 to vector<16xf32>
    %swap3A_91 = arith.constant 112 : index
    %swap3A_92 = tpu.vector_load %arg6[%swap3A_91] {strides = array<i32>} : memref<640xf32, #tpu.memory_space<vmem>>, vector<16xf32>,
    %swap3A_93 = vector.shape_cast %swap3A_92 : vector<16xf32> to vector<16xf32>
    %swap3A_94 = vector.shape_cast %broadcast_in_dim3A_90 : vector<16xf32> to vector<16xf32>
    tpu.vector_store %arg6[%swap3A_91], %swap3A_94 {strides = array<i32>} : memref<640xf32, #tpu.memory_space<vmem>>, vector<16xf32>,
    %broadcast_in_dim3A_95 = arith.constant 0.000000e+00 : f32
    %broadcast_in_dim3A_96 = vector.broadcast %broadcast_in_dim3A_95 : f32 to vector<16xf32>
    %swap3A_97 = arith.constant 128 : index
    %swap3A_98 = tpu.vector_load %arg6[%swap3A_97] {strides = array<i32>} : memref<640xf32, #tpu.memory_space<vmem>>, vector<16xf32>,
    %swap3A_99 = vector.shape_cast %swap3A_98 : vector<16xf32> to vector<16xf32>
    %swap3A_100 = vector.shape_cast %broadcast_in_dim3A_96 : vector<16xf32> to vector<16xf32>
    tpu.vector_store %arg6[%swap3A_97], %swap3A_100 {strides = array<i32>} : memref<640xf32, #tpu.memory_space<vmem>>, vector<16xf32>,
    %broadcast_in_dim3A_101 = arith.constant 0.000000e+00 : f32
    %broadcast_in_dim3A_102 = vector.broadcast %broadcast_in_dim3A_101 : f32 to vector<16xf32>
    %swap3A_103 = arith.constant 144 : index
    %swap3A_104 = tpu.vector_load %arg6[%swap3A_103] {strides = array<i32>} : memref<640xf32, #tpu.memory_space<vmem>>, vector<16xf32>,
    %swap3A_105 = vector.shape_cast %swap3A_104 : vector<16xf32> to vector<16xf32>
    %swap3A_106 = vector.shape_cast %broadcast_in_dim3A_102 : vector<16xf32> to vector<16xf32>
    tpu.vector_store %arg6[%swap3A_103], %swap3A_106 {strides = array<i32>} : memref<640xf32, #tpu.memory_space<vmem>>, vector<16xf32>,
    %broadcast_in_dim3A_107 = arith.constant 0.000000e+00 : f32
    %broadcast_in_dim3A_108 = vector.broadcast %broadcast_in_dim3A_107 : f32 to vector<16xf32>
    %swap3A_109 = arith.constant 160 : index
    %swap3A_110 = tpu.vector_load %arg6[%swap3A_109] {strides = array<i32>} : memref<640xf32, #tpu.memory_space<vmem>>, vector<16xf32>,
    %swap3A_111 = vector.shape_cast %swap3A_110 : vector<16xf32> to vector<16xf32>
    %swap3A_112 = vector.shape_cast %broadcast_in_dim3A_108 : vector<16xf32> to vector<16xf32>
    tpu.vector_store %arg6[%swap3A_109], %swap3A_112 {strides = array<i32>} : memref<640xf32, #tpu.memory_space<vmem>>, vector<16xf32>,
    %broadcast_in_dim3A_113 = arith.constant 0.000000e+00 : f32
    %broadcast_in_dim3A_114 = vector.broadcast %broadcast_in_dim3A_113 : f32 to vector<16xf32>
    %swap3A_115 = arith.constant 176 : index
    %swap3A_116 = tpu.vector_load %arg6[%swap3A_115] {strides = array<i32>} : memref<640xf32, #tpu.memory_space<vmem>>, vector<16xf32>,
    %swap3A_117 = vector.shape_cast %swap3A_116 : vector<16xf32> to vector<16xf32>
    %swap3A_118 = vector.shape_cast %broadcast_in_dim3A_114 : vector<16xf32> to vector<16xf32>
    tpu.vector_store %arg6[%swap3A_115], %swap3A_118 {strides = array<i32>} : memref<640xf32, #tpu.memory_space<vmem>>, vector<16xf32>,
    %broadcast_in_dim3A_119 = arith.constant 0.000000e+00 : f32
    %broadcast_in_dim3A_120 = vector.broadcast %broadcast_in_dim3A_119 : f32 to vector<16xf32>
    %swap3A_121 = arith.constant 192 : index
    %swap3A_122 = tpu.vector_load %arg6[%swap3A_121] {strides = array<i32>} : memref<640xf32, #tpu.memory_space<vmem>>, vector<16xf32>,
    %swap3A_123 = vector.shape_cast %swap3A_122 : vector<16xf32> to vector<16xf32>
    %swap3A_124 = vector.shape_cast %broadcast_in_dim3A_120 : vector<16xf32> to vector<16xf32>
    tpu.vector_store %arg6[%swap3A_121], %swap3A_124 {strides = array<i32>} : memref<640xf32, #tpu.memory_space<vmem>>, vector<16xf32>,
    %broadcast_in_dim3A_125 = arith.constant 0.000000e+00 : f32
    %broadcast_in_dim3A_126 = vector.broadcast %broadcast_in_dim3A_125 : f32 to vector<16xf32>
    %swap3A_127 = arith.constant 208 : index
    %swap3A_128 = tpu.vector_load %arg6[%swap3A_127] {strides = array<i32>} : memref<640xf32, #tpu.memory_space<vmem>>, vector<16xf32>,
    %swap3A_129 = vector.shape_cast %swap3A_128 : vector<16xf32> to vector<16xf32>
    %swap3A_130 = vector.shape_cast %broadcast_in_dim3A_126 : vector<16xf32> to vector<16xf32>
    tpu.vector_store %arg6[%swap3A_127], %swap3A_130 {strides = array<i32>} : memref<640xf32, #tpu.memory_space<vmem>>, vector<16xf32>,
    %broadcast_in_dim3A_131 = arith.constant 0.000000e+00 : f32
    %broadcast_in_dim3A_132 = vector.broadcast %broadcast_in_dim3A_131 : f32 to vector<16xf32>
    %swap3A_133 = arith.constant 224 : index
    %swap3A_134 = tpu.vector_load %arg6[%swap3A_133] {strides = array<i32>} : memref<640xf32, #tpu.memory_space<vmem>>, vector<16xf32>,
    %swap3A_135 = vector.shape_cast %swap3A_134 : vector<16xf32> to vector<16xf32>
    %swap3A_136 = vector.shape_cast %broadcast_in_dim3A_132 : vector<16xf32> to vector<16xf32>
    tpu.vector_store %arg6[%swap3A_133], %swap3A_136 {strides = array<i32>} : memref<640xf32, #tpu.memory_space<vmem>>, vector<16xf32>,
    %broadcast_in_dim3A_137 = arith.constant 0.000000e+00 : f32
    %broadcast_in_dim3A_138 = vector.broadcast %broadcast_in_dim3A_137 : f32 to vector<16xf32>
    %swap3A_139 = arith.constant 240 : index
    %swap3A_140 = tpu.vector_load %arg6[%swap3A_139] {strides = array<i32>} : memref<640xf32, #tpu.memory_space<vmem>>, vector<16xf32>,
    %swap3A_141 = vector.shape_cast %swap3A_140 : vector<16xf32> to vector<16xf32>
    %swap3A_142 = vector.shape_cast %broadcast_in_dim3A_138 : vector<16xf32> to vector<16xf32>
    tpu.vector_store %arg6[%swap3A_139], %swap3A_142 {strides = array<i32>} : memref<640xf32, #tpu.memory_space<vmem>>, vector<16xf32>,
    %broadcast_in_dim3A_143 = arith.constant 0.000000e+00 : f32
    %broadcast_in_dim3A_144 = vector.broadcast %broadcast_in_dim3A_143 : f32 to vector<16xf32>
    %swap3A_145 = arith.constant 256 : index
    %swap3A_146 = tpu.vector_load %arg6[%swap3A_145] {strides = array<i32>} : memref<640xf32, #tpu.memory_space<vmem>>, vector<16xf32>,
    %swap3A_147 = vector.shape_cast %swap3A_146 : vector<16xf32> to vector<16xf32>
    %swap3A_148 = vector.shape_cast %broadcast_in_dim3A_144 : vector<16xf32> to vector<16xf32>
    tpu.vector_store %arg6[%swap3A_145], %swap3A_148 {strides = array<i32>} : memref<640xf32, #tpu.memory_space<vmem>>, vector<16xf32>,
    %broadcast_in_dim3A_149 = arith.constant 0.000000e+00 : f32
    %broadcast_in_dim3A_150 = vector.broadcast %broadcast_in_dim3A_149 : f32 to vector<16xf32>
    %swap3A_151 = arith.constant 272 : index
    %swap3A_152 = tpu.vector_load %arg6[%swap3A_151] {strides = array<i32>} : memref<640xf32, #tpu.memory_space<vmem>>, vector<16xf32>,
    %swap3A_153 = vector.shape_cast %swap3A_152 : vector<16xf32> to vector<16xf32>
    %swap3A_154 = vector.shape_cast %broadcast_in_dim3A_150 : vector<16xf32> to vector<16xf32>
    tpu.vector_store %arg6[%swap3A_151], %swap3A_154 {strides = array<i32>} : memref<640xf32, #tpu.memory_space<vmem>>, vector<16xf32>,
    %broadcast_in_dim3A_155 = arith.constant 0.000000e+00 : f32
    %broadcast_in_dim3A_156 = vector.broadcast %broadcast_in_dim3A_155 : f32 to vector<16xf32>
    %swap3A_157 = arith.constant 288 : index
    %swap3A_158 = tpu.vector_load %arg6[%swap3A_157] {strides = array<i32>} : memref<640xf32, #tpu.memory_space<vmem>>, vector<16xf32>,
    %swap3A_159 = vector.shape_cast %swap3A_158 : vector<16xf32> to vector<16xf32>
    %swap3A_160 = vector.shape_cast %broadcast_in_dim3A_156 : vector<16xf32> to vector<16xf32>
    tpu.vector_store %arg6[%swap3A_157], %swap3A_160 {strides = array<i32>} : memref<640xf32, #tpu.memory_space<vmem>>, vector<16xf32>,
    %broadcast_in_dim3A_161 = arith.constant 0.000000e+00 : f32
    %broadcast_in_dim3A_162 = vector.broadcast %broadcast_in_dim3A_161 : f32 to vector<16xf32>
    %swap3A_163 = arith.constant 304 : index
    %swap3A_164 = tpu.vector_load %arg6[%swap3A_163] {strides = array<i32>} : memref<640xf32, #tpu.memory_space<vmem>>, vector<16xf32>,
    %swap3A_165 = vector.shape_cast %swap3A_164 : vector<16xf32> to vector<16xf32>
    %swap3A_166 = vector.shape_cast %broadcast_in_dim3A_162 : vector<16xf32> to vector<16xf32>
    tpu.vector_store %arg6[%swap3A_163], %swap3A_166 {strides = array<i32>} : memref<640xf32, #tpu.memory_space<vmem>>, vector<16xf32>,
    %broadcast_in_dim3A_167 = arith.constant 0.000000e+00 : f32
    %broadcast_in_dim3A_168 = vector.broadcast %broadcast_in_dim3A_167 : f32 to vector<16xf32>
    %swap3A_169 = arith.constant 320 : index
    %swap3A_170 = tpu.vector_load %arg6[%swap3A_169] {strides = array<i32>} : memref<640xf32, #tpu.memory_space<vmem>>, vector<16xf32>,
    %swap3A_171 = vector.shape_cast %swap3A_170 : vector<16xf32> to vector<16xf32>
    %swap3A_172 = vector.shape_cast %broadcast_in_dim3A_168 : vector<16xf32> to vector<16xf32>
    tpu.vector_store %arg6[%swap3A_169], %swap3A_172 {strides = array<i32>} : memref<640xf32, #tpu.memory_space<vmem>>, vector<16xf32>,
    %broadcast_in_dim3A_173 = arith.constant 0.000000e+00 : f32
    %broadcast_in_dim3A_174 = vector.broadcast %broadcast_in_dim3A_173 : f32 to vector<16xf32>
    %swap3A_175 = arith.constant 336 : index
    %swap3A_176 = tpu.vector_load %arg6[%swap3A_175] {strides = array<i32>} : memref<640xf32, #tpu.memory_space<vmem>>, vector<16xf32>,
    %swap3A_177 = vector.shape_cast %swap3A_176 : vector<16xf32> to vector<16xf32>
    %swap3A_178 = vector.shape_cast %broadcast_in_dim3A_174 : vector<16xf32> to vector<16xf32>
    tpu.vector_store %arg6[%swap3A_175], %swap3A_178 {strides = array<i32>} : memref<640xf32, #tpu.memory_space<vmem>>, vector<16xf32>,
    %broadcast_in_dim3A_179 = arith.constant 0.000000e+00 : f32
    %broadcast_in_dim3A_180 = vector.broadcast %broadcast_in_dim3A_179 : f32 to vector<16xf32>
    %swap3A_181 = arith.constant 352 : index
    %swap3A_182 = tpu.vector_load %arg6[%swap3A_181] {strides = array<i32>} : memref<640xf32, #tpu.memory_space<vmem>>, vector<16xf32>,
    %swap3A_183 = vector.shape_cast %swap3A_182 : vector<16xf32> to vector<16xf32>
    %swap3A_184 = vector.shape_cast %broadcast_in_dim3A_180 : vector<16xf32> to vector<16xf32>
    tpu.vector_store %arg6[%swap3A_181], %swap3A_184 {strides = array<i32>} : memref<640xf32, #tpu.memory_space<vmem>>, vector<16xf32>,
    %broadcast_in_dim3A_185 = arith.constant 0.000000e+00 : f32
    %broadcast_in_dim3A_186 = vector.broadcast %broadcast_in_dim3A_185 : f32 to vector<16xf32>
    %swap3A_187 = arith.constant 368 : index
    %swap3A_188 = tpu.vector_load %arg6[%swap3A_187] {strides = array<i32>} : memref<640xf32, #tpu.memory_space<vmem>>, vector<16xf32>,
    %swap3A_189 = vector.shape_cast %swap3A_188 : vector<16xf32> to vector<16xf32>
    %swap3A_190 = vector.shape_cast %broadcast_in_dim3A_186 : vector<16xf32> to vector<16xf32>
    tpu.vector_store %arg6[%swap3A_187], %swap3A_190 {strides = array<i32>} : memref<640xf32, #tpu.memory_space<vmem>>, vector<16xf32>,
    %broadcast_in_dim3A_191 = arith.constant 0.000000e+00 : f32
    %broadcast_in_dim3A_192 = vector.broadcast %broadcast_in_dim3A_191 : f32 to vector<16xf32>
    %swap3A_193 = arith.constant 384 : index
    %swap3A_194 = tpu.vector_load %arg6[%swap3A_193] {strides = array<i32>} : memref<640xf32, #tpu.memory_space<vmem>>, vector<16xf32>,
    %swap3A_195 = vector.shape_cast %swap3A_194 : vector<16xf32> to vector<16xf32>
    %swap3A_196 = vector.shape_cast %broadcast_in_dim3A_192 : vector<16xf32> to vector<16xf32>
    tpu.vector_store %arg6[%swap3A_193], %swap3A_196 {strides = array<i32>} : memref<640xf32, #tpu.memory_space<vmem>>, vector<16xf32>,
    %broadcast_in_dim3A_197 = arith.constant 0.000000e+00 : f32
    %broadcast_in_dim3A_198 = vector.broadcast %broadcast_in_dim3A_197 : f32 to vector<16xf32>
    %swap3A_199 = arith.constant 400 : index
    %swap3A_200 = tpu.vector_load %arg6[%swap3A_199] {strides = array<i32>} : memref<640xf32, #tpu.memory_space<vmem>>, vector<16xf32>,
    %swap3A_201 = vector.shape_cast %swap3A_200 : vector<16xf32> to vector<16xf32>
    %swap3A_202 = vector.shape_cast %broadcast_in_dim3A_198 : vector<16xf32> to vector<16xf32>
    tpu.vector_store %arg6[%swap3A_199], %swap3A_202 {strides = array<i32>} : memref<640xf32, #tpu.memory_space<vmem>>, vector<16xf32>,
    %broadcast_in_dim3A_203 = arith.constant 0.000000e+00 : f32
    %broadcast_in_dim3A_204 = vector.broadcast %broadcast_in_dim3A_203 : f32 to vector<16xf32>
    %swap3A_205 = arith.constant 416 : index
    %swap3A_206 = tpu.vector_load %arg6[%swap3A_205] {strides = array<i32>} : memref<640xf32, #tpu.memory_space<vmem>>, vector<16xf32>,
    %swap3A_207 = vector.shape_cast %swap3A_206 : vector<16xf32> to vector<16xf32>
    %swap3A_208 = vector.shape_cast %broadcast_in_dim3A_204 : vector<16xf32> to vector<16xf32>
    tpu.vector_store %arg6[%swap3A_205], %swap3A_208 {strides = array<i32>} : memref<640xf32, #tpu.memory_space<vmem>>, vector<16xf32>,
    %broadcast_in_dim3A_209 = arith.constant 0.000000e+00 : f32
    %broadcast_in_dim3A_210 = vector.broadcast %broadcast_in_dim3A_209 : f32 to vector<16xf32>
    %swap3A_211 = arith.constant 432 : index
    %swap3A_212 = tpu.vector_load %arg6[%swap3A_211] {strides = array<i32>} : memref<640xf32, #tpu.memory_space<vmem>>, vector<16xf32>,
    %swap3A_213 = vector.shape_cast %swap3A_212 : vector<16xf32> to vector<16xf32>
    %swap3A_214 = vector.shape_cast %broadcast_in_dim3A_210 : vector<16xf32> to vector<16xf32>
    tpu.vector_store %arg6[%swap3A_211], %swap3A_214 {strides = array<i32>} : memref<640xf32, #tpu.memory_space<vmem>>, vector<16xf32>,
    %broadcast_in_dim3A_215 = arith.constant 0.000000e+00 : f32
    %broadcast_in_dim3A_216 = vector.broadcast %broadcast_in_dim3A_215 : f32 to vector<16xf32>
    %swap3A_217 = arith.constant 448 : index
    %swap3A_218 = tpu.vector_load %arg6[%swap3A_217] {strides = array<i32>} : memref<640xf32, #tpu.memory_space<vmem>>, vector<16xf32>,
    %swap3A_219 = vector.shape_cast %swap3A_218 : vector<16xf32> to vector<16xf32>
    %swap3A_220 = vector.shape_cast %broadcast_in_dim3A_216 : vector<16xf32> to vector<16xf32>
    tpu.vector_store %arg6[%swap3A_217], %swap3A_220 {strides = array<i32>} : memref<640xf32, #tpu.memory_space<vmem>>, vector<16xf32>,
    %broadcast_in_dim3A_221 = arith.constant 0.000000e+00 : f32
    %broadcast_in_dim3A_222 = vector.broadcast %broadcast_in_dim3A_221 : f32 to vector<16xf32>
    %swap3A_223 = arith.constant 464 : index
    %swap3A_224 = tpu.vector_load %arg6[%swap3A_223] {strides = array<i32>} : memref<640xf32, #tpu.memory_space<vmem>>, vector<16xf32>,
    %swap3A_225 = vector.shape_cast %swap3A_224 : vector<16xf32> to vector<16xf32>
    %swap3A_226 = vector.shape_cast %broadcast_in_dim3A_222 : vector<16xf32> to vector<16xf32>
    tpu.vector_store %arg6[%swap3A_223], %swap3A_226 {strides = array<i32>} : memref<640xf32, #tpu.memory_space<vmem>>, vector<16xf32>,
    %broadcast_in_dim3A_227 = arith.constant 0.000000e+00 : f32
    %broadcast_in_dim3A_228 = vector.broadcast %broadcast_in_dim3A_227 : f32 to vector<16xf32>
    %swap3A_229 = arith.constant 480 : index
    %swap3A_230 = tpu.vector_load %arg6[%swap3A_229] {strides = array<i32>} : memref<640xf32, #tpu.memory_space<vmem>>, vector<16xf32>,
    %swap3A_231 = vector.shape_cast %swap3A_230 : vector<16xf32> to vector<16xf32>
    %swap3A_232 = vector.shape_cast %broadcast_in_dim3A_228 : vector<16xf32> to vector<16xf32>
    tpu.vector_store %arg6[%swap3A_229], %swap3A_232 {strides = array<i32>} : memref<640xf32, #tpu.memory_space<vmem>>, vector<16xf32>,
    %broadcast_in_dim3A_233 = arith.constant 0.000000e+00 : f32
    %broadcast_in_dim3A_234 = vector.broadcast %broadcast_in_dim3A_233 : f32 to vector<16xf32>
    %swap3A_235 = arith.constant 496 : index
    %swap3A_236 = tpu.vector_load %arg6[%swap3A_235] {strides = array<i32>} : memref<640xf32, #tpu.memory_space<vmem>>, vector<16xf32>,
    %swap3A_237 = vector.shape_cast %swap3A_236 : vector<16xf32> to vector<16xf32>
    %swap3A_238 = vector.shape_cast %broadcast_in_dim3A_234 : vector<16xf32> to vector<16xf32>
    tpu.vector_store %arg6[%swap3A_235], %swap3A_238 {strides = array<i32>} : memref<640xf32, #tpu.memory_space<vmem>>, vector<16xf32>,
    %broadcast_in_dim3A_239 = arith.constant 0.000000e+00 : f32
    %broadcast_in_dim3A_240 = vector.broadcast %broadcast_in_dim3A_239 : f32 to vector<16xf32>
    %swap3A_241 = arith.constant 512 : index
    %swap3A_242 = tpu.vector_load %arg6[%swap3A_241] {strides = array<i32>} : memref<640xf32, #tpu.memory_space<vmem>>, vector<16xf32>,
    %swap3A_243 = vector.shape_cast %swap3A_242 : vector<16xf32> to vector<16xf32>
    %swap3A_244 = vector.shape_cast %broadcast_in_dim3A_240 : vector<16xf32> to vector<16xf32>
    tpu.vector_store %arg6[%swap3A_241], %swap3A_244 {strides = array<i32>} : memref<640xf32, #tpu.memory_space<vmem>>, vector<16xf32>,
    %broadcast_in_dim3A_245 = arith.constant 0.000000e+00 : f32
    %broadcast_in_dim3A_246 = vector.broadcast %broadcast_in_dim3A_245 : f32 to vector<16xf32>
    %swap3A_247 = arith.constant 528 : index
    %swap3A_248 = tpu.vector_load %arg6[%swap3A_247] {strides = array<i32>} : memref<640xf32, #tpu.memory_space<vmem>>, vector<16xf32>,
    %swap3A_249 = vector.shape_cast %swap3A_248 : vector<16xf32> to vector<16xf32>
    %swap3A_250 = vector.shape_cast %broadcast_in_dim3A_246 : vector<16xf32> to vector<16xf32>
    tpu.vector_store %arg6[%swap3A_247], %swap3A_250 {strides = array<i32>} : memref<640xf32, #tpu.memory_space<vmem>>, vector<16xf32>,
    %broadcast_in_dim3A_251 = arith.constant 0.000000e+00 : f32
    %broadcast_in_dim3A_252 = vector.broadcast %broadcast_in_dim3A_251 : f32 to vector<16xf32>
    %swap3A_253 = arith.constant 544 : index
    %swap3A_254 = tpu.vector_load %arg6[%swap3A_253] {strides = array<i32>} : memref<640xf32, #tpu.memory_space<vmem>>, vector<16xf32>,
    %swap3A_255 = vector.shape_cast %swap3A_254 : vector<16xf32> to vector<16xf32>
    %swap3A_256 = vector.shape_cast %broadcast_in_dim3A_252 : vector<16xf32> to vector<16xf32>
    tpu.vector_store %arg6[%swap3A_253], %swap3A_256 {strides = array<i32>} : memref<640xf32, #tpu.memory_space<vmem>>, vector<16xf32>,
    %broadcast_in_dim3A_257 = arith.constant 0.000000e+00 : f32
    %broadcast_in_dim3A_258 = vector.broadcast %broadcast_in_dim3A_257 : f32 to vector<16xf32>
    %swap3A_259 = arith.constant 560 : index
    %swap3A_260 = tpu.vector_load %arg6[%swap3A_259] {strides = array<i32>} : memref<640xf32, #tpu.memory_space<vmem>>, vector<16xf32>,
    %swap3A_261 = vector.shape_cast %swap3A_260 : vector<16xf32> to vector<16xf32>
    %swap3A_262 = vector.shape_cast %broadcast_in_dim3A_258 : vector<16xf32> to vector<16xf32>
    tpu.vector_store %arg6[%swap3A_259], %swap3A_262 {strides = array<i32>} : memref<640xf32, #tpu.memory_space<vmem>>, vector<16xf32>,
    %broadcast_in_dim3A_263 = arith.constant 0.000000e+00 : f32
    %broadcast_in_dim3A_264 = vector.broadcast %broadcast_in_dim3A_263 : f32 to vector<16xf32>
    %swap3A_265 = arith.constant 576 : index
    %swap3A_266 = tpu.vector_load %arg6[%swap3A_265] {strides = array<i32>} : memref<640xf32, #tpu.memory_space<vmem>>, vector<16xf32>,
    %swap3A_267 = vector.shape_cast %swap3A_266 : vector<16xf32> to vector<16xf32>
    %swap3A_268 = vector.shape_cast %broadcast_in_dim3A_264 : vector<16xf32> to vector<16xf32>
    tpu.vector_store %arg6[%swap3A_265], %swap3A_268 {strides = array<i32>} : memref<640xf32, #tpu.memory_space<vmem>>, vector<16xf32>,
    %broadcast_in_dim3A_269 = arith.constant 0.000000e+00 : f32
    %broadcast_in_dim3A_270 = vector.broadcast %broadcast_in_dim3A_269 : f32 to vector<16xf32>
    %swap3A_271 = arith.constant 592 : index
    %swap3A_272 = tpu.vector_load %arg6[%swap3A_271] {strides = array<i32>} : memref<640xf32, #tpu.memory_space<vmem>>, vector<16xf32>,
    %swap3A_273 = vector.shape_cast %swap3A_272 : vector<16xf32> to vector<16xf32>
    %swap3A_274 = vector.shape_cast %broadcast_in_dim3A_270 : vector<16xf32> to vector<16xf32>
    tpu.vector_store %arg6[%swap3A_271], %swap3A_274 {strides = array<i32>} : memref<640xf32, #tpu.memory_space<vmem>>, vector<16xf32>,
    %broadcast_in_dim3A_275 = arith.constant 0.000000e+00 : f32
    %broadcast_in_dim3A_276 = vector.broadcast %broadcast_in_dim3A_275 : f32 to vector<16xf32>
    %swap3A_277 = arith.constant 608 : index
    %swap3A_278 = tpu.vector_load %arg6[%swap3A_277] {strides = array<i32>} : memref<640xf32, #tpu.memory_space<vmem>>, vector<16xf32>,
    %swap3A_279 = vector.shape_cast %swap3A_278 : vector<16xf32> to vector<16xf32>
    %swap3A_280 = vector.shape_cast %broadcast_in_dim3A_276 : vector<16xf32> to vector<16xf32>
    tpu.vector_store %arg6[%swap3A_277], %swap3A_280 {strides = array<i32>} : memref<640xf32, #tpu.memory_space<vmem>>, vector<16xf32>,
    %broadcast_in_dim3A_281 = arith.constant 0.000000e+00 : f32
    %broadcast_in_dim3A_282 = vector.broadcast %broadcast_in_dim3A_281 : f32 to vector<16xf32>
    %swap3A_283 = arith.constant 624 : index
    %swap3A_284 = tpu.vector_load %arg6[%swap3A_283] {strides = array<i32>} : memref<640xf32, #tpu.memory_space<vmem>>, vector<16xf32>,
    %swap3A_285 = vector.shape_cast %swap3A_284 : vector<16xf32> to vector<16xf32>
    %swap3A_286 = vector.shape_cast %broadcast_in_dim3A_282 : vector<16xf32> to vector<16xf32>
    tpu.vector_store %arg6[%swap3A_283], %swap3A_286 {strides = array<i32>} : memref<640xf32, #tpu.memory_space<vmem>>, vector<16xf32>,
    %mul3A_287 = arith.constant 640 : i32
    %mul3A_288 = arith.muli %arg1, %mul3A_287 : i32
    "tpu.region"() ({
      %run_scoped3A = tpu.sem_alloc : memref<!tpu.dma_semaphore, #tpu.memory_space<semaphore_mem>>
      %dma_start3A = tpu.memref_slice %arg7[%mul3A_288] : memref<10240xf32, #tpu.memory_space<vmem_shared>> -> memref<640xf32, #tpu.memory_space<vmem_shared>>
      %dma_start3A_299 = tpu.memref_slice %arg7[%mul3A_288] : memref<10240xf32, #tpu.memory_space<vmem_shared>> -> memref<640xf32, #tpu.memory_space<vmem_shared>>
      tpu.enqueue_dma source(%arg6 : memref<640xf32, #tpu.memory_space<vmem>>) target(%dma_start3A_299 : memref<640xf32, #tpu.memory_space<vmem_shared>>) target_semaphore(%run_scoped3A : memref<!tpu.dma_semaphore, #tpu.memory_space<semaphore_mem>>)
      %dma_wait3A = tpu.memref_slice %arg7[%mul3A_288] : memref<10240xf32, #tpu.memory_space<vmem_shared>> -> memref<640xf32, #tpu.memory_space<vmem_shared>>
      %dma_wait3A_300 = tpu.memref_slice %arg7[%mul3A_288] : memref<10240xf32, #tpu.memory_space<vmem_shared>> -> memref<640xf32, #tpu.memory_space<vmem_shared>>
      tpu.wait_dma2 semaphore(%run_scoped3A : memref<!tpu.dma_semaphore, #tpu.memory_space<semaphore_mem>>) src(%arg6 : memref<640xf32, #tpu.memory_space<vmem>>) dst(%dma_wait3A_300 : memref<640xf32, #tpu.memory_space<vmem_shared>>)
      tpu.yield
    }) : () -> ()
    %barrier3A = arith.constant 0 : index
    tpu.barrier barrier_id(%barrier3A)
    %scan3A = arith.constant 0 : i32
    %scan3A_289 = arith.constant 0 : i32
    %scan3A_290 = arith.constant 79 : i32
    %scan3A_291 = arith.addi %scan3A_289, %scan3A_290 : i32
    %scan3A_292 = arith.constant 1 : i32
    scf.for %scan3A_299 = %scan3A_289 to %scan3A_291 step %scan3A_292  : i32 {
      "tpu.region"() ({
        %run_scoped3A = tpu.sem_alloc : memref<!tpu.dma_semaphore, #tpu.memory_space<semaphore_mem>>
        %dma_start3A = arith.constant 0 : i32
        %dma_start3A_300 = tpu.memref_slice %arg4[%scan3A_299, %dma_start3A] : memref<79x128xi32, #tpu.memory_space<vmem>> -> memref<1x128xi32, #tpu.memory_space<vmem>>
        %dma_start3A_301 = tpu.memref_squeeze %dma_start3A_300 : memref<1x128xi32, #tpu.memory_space<vmem>> -> memref<128xi32, #tpu.memory_space<vmem>>
        %dma_start3A_302 = arith.constant 0 : i32
        %dma_start3A_303 = tpu.memref_slice %arg7[%dma_start3A_302] : memref<10240xf32, #tpu.memory_space<vmem_shared>> -> memref<10240xf32, #tpu.memory_space<vmem_shared>>
        tpu.enqueue_indirect_dma source(%arg5 : memref<128xf32, #tpu.memory_space<vmem>>) target(%dma_start3A_303 : memref<10240xf32, #tpu.memory_space<vmem_shared>>) offsets(%dma_start3A_301 : memref<128xi32, #tpu.memory_space<vmem>>) semaphore(%run_scoped3A : memref<!tpu.dma_semaphore, #tpu.memory_space<semaphore_mem>>) {add = true}
        %dma_wait3A = arith.constant 0 : i32
        %dma_wait3A_304 = tpu.memref_slice %arg4[%scan3A_299, %dma_wait3A] : memref<79x128xi32, #tpu.memory_space<vmem>> -> memref<1x128xi32, #tpu.memory_space<vmem>>
        %dma_wait3A_305 = tpu.memref_squeeze %dma_wait3A_304 : memref<1x128xi32, #tpu.memory_space<vmem>> -> memref<128xi32, #tpu.memory_space<vmem>>
        %dma_wait3A_306 = arith.constant 0 : i32
        %dma_wait3A_307 = tpu.memref_slice %arg7[%dma_wait3A_306] : memref<10240xf32, #tpu.memory_space<vmem_shared>> -> memref<10240xf32, #tpu.memory_space<vmem_shared>>
        tpu.wait_indirect_dma semaphore(%run_scoped3A : memref<!tpu.dma_semaphore, #tpu.memory_space<semaphore_mem>>) src(%arg5 : memref<128xf32, #tpu.memory_space<vmem>>) dst(%dma_wait3A_307 : memref<10240xf32, #tpu.memory_space<vmem_shared>>)
        tpu.yield
      }) : () -> ()
    }
    %scan3A_293 = arith.constant 79 : i32
    %barrier3A_294 = arith.constant 0 : index
    tpu.barrier barrier_id(%barrier3A_294)
    %mul3A_295 = arith.constant 640 : i32
    %mul3A_296 = arith.muli %arg1, %mul3A_295 : i32
    %mul3A_297 = arith.constant 640 : i32
    %mul3A_298 = arith.muli %arg1, %mul3A_297 : i32
    "tpu.region"() ({
      %run_scoped3A = tpu.sem_alloc : memref<!tpu.dma_semaphore, #tpu.memory_space<semaphore_mem>>
      %dma_start3A = tpu.memref_slice %arg3[%arg0, %mul3A_298] : memref<2x10240xf32, #tpu.memory_space<hbm>> -> memref<1x640xf32, #tpu.memory_space<hbm>>
      %dma_start3A_299 = tpu.memref_squeeze %dma_start3A : memref<1x640xf32, #tpu.memory_space<hbm>> -> memref<640xf32, #tpu.memory_space<hbm>>
      %dma_start3A_300 = tpu.memref_slice %arg7[%mul3A_296] : memref<10240xf32, #tpu.memory_space<vmem_shared>> -> memref<640xf32, #tpu.memory_space<vmem_shared>>
      tpu.enqueue_dma source(%dma_start3A_300 : memref<640xf32, #tpu.memory_space<vmem_shared>>) target(%dma_start3A_299 : memref<640xf32, #tpu.memory_space<hbm>>) target_semaphore(%run_scoped3A : memref<!tpu.dma_semaphore, #tpu.memory_space<semaphore_mem>>)
      %dma_wait3A = tpu.memref_slice %arg3[%arg0, %mul3A_298] : memref<2x10240xf32, #tpu.memory_space<hbm>> -> memref<1x640xf32, #tpu.memory_space<hbm>>
      %dma_wait3A_301 = tpu.memref_squeeze %dma_wait3A : memref<1x640xf32, #tpu.memory_space<hbm>> -> memref<640xf32, #tpu.memory_space<hbm>>
      %dma_wait3A_302 = tpu.memref_slice %arg7[%mul3A_296] : memref<10240xf32, #tpu.memory_space<vmem_shared>> -> memref<640xf32, #tpu.memory_space<vmem_shared>>
      tpu.wait_dma2 semaphore(%run_scoped3A : memref<!tpu.dma_semaphore, #tpu.memory_space<semaphore_mem>>) src(%dma_wait3A_302 : memref<640xf32, #tpu.memory_space<vmem_shared>>) dst(%dma_wait3A_301 : memref<640xf32, #tpu.memory_space<hbm>>)
      tpu.yield
    }) : () -> ()
    return
  }
}

#map = affine_map<(d0, d1) -> (0, 0)>
#map1 = affine_map<(d0, d1) -> (0, 0, 0)>
module attributes {stable_mosaic.version = 14 : i64} {
  func.func @_sc_layer(%arg0: i32, %arg1: i32, %arg2: memref<2608x128xi32, #tpu.memory_space<hbm>>, %arg3: memref<2608x128xi32, #tpu.memory_space<hbm>>, %arg4: memref<10240x128xf32, #tpu.memory_space<hbm>>, %arg5: memref<640x128xf32, #tpu.memory_space<hbm>>, %arg6: memref<2x10240x128xf32, #tpu.memory_space<hbm>>, %arg7: memref<2x128xi32, #tpu.memory_space<vmem>>, %arg8: memref<104x128xi32, #tpu.memory_space<vmem>>, %arg9: memref<2x128x128xf32, #tpu.memory_space<vmem>>, %arg10: memref<10240x128xf32, #tpu.memory_space<vmem_shared>>, %arg11: memref<!tpu.dma_semaphore, #tpu.memory_space<semaphore_mem>>) attributes {dimension_semantics = [#tpu.dimension_semantics<core_parallel>, #tpu.dimension_semantics<subcore_parallel>], iteration_bounds = array<i64: 2, 16>, scalar_prefetch = 0 : i64, scratch_operands = 5 : i64, tpu.core_type = #tpu.core_type<sc_vector_subcore>, window_params = [{transform_indices = #map}, {transform_indices = #map}, {transform_indices = #map}, {transform_indices = #map}, {transform_indices = #map1}]} {
    %mul3A = arith.constant 640 : i32
    %mul3A_0 = arith.muli %arg1, %mul3A : i32
    "tpu.region"() ({
      %run_scoped3A = tpu.sem_alloc : memref<!tpu.dma_semaphore, #tpu.memory_space<semaphore_mem>>
      %dma_start3A = arith.constant 0 : i32
      %dma_start3A_13 = tpu.memref_slice %arg10[%mul3A_0, %dma_start3A] : memref<10240x128xf32, #tpu.memory_space<vmem_shared>> -> memref<640x128xf32, #tpu.memory_space<vmem_shared>>
      tpu.enqueue_dma source(%arg5 : memref<640x128xf32, #tpu.memory_space<hbm>>) target(%dma_start3A_13 : memref<640x128xf32, #tpu.memory_space<vmem_shared>>) target_semaphore(%run_scoped3A : memref<!tpu.dma_semaphore, #tpu.memory_space<semaphore_mem>>)
      %dma_wait3A = arith.constant 0 : i32
      %dma_wait3A_14 = tpu.memref_slice %arg10[%mul3A_0, %dma_wait3A] : memref<10240x128xf32, #tpu.memory_space<vmem_shared>> -> memref<640x128xf32, #tpu.memory_space<vmem_shared>>
      tpu.wait_dma2 semaphore(%run_scoped3A : memref<!tpu.dma_semaphore, #tpu.memory_space<semaphore_mem>>) src(%arg5 : memref<640x128xf32, #tpu.memory_space<hbm>>) dst(%dma_wait3A_14 : memref<640x128xf32, #tpu.memory_space<vmem_shared>>)
      tpu.yield
    }) : () -> ()
    %barrier3A = arith.constant 0 : index
    tpu.barrier barrier_id(%barrier3A)
    %eq3A = arith.constant 0 : i32
    %eq3A_1 = arith.cmpi eq, %arg0, %eq3A : i32
    %convert_element_type3A = arith.extui %eq3A_1 : i1 to i32
    %cond3A = arith.constant 0 : i32
    %cond3A_2 = arith.cmpi ne, %convert_element_type3A, %cond3A : i32
    scf.if %cond3A_2 {
      %mul3A_13 = arith.constant 104 : i32
      %mul3A_14 = arith.muli %arg1, %mul3A_13 : i32
      "tpu.region"() ({
        %run_scoped3A_33 = tpu.sem_alloc : memref<!tpu.dma_semaphore, #tpu.memory_space<semaphore_mem>>
        %dma_start3A_34 = arith.constant 0 : i32
        %dma_start3A_35 = arith.constant 0 : i32
        %dma_start3A_36 = tpu.memref_slice %arg8[%dma_start3A_34, %dma_start3A_35] : memref<104x128xi32, #tpu.memory_space<vmem>> -> memref<104x128xi32, #tpu.memory_space<vmem>>
        %dma_start3A_37 = arith.constant 0 : i32
        %dma_start3A_38 = tpu.memref_slice %arg3[%mul3A_14, %dma_start3A_37] : memref<2608x128xi32, #tpu.memory_space<hbm>> -> memref<104x128xi32, #tpu.memory_space<hbm>>
        %dma_start3A_39 = arith.constant 0 : i32
        %dma_start3A_40 = arith.constant 0 : i32
        %dma_start3A_41 = tpu.memref_slice %arg8[%dma_start3A_39, %dma_start3A_40] : memref<104x128xi32, #tpu.memory_space<vmem>> -> memref<104x128xi32, #tpu.memory_space<vmem>>
        %dma_start3A_42 = arith.constant 0 : i32
        %dma_start3A_43 = tpu.memref_slice %arg3[%mul3A_14, %dma_start3A_42] : memref<2608x128xi32, #tpu.memory_space<hbm>> -> memref<104x128xi32, #tpu.memory_space<hbm>>
        tpu.enqueue_dma source(%dma_start3A_43 : memref<104x128xi32, #tpu.memory_space<hbm>>) target(%dma_start3A_41 : memref<104x128xi32, #tpu.memory_space<vmem>>) target_semaphore(%run_scoped3A_33 : memref<!tpu.dma_semaphore, #tpu.memory_space<semaphore_mem>>)
        %dma_wait3A = arith.constant 0 : i32
        %dma_wait3A_44 = arith.constant 0 : i32
        %dma_wait3A_45 = tpu.memref_slice %arg8[%dma_wait3A, %dma_wait3A_44] : memref<104x128xi32, #tpu.memory_space<vmem>> -> memref<104x128xi32, #tpu.memory_space<vmem>>
        %dma_wait3A_46 = arith.constant 0 : i32
        %dma_wait3A_47 = tpu.memref_slice %arg3[%mul3A_14, %dma_wait3A_46] : memref<2608x128xi32, #tpu.memory_space<hbm>> -> memref<104x128xi32, #tpu.memory_space<hbm>>
        %dma_wait3A_48 = arith.constant 0 : i32
        %dma_wait3A_49 = arith.constant 0 : i32
        %dma_wait3A_50 = tpu.memref_slice %arg8[%dma_wait3A_48, %dma_wait3A_49] : memref<104x128xi32, #tpu.memory_space<vmem>> -> memref<104x128xi32, #tpu.memory_space<vmem>>
        %dma_wait3A_51 = arith.constant 0 : i32
        %dma_wait3A_52 = tpu.memref_slice %arg3[%mul3A_14, %dma_wait3A_51] : memref<2608x128xi32, #tpu.memory_space<hbm>> -> memref<104x128xi32, #tpu.memory_space<hbm>>
        tpu.wait_dma2 semaphore(%run_scoped3A_33 : memref<!tpu.dma_semaphore, #tpu.memory_space<semaphore_mem>>) src(%dma_wait3A_52 : memref<104x128xi32, #tpu.memory_space<hbm>>) dst(%dma_wait3A_50 : memref<104x128xi32, #tpu.memory_space<vmem>>)
        tpu.yield
      }) : () -> ()
      %run_scoped3A = arith.constant 0 : i32
      "tpu.region"() ({
        %run_scoped3A_33 = tpu.sem_alloc : memref<!tpu.dma_semaphore, #tpu.memory_space<semaphore_mem>>
        %dma_start3A_34 = arith.constant 0 : i32
        %dma_start3A_35 = tpu.memref_slice %arg7[%run_scoped3A, %dma_start3A_34] : memref<2x128xi32, #tpu.memory_space<vmem>> -> memref<1x128xi32, #tpu.memory_space<vmem>>
        %dma_start3A_36 = tpu.memref_squeeze %dma_start3A_35 : memref<1x128xi32, #tpu.memory_space<vmem>> -> memref<128xi32, #tpu.memory_space<vmem>>
        %dma_start3A_37 = arith.constant 0 : i32
        %dma_start3A_38 = tpu.memref_slice %arg2[%mul3A_14, %dma_start3A_37] : memref<2608x128xi32, #tpu.memory_space<hbm>> -> memref<1x128xi32, #tpu.memory_space<hbm>>
        %dma_start3A_39 = tpu.memref_squeeze %dma_start3A_38 : memref<1x128xi32, #tpu.memory_space<hbm>> -> memref<128xi32, #tpu.memory_space<hbm>>
        %dma_start3A_40 = arith.constant 0 : i32
        %dma_start3A_41 = tpu.memref_slice %arg7[%run_scoped3A, %dma_start3A_40] : memref<2x128xi32, #tpu.memory_space<vmem>> -> memref<1x128xi32, #tpu.memory_space<vmem>>
        %dma_start3A_42 = tpu.memref_squeeze %dma_start3A_41 : memref<1x128xi32, #tpu.memory_space<vmem>> -> memref<128xi32, #tpu.memory_space<vmem>>
        %dma_start3A_43 = arith.constant 0 : i32
        %dma_start3A_44 = tpu.memref_slice %arg2[%mul3A_14, %dma_start3A_43] : memref<2608x128xi32, #tpu.memory_space<hbm>> -> memref<1x128xi32, #tpu.memory_space<hbm>>
        %dma_start3A_45 = tpu.memref_squeeze %dma_start3A_44 : memref<1x128xi32, #tpu.memory_space<hbm>> -> memref<128xi32, #tpu.memory_space<hbm>>
        tpu.enqueue_dma source(%dma_start3A_45 : memref<128xi32, #tpu.memory_space<hbm>>) target(%dma_start3A_42 : memref<128xi32, #tpu.memory_space<vmem>>) target_semaphore(%run_scoped3A_33 : memref<!tpu.dma_semaphore, #tpu.memory_space<semaphore_mem>>)
        %dma_wait3A = arith.constant 0 : i32
        %dma_wait3A_46 = tpu.memref_slice %arg7[%run_scoped3A, %dma_wait3A] : memref<2x128xi32, #tpu.memory_space<vmem>> -> memref<1x128xi32, #tpu.memory_space<vmem>>
        %dma_wait3A_47 = tpu.memref_squeeze %dma_wait3A_46 : memref<1x128xi32, #tpu.memory_space<vmem>> -> memref<128xi32, #tpu.memory_space<vmem>>
        %dma_wait3A_48 = arith.constant 0 : i32
        %dma_wait3A_49 = tpu.memref_slice %arg2[%mul3A_14, %dma_wait3A_48] : memref<2608x128xi32, #tpu.memory_space<hbm>> -> memref<1x128xi32, #tpu.memory_space<hbm>>
        %dma_wait3A_50 = tpu.memref_squeeze %dma_wait3A_49 : memref<1x128xi32, #tpu.memory_space<hbm>> -> memref<128xi32, #tpu.memory_space<hbm>>
        %dma_wait3A_51 = arith.constant 0 : i32
        %dma_wait3A_52 = tpu.memref_slice %arg7[%run_scoped3A, %dma_wait3A_51] : memref<2x128xi32, #tpu.memory_space<vmem>> -> memref<1x128xi32, #tpu.memory_space<vmem>>
        %dma_wait3A_53 = tpu.memref_squeeze %dma_wait3A_52 : memref<1x128xi32, #tpu.memory_space<vmem>> -> memref<128xi32, #tpu.memory_space<vmem>>
        %dma_wait3A_54 = arith.constant 0 : i32
        %dma_wait3A_55 = tpu.memref_slice %arg2[%mul3A_14, %dma_wait3A_54] : memref<2608x128xi32, #tpu.memory_space<hbm>> -> memref<1x128xi32, #tpu.memory_space<hbm>>
        %dma_wait3A_56 = tpu.memref_squeeze %dma_wait3A_55 : memref<1x128xi32, #tpu.memory_space<hbm>> -> memref<128xi32, #tpu.memory_space<hbm>>
        tpu.wait_dma2 semaphore(%run_scoped3A_33 : memref<!tpu.dma_semaphore, #tpu.memory_space<semaphore_mem>>) src(%dma_wait3A_56 : memref<128xi32, #tpu.memory_space<hbm>>) dst(%dma_wait3A_53 : memref<128xi32, #tpu.memory_space<vmem>>)
        tpu.yield
      }) : () -> ()
      %dma_start3A = arith.constant 0 : i32
      %dma_start3A_15 = arith.constant 0 : i32
      %dma_start3A_16 = arith.constant 0 : i32
      %dma_start3A_17 = arith.constant 0 : i32
      %dma_start3A_18 = tpu.memref_slice %arg9[%dma_start3A_15, %dma_start3A_16, %dma_start3A_17] : memref<2x128x128xf32, #tpu.memory_space<vmem>> -> memref<1x128x128xf32, #tpu.memory_space<vmem>>
      %dma_start3A_19 = tpu.memref_squeeze %dma_start3A_18 : memref<1x128x128xf32, #tpu.memory_space<vmem>> -> memref<128x128xf32, #tpu.memory_space<vmem>>
      %dma_start3A_20 = arith.constant 0 : i32
      %dma_start3A_21 = tpu.memref_slice %arg7[%dma_start3A, %dma_start3A_20] : memref<2x128xi32, #tpu.memory_space<vmem>> -> memref<1x128xi32, #tpu.memory_space<vmem>>
      %dma_start3A_22 = tpu.memref_squeeze %dma_start3A_21 : memref<1x128xi32, #tpu.memory_space<vmem>> -> memref<128xi32, #tpu.memory_space<vmem>>
      %dma_start3A_23 = arith.constant 0 : i32
      %dma_start3A_24 = arith.constant 0 : i32
      %dma_start3A_25 = tpu.memref_slice %arg4[%dma_start3A_23, %dma_start3A_24] : memref<10240x128xf32, #tpu.memory_space<hbm>> -> memref<10240x128xf32, #tpu.memory_space<hbm>>
      tpu.enqueue_indirect_dma source(%dma_start3A_25 : memref<10240x128xf32, #tpu.memory_space<hbm>>) target(%dma_start3A_19 : memref<128x128xf32, #tpu.memory_space<vmem>>) offsets(%dma_start3A_22 : memref<128xi32, #tpu.memory_space<vmem>>) semaphore(%arg11 : memref<!tpu.dma_semaphore, #tpu.memory_space<semaphore_mem>>)
      %add3A = arith.constant 1 : i32
      %add3A_26 = arith.addi %mul3A_14, %add3A : i32
      %run_scoped3A_27 = arith.constant 1 : i32
      "tpu.region"() ({
        %run_scoped3A_33 = tpu.sem_alloc : memref<!tpu.dma_semaphore, #tpu.memory_space<semaphore_mem>>
        %dma_start3A_34 = arith.constant 0 : i32
        %dma_start3A_35 = tpu.memref_slice %arg7[%run_scoped3A_27, %dma_start3A_34] : memref<2x128xi32, #tpu.memory_space<vmem>> -> memref<1x128xi32, #tpu.memory_space<vmem>>
        %dma_start3A_36 = tpu.memref_squeeze %dma_start3A_35 : memref<1x128xi32, #tpu.memory_space<vmem>> -> memref<128xi32, #tpu.memory_space<vmem>>
        %dma_start3A_37 = arith.constant 0 : i32
        %dma_start3A_38 = tpu.memref_slice %arg2[%add3A_26, %dma_start3A_37] : memref<2608x128xi32, #tpu.memory_space<hbm>> -> memref<1x128xi32, #tpu.memory_space<hbm>>
        %dma_start3A_39 = tpu.memref_squeeze %dma_start3A_38 : memref<1x128xi32, #tpu.memory_space<hbm>> -> memref<128xi32, #tpu.memory_space<hbm>>
        %dma_start3A_40 = arith.constant 0 : i32
        %dma_start3A_41 = tpu.memref_slice %arg7[%run_scoped3A_27, %dma_start3A_40] : memref<2x128xi32, #tpu.memory_space<vmem>> -> memref<1x128xi32, #tpu.memory_space<vmem>>
        %dma_start3A_42 = tpu.memref_squeeze %dma_start3A_41 : memref<1x128xi32, #tpu.memory_space<vmem>> -> memref<128xi32, #tpu.memory_space<vmem>>
        %dma_start3A_43 = arith.constant 0 : i32
        %dma_start3A_44 = tpu.memref_slice %arg2[%add3A_26, %dma_start3A_43] : memref<2608x128xi32, #tpu.memory_space<hbm>> -> memref<1x128xi32, #tpu.memory_space<hbm>>
        %dma_start3A_45 = tpu.memref_squeeze %dma_start3A_44 : memref<1x128xi32, #tpu.memory_space<hbm>> -> memref<128xi32, #tpu.memory_space<hbm>>
        tpu.enqueue_dma source(%dma_start3A_45 : memref<128xi32, #tpu.memory_space<hbm>>) target(%dma_start3A_42 : memref<128xi32, #tpu.memory_space<vmem>>) target_semaphore(%run_scoped3A_33 : memref<!tpu.dma_semaphore, #tpu.memory_space<semaphore_mem>>)
        %dma_wait3A = arith.constant 0 : i32
        %dma_wait3A_46 = tpu.memref_slice %arg7[%run_scoped3A_27, %dma_wait3A] : memref<2x128xi32, #tpu.memory_space<vmem>> -> memref<1x128xi32, #tpu.memory_space<vmem>>
        %dma_wait3A_47 = tpu.memref_squeeze %dma_wait3A_46 : memref<1x128xi32, #tpu.memory_space<vmem>> -> memref<128xi32, #tpu.memory_space<vmem>>
        %dma_wait3A_48 = arith.constant 0 : i32
        %dma_wait3A_49 = tpu.memref_slice %arg2[%add3A_26, %dma_wait3A_48] : memref<2608x128xi32, #tpu.memory_space<hbm>> -> memref<1x128xi32, #tpu.memory_space<hbm>>
        %dma_wait3A_50 = tpu.memref_squeeze %dma_wait3A_49 : memref<1x128xi32, #tpu.memory_space<hbm>> -> memref<128xi32, #tpu.memory_space<hbm>>
        %dma_wait3A_51 = arith.constant 0 : i32
        %dma_wait3A_52 = tpu.memref_slice %arg7[%run_scoped3A_27, %dma_wait3A_51] : memref<2x128xi32, #tpu.memory_space<vmem>> -> memref<1x128xi32, #tpu.memory_space<vmem>>
        %dma_wait3A_53 = tpu.memref_squeeze %dma_wait3A_52 : memref<1x128xi32, #tpu.memory_space<vmem>> -> memref<128xi32, #tpu.memory_space<vmem>>
        %dma_wait3A_54 = arith.constant 0 : i32
        %dma_wait3A_55 = tpu.memref_slice %arg2[%add3A_26, %dma_wait3A_54] : memref<2608x128xi32, #tpu.memory_space<hbm>> -> memref<1x128xi32, #tpu.memory_space<hbm>>
        %dma_wait3A_56 = tpu.memref_squeeze %dma_wait3A_55 : memref<1x128xi32, #tpu.memory_space<hbm>> -> memref<128xi32, #tpu.memory_space<hbm>>
        tpu.wait_dma2 semaphore(%run_scoped3A_33 : memref<!tpu.dma_semaphore, #tpu.memory_space<semaphore_mem>>) src(%dma_wait3A_56 : memref<128xi32, #tpu.memory_space<hbm>>) dst(%dma_wait3A_53 : memref<128xi32, #tpu.memory_space<vmem>>)
        tpu.yield
      }) : () -> ()
      %scan3A = arith.constant 0 : i32
      %scan3A_28 = arith.constant 0 : i32
      %scan3A_29 = arith.constant 104 : i32
      %scan3A_30 = arith.addi %scan3A_28, %scan3A_29 : i32
      %scan3A_31 = arith.constant 1 : i32
      scf.for %scan3A_33 = %scan3A_28 to %scan3A_30 step %scan3A_31  : i32 {
        %rem3A = arith.constant 2 : i32
        %rem3A_34 = arith.remsi %scan3A_33, %rem3A : i32
        %add3A_35 = arith.constant 1 : i32
        %add3A_36 = arith.addi %scan3A_33, %add3A_35 : i32
        %rem3A_37 = arith.constant 2 : i32
        %rem3A_38 = arith.remsi %add3A_36, %rem3A_37 : i32
        %dma_wait3A = arith.constant 0 : i32
        %dma_wait3A_39 = arith.constant 0 : i32
        %dma_wait3A_40 = tpu.memref_slice %arg9[%rem3A_34, %dma_wait3A, %dma_wait3A_39] : memref<2x128x128xf32, #tpu.memory_space<vmem>> -> memref<1x128x128xf32, #tpu.memory_space<vmem>>
        %dma_wait3A_41 = tpu.memref_squeeze %dma_wait3A_40 : memref<1x128x128xf32, #tpu.memory_space<vmem>> -> memref<128x128xf32, #tpu.memory_space<vmem>>
        %dma_wait3A_42 = arith.constant 0 : i32
        %dma_wait3A_43 = tpu.memref_slice %arg7[%rem3A_34, %dma_wait3A_42] : memref<2x128xi32, #tpu.memory_space<vmem>> -> memref<1x128xi32, #tpu.memory_space<vmem>>
        %dma_wait3A_44 = tpu.memref_squeeze %dma_wait3A_43 : memref<1x128xi32, #tpu.memory_space<vmem>> -> memref<128xi32, #tpu.memory_space<vmem>>
        %dma_wait3A_45 = arith.constant 0 : i32
        %dma_wait3A_46 = arith.constant 0 : i32
        %dma_wait3A_47 = tpu.memref_slice %arg4[%dma_wait3A_45, %dma_wait3A_46] : memref<10240x128xf32, #tpu.memory_space<hbm>> -> memref<10240x128xf32, #tpu.memory_space<hbm>>
        tpu.wait_indirect_dma semaphore(%arg11 : memref<!tpu.dma_semaphore, #tpu.memory_space<semaphore_mem>>) src(%dma_wait3A_47 : memref<10240x128xf32, #tpu.memory_space<hbm>>) dst(%dma_wait3A_41 : memref<128x128xf32, #tpu.memory_space<vmem>>)
        %add3A_48 = arith.constant 1 : i32
        %add3A_49 = arith.addi %scan3A_33, %add3A_48 : i32
        %lt3A = arith.constant 104 : i32
        %lt3A_50 = arith.cmpi slt, %add3A_49, %lt3A : i32
        %convert_element_type3A_51 = arith.extui %lt3A_50 : i1 to i32
        %cond3A_52 = arith.constant 0 : i32
        %cond3A_53 = arith.cmpi ne, %convert_element_type3A_51, %cond3A_52 : i32
        scf.if %cond3A_53 {
          %dma_start3A_61 = arith.constant 0 : i32
          %dma_start3A_62 = arith.constant 0 : i32
          %dma_start3A_63 = tpu.memref_slice %arg9[%rem3A_38, %dma_start3A_61, %dma_start3A_62] : memref<2x128x128xf32, #tpu.memory_space<vmem>> -> memref<1x128x128xf32, #tpu.memory_space<vmem>>
          %dma_start3A_64 = tpu.memref_squeeze %dma_start3A_63 : memref<1x128x128xf32, #tpu.memory_space<vmem>> -> memref<128x128xf32, #tpu.memory_space<vmem>>
          %dma_start3A_65 = arith.constant 0 : i32
          %dma_start3A_66 = tpu.memref_slice %arg7[%rem3A_38, %dma_start3A_65] : memref<2x128xi32, #tpu.memory_space<vmem>> -> memref<1x128xi32, #tpu.memory_space<vmem>>
          %dma_start3A_67 = tpu.memref_squeeze %dma_start3A_66 : memref<1x128xi32, #tpu.memory_space<vmem>> -> memref<128xi32, #tpu.memory_space<vmem>>
          %dma_start3A_68 = arith.constant 0 : i32
          %dma_start3A_69 = arith.constant 0 : i32
          %dma_start3A_70 = tpu.memref_slice %arg4[%dma_start3A_68, %dma_start3A_69] : memref<10240x128xf32, #tpu.memory_space<hbm>> -> memref<10240x128xf32, #tpu.memory_space<hbm>>
          tpu.enqueue_indirect_dma source(%dma_start3A_70 : memref<10240x128xf32, #tpu.memory_space<hbm>>) target(%dma_start3A_64 : memref<128x128xf32, #tpu.memory_space<vmem>>) offsets(%dma_start3A_67 : memref<128xi32, #tpu.memory_space<vmem>>) semaphore(%arg11 : memref<!tpu.dma_semaphore, #tpu.memory_space<semaphore_mem>>)
        } else {
        }
        "tpu.region"() ({
          %run_scoped3A_61 = tpu.sem_alloc : memref<!tpu.dma_semaphore, #tpu.memory_space<semaphore_mem>>
          %dma_start3A_62 = arith.constant 0 : i32
          %dma_start3A_63 = arith.constant 0 : i32
          %dma_start3A_64 = tpu.memref_slice %arg9[%rem3A_34, %dma_start3A_62, %dma_start3A_63] : memref<2x128x128xf32, #tpu.memory_space<vmem>> -> memref<1x128x128xf32, #tpu.memory_space<vmem>>
          %dma_start3A_65 = tpu.memref_squeeze %dma_start3A_64 : memref<1x128x128xf32, #tpu.memory_space<vmem>> -> memref<128x128xf32, #tpu.memory_space<vmem>>
          %dma_start3A_66 = arith.constant 0 : i32
          %dma_start3A_67 = tpu.memref_slice %arg8[%scan3A_33, %dma_start3A_66] : memref<104x128xi32, #tpu.memory_space<vmem>> -> memref<1x128xi32, #tpu.memory_space<vmem>>
          %dma_start3A_68 = tpu.memref_squeeze %dma_start3A_67 : memref<1x128xi32, #tpu.memory_space<vmem>> -> memref<128xi32, #tpu.memory_space<vmem>>
          %dma_start3A_69 = arith.constant 0 : i32
          %dma_start3A_70 = arith.constant 0 : i32
          %dma_start3A_71 = tpu.memref_slice %arg10[%dma_start3A_69, %dma_start3A_70] : memref<10240x128xf32, #tpu.memory_space<vmem_shared>> -> memref<10240x128xf32, #tpu.memory_space<vmem_shared>>
          tpu.enqueue_indirect_dma source(%dma_start3A_65 : memref<128x128xf32, #tpu.memory_space<vmem>>) target(%dma_start3A_71 : memref<10240x128xf32, #tpu.memory_space<vmem_shared>>) offsets(%dma_start3A_68 : memref<128xi32, #tpu.memory_space<vmem>>) semaphore(%run_scoped3A_61 : memref<!tpu.dma_semaphore, #tpu.memory_space<semaphore_mem>>) {add = true}
          %dma_wait3A_72 = arith.constant 0 : i32
          %dma_wait3A_73 = arith.constant 0 : i32
          %dma_wait3A_74 = tpu.memref_slice %arg9[%rem3A_34, %dma_wait3A_72, %dma_wait3A_73] : memref<2x128x128xf32, #tpu.memory_space<vmem>> -> memref<1x128x128xf32, #tpu.memory_space<vmem>>
          %dma_wait3A_75 = tpu.memref_squeeze %dma_wait3A_74 : memref<1x128x128xf32, #tpu.memory_space<vmem>> -> memref<128x128xf32, #tpu.memory_space<vmem>>
          %dma_wait3A_76 = arith.constant 0 : i32
          %dma_wait3A_77 = tpu.memref_slice %arg8[%scan3A_33, %dma_wait3A_76] : memref<104x128xi32, #tpu.memory_space<vmem>> -> memref<1x128xi32, #tpu.memory_space<vmem>>
          %dma_wait3A_78 = tpu.memref_squeeze %dma_wait3A_77 : memref<1x128xi32, #tpu.memory_space<vmem>> -> memref<128xi32, #tpu.memory_space<vmem>>
          %dma_wait3A_79 = arith.constant 0 : i32
          %dma_wait3A_80 = arith.constant 0 : i32
          %dma_wait3A_81 = tpu.memref_slice %arg10[%dma_wait3A_79, %dma_wait3A_80] : memref<10240x128xf32, #tpu.memory_space<vmem_shared>> -> memref<10240x128xf32, #tpu.memory_space<vmem_shared>>
          tpu.wait_indirect_dma semaphore(%run_scoped3A_61 : memref<!tpu.dma_semaphore, #tpu.memory_space<semaphore_mem>>) src(%dma_wait3A_75 : memref<128x128xf32, #tpu.memory_space<vmem>>) dst(%dma_wait3A_81 : memref<10240x128xf32, #tpu.memory_space<vmem_shared>>)
          tpu.yield
        }) : () -> ()
        %add3A_54 = arith.constant 2 : i32
        %add3A_55 = arith.addi %scan3A_33, %add3A_54 : i32
        %lt3A_56 = arith.constant 104 : i32
        %lt3A_57 = arith.cmpi slt, %add3A_55, %lt3A_56 : i32
        %convert_element_type3A_58 = arith.extui %lt3A_57 : i1 to i32
        %cond3A_59 = arith.constant 0 : i32
        %cond3A_60 = arith.cmpi ne, %convert_element_type3A_58, %cond3A_59 : i32
        scf.if %cond3A_60 {
          %add3A_61 = arith.addi %mul3A_14, %scan3A_33 : i32
          %add3A_62 = arith.constant 2 : i32
          %add3A_63 = arith.addi %add3A_61, %add3A_62 : i32
          "tpu.region"() ({
            %run_scoped3A_64 = tpu.sem_alloc : memref<!tpu.dma_semaphore, #tpu.memory_space<semaphore_mem>>
            %dma_start3A_65 = arith.constant 0 : i32
            %dma_start3A_66 = tpu.memref_slice %arg7[%rem3A_34, %dma_start3A_65] : memref<2x128xi32, #tpu.memory_space<vmem>> -> memref<1x128xi32, #tpu.memory_space<vmem>>
            %dma_start3A_67 = tpu.memref_squeeze %dma_start3A_66 : memref<1x128xi32, #tpu.memory_space<vmem>> -> memref<128xi32, #tpu.memory_space<vmem>>
            %dma_start3A_68 = arith.constant 0 : i32
            %dma_start3A_69 = tpu.memref_slice %arg2[%add3A_63, %dma_start3A_68] : memref<2608x128xi32, #tpu.memory_space<hbm>> -> memref<1x128xi32, #tpu.memory_space<hbm>>
            %dma_start3A_70 = tpu.memref_squeeze %dma_start3A_69 : memref<1x128xi32, #tpu.memory_space<hbm>> -> memref<128xi32, #tpu.memory_space<hbm>>
            %dma_start3A_71 = arith.constant 0 : i32
            %dma_start3A_72 = tpu.memref_slice %arg7[%rem3A_34, %dma_start3A_71] : memref<2x128xi32, #tpu.memory_space<vmem>> -> memref<1x128xi32, #tpu.memory_space<vmem>>
            %dma_start3A_73 = tpu.memref_squeeze %dma_start3A_72 : memref<1x128xi32, #tpu.memory_space<vmem>> -> memref<128xi32, #tpu.memory_space<vmem>>
            %dma_start3A_74 = arith.constant 0 : i32
            %dma_start3A_75 = tpu.memref_slice %arg2[%add3A_63, %dma_start3A_74] : memref<2608x128xi32, #tpu.memory_space<hbm>> -> memref<1x128xi32, #tpu.memory_space<hbm>>
            %dma_start3A_76 = tpu.memref_squeeze %dma_start3A_75 : memref<1x128xi32, #tpu.memory_space<hbm>> -> memref<128xi32, #tpu.memory_space<hbm>>
            tpu.enqueue_dma source(%dma_start3A_76 : memref<128xi32, #tpu.memory_space<hbm>>) target(%dma_start3A_73 : memref<128xi32, #tpu.memory_space<vmem>>) target_semaphore(%run_scoped3A_64 : memref<!tpu.dma_semaphore, #tpu.memory_space<semaphore_mem>>)
            %dma_wait3A_77 = arith.constant 0 : i32
            %dma_wait3A_78 = tpu.memref_slice %arg7[%rem3A_34, %dma_wait3A_77] : memref<2x128xi32, #tpu.memory_space<vmem>> -> memref<1x128xi32, #tpu.memory_space<vmem>>
            %dma_wait3A_79 = tpu.memref_squeeze %dma_wait3A_78 : memref<1x128xi32, #tpu.memory_space<vmem>> -> memref<128xi32, #tpu.memory_space<vmem>>
            %dma_wait3A_80 = arith.constant 0 : i32
            %dma_wait3A_81 = tpu.memref_slice %arg2[%add3A_63, %dma_wait3A_80] : memref<2608x128xi32, #tpu.memory_space<hbm>> -> memref<1x128xi32, #tpu.memory_space<hbm>>
            %dma_wait3A_82 = tpu.memref_squeeze %dma_wait3A_81 : memref<1x128xi32, #tpu.memory_space<hbm>> -> memref<128xi32, #tpu.memory_space<hbm>>
            %dma_wait3A_83 = arith.constant 0 : i32
            %dma_wait3A_84 = tpu.memref_slice %arg7[%rem3A_34, %dma_wait3A_83] : memref<2x128xi32, #tpu.memory_space<vmem>> -> memref<1x128xi32, #tpu.memory_space<vmem>>
            %dma_wait3A_85 = tpu.memref_squeeze %dma_wait3A_84 : memref<1x128xi32, #tpu.memory_space<vmem>> -> memref<128xi32, #tpu.memory_space<vmem>>
            %dma_wait3A_86 = arith.constant 0 : i32
            %dma_wait3A_87 = tpu.memref_slice %arg2[%add3A_63, %dma_wait3A_86] : memref<2608x128xi32, #tpu.memory_space<hbm>> -> memref<1x128xi32, #tpu.memory_space<hbm>>
            %dma_wait3A_88 = tpu.memref_squeeze %dma_wait3A_87 : memref<1x128xi32, #tpu.memory_space<hbm>> -> memref<128xi32, #tpu.memory_space<hbm>>
            tpu.wait_dma2 semaphore(%run_scoped3A_64 : memref<!tpu.dma_semaphore, #tpu.memory_space<semaphore_mem>>) src(%dma_wait3A_88 : memref<128xi32, #tpu.memory_space<hbm>>) dst(%dma_wait3A_85 : memref<128xi32, #tpu.memory_space<vmem>>)
            tpu.yield
          }) : () -> ()
        } else {
        }
      }
      %scan3A_32 = arith.constant 104 : i32
    } else {
    }
    %eq3A_3 = arith.constant 1 : i32
    %eq3A_4 = arith.cmpi eq, %arg0, %eq3A_3 : i32
    %convert_element_type3A_5 = arith.extui %eq3A_4 : i1 to i32
    %cond3A_6 = arith.constant 0 : i32
    %cond3A_7 = arith.cmpi ne, %convert_element_type3A_5, %cond3A_6 : i32
    scf.if %cond3A_7 {
      %mul3A_13 = arith.constant 56 : i32
      %mul3A_14 = arith.muli %arg1, %mul3A_13 : i32
      %add3A = arith.constant 1664 : i32
      %add3A_15 = arith.addi %add3A, %mul3A_14 : i32
      "tpu.region"() ({
        %run_scoped3A_35 = tpu.sem_alloc : memref<!tpu.dma_semaphore, #tpu.memory_space<semaphore_mem>>
        %dma_start3A_36 = arith.constant 0 : i32
        %dma_start3A_37 = arith.constant 0 : i32
        %dma_start3A_38 = tpu.memref_slice %arg8[%dma_start3A_36, %dma_start3A_37] : memref<104x128xi32, #tpu.memory_space<vmem>> -> memref<56x128xi32, #tpu.memory_space<vmem>>
        %dma_start3A_39 = arith.constant 0 : i32
        %dma_start3A_40 = tpu.memref_slice %arg3[%add3A_15, %dma_start3A_39] : memref<2608x128xi32, #tpu.memory_space<hbm>> -> memref<56x128xi32, #tpu.memory_space<hbm>>
        %dma_start3A_41 = arith.constant 0 : i32
        %dma_start3A_42 = arith.constant 0 : i32
        %dma_start3A_43 = tpu.memref_slice %arg8[%dma_start3A_41, %dma_start3A_42] : memref<104x128xi32, #tpu.memory_space<vmem>> -> memref<56x128xi32, #tpu.memory_space<vmem>>
        %dma_start3A_44 = arith.constant 0 : i32
        %dma_start3A_45 = tpu.memref_slice %arg3[%add3A_15, %dma_start3A_44] : memref<2608x128xi32, #tpu.memory_space<hbm>> -> memref<56x128xi32, #tpu.memory_space<hbm>>
        tpu.enqueue_dma source(%dma_start3A_45 : memref<56x128xi32, #tpu.memory_space<hbm>>) target(%dma_start3A_43 : memref<56x128xi32, #tpu.memory_space<vmem>>) target_semaphore(%run_scoped3A_35 : memref<!tpu.dma_semaphore, #tpu.memory_space<semaphore_mem>>)
        %dma_wait3A = arith.constant 0 : i32
        %dma_wait3A_46 = arith.constant 0 : i32
        %dma_wait3A_47 = tpu.memref_slice %arg8[%dma_wait3A, %dma_wait3A_46] : memref<104x128xi32, #tpu.memory_space<vmem>> -> memref<56x128xi32, #tpu.memory_space<vmem>>
        %dma_wait3A_48 = arith.constant 0 : i32
        %dma_wait3A_49 = tpu.memref_slice %arg3[%add3A_15, %dma_wait3A_48] : memref<2608x128xi32, #tpu.memory_space<hbm>> -> memref<56x128xi32, #tpu.memory_space<hbm>>
        %dma_wait3A_50 = arith.constant 0 : i32
        %dma_wait3A_51 = arith.constant 0 : i32
        %dma_wait3A_52 = tpu.memref_slice %arg8[%dma_wait3A_50, %dma_wait3A_51] : memref<104x128xi32, #tpu.memory_space<vmem>> -> memref<56x128xi32, #tpu.memory_space<vmem>>
        %dma_wait3A_53 = arith.constant 0 : i32
        %dma_wait3A_54 = tpu.memref_slice %arg3[%add3A_15, %dma_wait3A_53] : memref<2608x128xi32, #tpu.memory_space<hbm>> -> memref<56x128xi32, #tpu.memory_space<hbm>>
        tpu.wait_dma2 semaphore(%run_scoped3A_35 : memref<!tpu.dma_semaphore, #tpu.memory_space<semaphore_mem>>) src(%dma_wait3A_54 : memref<56x128xi32, #tpu.memory_space<hbm>>) dst(%dma_wait3A_52 : memref<56x128xi32, #tpu.memory_space<vmem>>)
        tpu.yield
      }) : () -> ()
      %run_scoped3A = arith.constant 0 : i32
      "tpu.region"() ({
        %run_scoped3A_35 = tpu.sem_alloc : memref<!tpu.dma_semaphore, #tpu.memory_space<semaphore_mem>>
        %dma_start3A_36 = arith.constant 0 : i32
        %dma_start3A_37 = tpu.memref_slice %arg7[%run_scoped3A, %dma_start3A_36] : memref<2x128xi32, #tpu.memory_space<vmem>> -> memref<1x128xi32, #tpu.memory_space<vmem>>
        %dma_start3A_38 = tpu.memref_squeeze %dma_start3A_37 : memref<1x128xi32, #tpu.memory_space<vmem>> -> memref<128xi32, #tpu.memory_space<vmem>>
        %dma_start3A_39 = arith.constant 0 : i32
        %dma_start3A_40 = tpu.memref_slice %arg2[%add3A_15, %dma_start3A_39] : memref<2608x128xi32, #tpu.memory_space<hbm>> -> memref<1x128xi32, #tpu.memory_space<hbm>>
        %dma_start3A_41 = tpu.memref_squeeze %dma_start3A_40 : memref<1x128xi32, #tpu.memory_space<hbm>> -> memref<128xi32, #tpu.memory_space<hbm>>
        %dma_start3A_42 = arith.constant 0 : i32
        %dma_start3A_43 = tpu.memref_slice %arg7[%run_scoped3A, %dma_start3A_42] : memref<2x128xi32, #tpu.memory_space<vmem>> -> memref<1x128xi32, #tpu.memory_space<vmem>>
        %dma_start3A_44 = tpu.memref_squeeze %dma_start3A_43 : memref<1x128xi32, #tpu.memory_space<vmem>> -> memref<128xi32, #tpu.memory_space<vmem>>
        %dma_start3A_45 = arith.constant 0 : i32
        %dma_start3A_46 = tpu.memref_slice %arg2[%add3A_15, %dma_start3A_45] : memref<2608x128xi32, #tpu.memory_space<hbm>> -> memref<1x128xi32, #tpu.memory_space<hbm>>
        %dma_start3A_47 = tpu.memref_squeeze %dma_start3A_46 : memref<1x128xi32, #tpu.memory_space<hbm>> -> memref<128xi32, #tpu.memory_space<hbm>>
        tpu.enqueue_dma source(%dma_start3A_47 : memref<128xi32, #tpu.memory_space<hbm>>) target(%dma_start3A_44 : memref<128xi32, #tpu.memory_space<vmem>>) target_semaphore(%run_scoped3A_35 : memref<!tpu.dma_semaphore, #tpu.memory_space<semaphore_mem>>)
        %dma_wait3A = arith.constant 0 : i32
        %dma_wait3A_48 = tpu.memref_slice %arg7[%run_scoped3A, %dma_wait3A] : memref<2x128xi32, #tpu.memory_space<vmem>> -> memref<1x128xi32, #tpu.memory_space<vmem>>
        %dma_wait3A_49 = tpu.memref_squeeze %dma_wait3A_48 : memref<1x128xi32, #tpu.memory_space<vmem>> -> memref<128xi32, #tpu.memory_space<vmem>>
        %dma_wait3A_50 = arith.constant 0 : i32
        %dma_wait3A_51 = tpu.memref_slice %arg2[%add3A_15, %dma_wait3A_50] : memref<2608x128xi32, #tpu.memory_space<hbm>> -> memref<1x128xi32, #tpu.memory_space<hbm>>
        %dma_wait3A_52 = tpu.memref_squeeze %dma_wait3A_51 : memref<1x128xi32, #tpu.memory_space<hbm>> -> memref<128xi32, #tpu.memory_space<hbm>>
        %dma_wait3A_53 = arith.constant 0 : i32
        %dma_wait3A_54 = tpu.memref_slice %arg7[%run_scoped3A, %dma_wait3A_53] : memref<2x128xi32, #tpu.memory_space<vmem>> -> memref<1x128xi32, #tpu.memory_space<vmem>>
        %dma_wait3A_55 = tpu.memref_squeeze %dma_wait3A_54 : memref<1x128xi32, #tpu.memory_space<vmem>> -> memref<128xi32, #tpu.memory_space<vmem>>
        %dma_wait3A_56 = arith.constant 0 : i32
        %dma_wait3A_57 = tpu.memref_slice %arg2[%add3A_15, %dma_wait3A_56] : memref<2608x128xi32, #tpu.memory_space<hbm>> -> memref<1x128xi32, #tpu.memory_space<hbm>>
        %dma_wait3A_58 = tpu.memref_squeeze %dma_wait3A_57 : memref<1x128xi32, #tpu.memory_space<hbm>> -> memref<128xi32, #tpu.memory_space<hbm>>
        tpu.wait_dma2 semaphore(%run_scoped3A_35 : memref<!tpu.dma_semaphore, #tpu.memory_space<semaphore_mem>>) src(%dma_wait3A_58 : memref<128xi32, #tpu.memory_space<hbm>>) dst(%dma_wait3A_55 : memref<128xi32, #tpu.memory_space<vmem>>)
        tpu.yield
      }) : () -> ()
      %dma_start3A = arith.constant 0 : i32
      %dma_start3A_16 = arith.constant 0 : i32
      %dma_start3A_17 = arith.constant 0 : i32
      %dma_start3A_18 = arith.constant 0 : i32
      %dma_start3A_19 = tpu.memref_slice %arg9[%dma_start3A_16, %dma_start3A_17, %dma_start3A_18] : memref<2x128x128xf32, #tpu.memory_space<vmem>> -> memref<1x128x128xf32, #tpu.memory_space<vmem>>
      %dma_start3A_20 = tpu.memref_squeeze %dma_start3A_19 : memref<1x128x128xf32, #tpu.memory_space<vmem>> -> memref<128x128xf32, #tpu.memory_space<vmem>>
      %dma_start3A_21 = arith.constant 0 : i32
      %dma_start3A_22 = tpu.memref_slice %arg7[%dma_start3A, %dma_start3A_21] : memref<2x128xi32, #tpu.memory_space<vmem>> -> memref<1x128xi32, #tpu.memory_space<vmem>>
      %dma_start3A_23 = tpu.memref_squeeze %dma_start3A_22 : memref<1x128xi32, #tpu.memory_space<vmem>> -> memref<128xi32, #tpu.memory_space<vmem>>
      %dma_start3A_24 = arith.constant 0 : i32
      %dma_start3A_25 = arith.constant 0 : i32
      %dma_start3A_26 = tpu.memref_slice %arg4[%dma_start3A_24, %dma_start3A_25] : memref<10240x128xf32, #tpu.memory_space<hbm>> -> memref<10240x128xf32, #tpu.memory_space<hbm>>
      tpu.enqueue_indirect_dma source(%dma_start3A_26 : memref<10240x128xf32, #tpu.memory_space<hbm>>) target(%dma_start3A_20 : memref<128x128xf32, #tpu.memory_space<vmem>>) offsets(%dma_start3A_23 : memref<128xi32, #tpu.memory_space<vmem>>) semaphore(%arg11 : memref<!tpu.dma_semaphore, #tpu.memory_space<semaphore_mem>>)
      %add3A_27 = arith.constant 1 : i32
      %add3A_28 = arith.addi %add3A_15, %add3A_27 : i32
      %run_scoped3A_29 = arith.constant 1 : i32
      "tpu.region"() ({
        %run_scoped3A_35 = tpu.sem_alloc : memref<!tpu.dma_semaphore, #tpu.memory_space<semaphore_mem>>
        %dma_start3A_36 = arith.constant 0 : i32
        %dma_start3A_37 = tpu.memref_slice %arg7[%run_scoped3A_29, %dma_start3A_36] : memref<2x128xi32, #tpu.memory_space<vmem>> -> memref<1x128xi32, #tpu.memory_space<vmem>>
        %dma_start3A_38 = tpu.memref_squeeze %dma_start3A_37 : memref<1x128xi32, #tpu.memory_space<vmem>> -> memref<128xi32, #tpu.memory_space<vmem>>
        %dma_start3A_39 = arith.constant 0 : i32
        %dma_start3A_40 = tpu.memref_slice %arg2[%add3A_28, %dma_start3A_39] : memref<2608x128xi32, #tpu.memory_space<hbm>> -> memref<1x128xi32, #tpu.memory_space<hbm>>
        %dma_start3A_41 = tpu.memref_squeeze %dma_start3A_40 : memref<1x128xi32, #tpu.memory_space<hbm>> -> memref<128xi32, #tpu.memory_space<hbm>>
        %dma_start3A_42 = arith.constant 0 : i32
        %dma_start3A_43 = tpu.memref_slice %arg7[%run_scoped3A_29, %dma_start3A_42] : memref<2x128xi32, #tpu.memory_space<vmem>> -> memref<1x128xi32, #tpu.memory_space<vmem>>
        %dma_start3A_44 = tpu.memref_squeeze %dma_start3A_43 : memref<1x128xi32, #tpu.memory_space<vmem>> -> memref<128xi32, #tpu.memory_space<vmem>>
        %dma_start3A_45 = arith.constant 0 : i32
        %dma_start3A_46 = tpu.memref_slice %arg2[%add3A_28, %dma_start3A_45] : memref<2608x128xi32, #tpu.memory_space<hbm>> -> memref<1x128xi32, #tpu.memory_space<hbm>>
        %dma_start3A_47 = tpu.memref_squeeze %dma_start3A_46 : memref<1x128xi32, #tpu.memory_space<hbm>> -> memref<128xi32, #tpu.memory_space<hbm>>
        tpu.enqueue_dma source(%dma_start3A_47 : memref<128xi32, #tpu.memory_space<hbm>>) target(%dma_start3A_44 : memref<128xi32, #tpu.memory_space<vmem>>) target_semaphore(%run_scoped3A_35 : memref<!tpu.dma_semaphore, #tpu.memory_space<semaphore_mem>>)
        %dma_wait3A = arith.constant 0 : i32
        %dma_wait3A_48 = tpu.memref_slice %arg7[%run_scoped3A_29, %dma_wait3A] : memref<2x128xi32, #tpu.memory_space<vmem>> -> memref<1x128xi32, #tpu.memory_space<vmem>>
        %dma_wait3A_49 = tpu.memref_squeeze %dma_wait3A_48 : memref<1x128xi32, #tpu.memory_space<vmem>> -> memref<128xi32, #tpu.memory_space<vmem>>
        %dma_wait3A_50 = arith.constant 0 : i32
        %dma_wait3A_51 = tpu.memref_slice %arg2[%add3A_28, %dma_wait3A_50] : memref<2608x128xi32, #tpu.memory_space<hbm>> -> memref<1x128xi32, #tpu.memory_space<hbm>>
        %dma_wait3A_52 = tpu.memref_squeeze %dma_wait3A_51 : memref<1x128xi32, #tpu.memory_space<hbm>> -> memref<128xi32, #tpu.memory_space<hbm>>
        %dma_wait3A_53 = arith.constant 0 : i32
        %dma_wait3A_54 = tpu.memref_slice %arg7[%run_scoped3A_29, %dma_wait3A_53] : memref<2x128xi32, #tpu.memory_space<vmem>> -> memref<1x128xi32, #tpu.memory_space<vmem>>
        %dma_wait3A_55 = tpu.memref_squeeze %dma_wait3A_54 : memref<1x128xi32, #tpu.memory_space<vmem>> -> memref<128xi32, #tpu.memory_space<vmem>>
        %dma_wait3A_56 = arith.constant 0 : i32
        %dma_wait3A_57 = tpu.memref_slice %arg2[%add3A_28, %dma_wait3A_56] : memref<2608x128xi32, #tpu.memory_space<hbm>> -> memref<1x128xi32, #tpu.memory_space<hbm>>
        %dma_wait3A_58 = tpu.memref_squeeze %dma_wait3A_57 : memref<1x128xi32, #tpu.memory_space<hbm>> -> memref<128xi32, #tpu.memory_space<hbm>>
        tpu.wait_dma2 semaphore(%run_scoped3A_35 : memref<!tpu.dma_semaphore, #tpu.memory_space<semaphore_mem>>) src(%dma_wait3A_58 : memref<128xi32, #tpu.memory_space<hbm>>) dst(%dma_wait3A_55 : memref<128xi32, #tpu.memory_space<vmem>>)
        tpu.yield
      }) : () -> ()
      %scan3A = arith.constant 0 : i32
      %scan3A_30 = arith.constant 0 : i32
      %scan3A_31 = arith.constant 56 : i32
      %scan3A_32 = arith.addi %scan3A_30, %scan3A_31 : i32
      %scan3A_33 = arith.constant 1 : i32
      scf.for %scan3A_35 = %scan3A_30 to %scan3A_32 step %scan3A_33  : i32 {
        %rem3A = arith.constant 2 : i32
        %rem3A_36 = arith.remsi %scan3A_35, %rem3A : i32
        %add3A_37 = arith.constant 1 : i32
        %add3A_38 = arith.addi %scan3A_35, %add3A_37 : i32
        %rem3A_39 = arith.constant 2 : i32
        %rem3A_40 = arith.remsi %add3A_38, %rem3A_39 : i32
        %dma_wait3A = arith.constant 0 : i32
        %dma_wait3A_41 = arith.constant 0 : i32
        %dma_wait3A_42 = tpu.memref_slice %arg9[%rem3A_36, %dma_wait3A, %dma_wait3A_41] : memref<2x128x128xf32, #tpu.memory_space<vmem>> -> memref<1x128x128xf32, #tpu.memory_space<vmem>>
        %dma_wait3A_43 = tpu.memref_squeeze %dma_wait3A_42 : memref<1x128x128xf32, #tpu.memory_space<vmem>> -> memref<128x128xf32, #tpu.memory_space<vmem>>
        %dma_wait3A_44 = arith.constant 0 : i32
        %dma_wait3A_45 = tpu.memref_slice %arg7[%rem3A_36, %dma_wait3A_44] : memref<2x128xi32, #tpu.memory_space<vmem>> -> memref<1x128xi32, #tpu.memory_space<vmem>>
        %dma_wait3A_46 = tpu.memref_squeeze %dma_wait3A_45 : memref<1x128xi32, #tpu.memory_space<vmem>> -> memref<128xi32, #tpu.memory_space<vmem>>
        %dma_wait3A_47 = arith.constant 0 : i32
        %dma_wait3A_48 = arith.constant 0 : i32
        %dma_wait3A_49 = tpu.memref_slice %arg4[%dma_wait3A_47, %dma_wait3A_48] : memref<10240x128xf32, #tpu.memory_space<hbm>> -> memref<10240x128xf32, #tpu.memory_space<hbm>>
        tpu.wait_indirect_dma semaphore(%arg11 : memref<!tpu.dma_semaphore, #tpu.memory_space<semaphore_mem>>) src(%dma_wait3A_49 : memref<10240x128xf32, #tpu.memory_space<hbm>>) dst(%dma_wait3A_43 : memref<128x128xf32, #tpu.memory_space<vmem>>)
        %add3A_50 = arith.constant 1 : i32
        %add3A_51 = arith.addi %scan3A_35, %add3A_50 : i32
        %lt3A = arith.constant 56 : i32
        %lt3A_52 = arith.cmpi slt, %add3A_51, %lt3A : i32
        %convert_element_type3A_53 = arith.extui %lt3A_52 : i1 to i32
        %cond3A_54 = arith.constant 0 : i32
        %cond3A_55 = arith.cmpi ne, %convert_element_type3A_53, %cond3A_54 : i32
        scf.if %cond3A_55 {
          %dma_start3A_63 = arith.constant 0 : i32
          %dma_start3A_64 = arith.constant 0 : i32
          %dma_start3A_65 = tpu.memref_slice %arg9[%rem3A_40, %dma_start3A_63, %dma_start3A_64] : memref<2x128x128xf32, #tpu.memory_space<vmem>> -> memref<1x128x128xf32, #tpu.memory_space<vmem>>
          %dma_start3A_66 = tpu.memref_squeeze %dma_start3A_65 : memref<1x128x128xf32, #tpu.memory_space<vmem>> -> memref<128x128xf32, #tpu.memory_space<vmem>>
          %dma_start3A_67 = arith.constant 0 : i32
          %dma_start3A_68 = tpu.memref_slice %arg7[%rem3A_40, %dma_start3A_67] : memref<2x128xi32, #tpu.memory_space<vmem>> -> memref<1x128xi32, #tpu.memory_space<vmem>>
          %dma_start3A_69 = tpu.memref_squeeze %dma_start3A_68 : memref<1x128xi32, #tpu.memory_space<vmem>> -> memref<128xi32, #tpu.memory_space<vmem>>
          %dma_start3A_70 = arith.constant 0 : i32
          %dma_start3A_71 = arith.constant 0 : i32
          %dma_start3A_72 = tpu.memref_slice %arg4[%dma_start3A_70, %dma_start3A_71] : memref<10240x128xf32, #tpu.memory_space<hbm>> -> memref<10240x128xf32, #tpu.memory_space<hbm>>
          tpu.enqueue_indirect_dma source(%dma_start3A_72 : memref<10240x128xf32, #tpu.memory_space<hbm>>) target(%dma_start3A_66 : memref<128x128xf32, #tpu.memory_space<vmem>>) offsets(%dma_start3A_69 : memref<128xi32, #tpu.memory_space<vmem>>) semaphore(%arg11 : memref<!tpu.dma_semaphore, #tpu.memory_space<semaphore_mem>>)
        } else {
        }
        "tpu.region"() ({
          %run_scoped3A_63 = tpu.sem_alloc : memref<!tpu.dma_semaphore, #tpu.memory_space<semaphore_mem>>
          %dma_start3A_64 = arith.constant 0 : i32
          %dma_start3A_65 = arith.constant 0 : i32
          %dma_start3A_66 = tpu.memref_slice %arg9[%rem3A_36, %dma_start3A_64, %dma_start3A_65] : memref<2x128x128xf32, #tpu.memory_space<vmem>> -> memref<1x128x128xf32, #tpu.memory_space<vmem>>
          %dma_start3A_67 = tpu.memref_squeeze %dma_start3A_66 : memref<1x128x128xf32, #tpu.memory_space<vmem>> -> memref<128x128xf32, #tpu.memory_space<vmem>>
          %dma_start3A_68 = arith.constant 0 : i32
          %dma_start3A_69 = tpu.memref_slice %arg8[%scan3A_35, %dma_start3A_68] : memref<104x128xi32, #tpu.memory_space<vmem>> -> memref<1x128xi32, #tpu.memory_space<vmem>>
          %dma_start3A_70 = tpu.memref_squeeze %dma_start3A_69 : memref<1x128xi32, #tpu.memory_space<vmem>> -> memref<128xi32, #tpu.memory_space<vmem>>
          %dma_start3A_71 = arith.constant 0 : i32
          %dma_start3A_72 = arith.constant 0 : i32
          %dma_start3A_73 = tpu.memref_slice %arg10[%dma_start3A_71, %dma_start3A_72] : memref<10240x128xf32, #tpu.memory_space<vmem_shared>> -> memref<10240x128xf32, #tpu.memory_space<vmem_shared>>
          tpu.enqueue_indirect_dma source(%dma_start3A_67 : memref<128x128xf32, #tpu.memory_space<vmem>>) target(%dma_start3A_73 : memref<10240x128xf32, #tpu.memory_space<vmem_shared>>) offsets(%dma_start3A_70 : memref<128xi32, #tpu.memory_space<vmem>>) semaphore(%run_scoped3A_63 : memref<!tpu.dma_semaphore, #tpu.memory_space<semaphore_mem>>) {add = true}
          %dma_wait3A_74 = arith.constant 0 : i32
          %dma_wait3A_75 = arith.constant 0 : i32
          %dma_wait3A_76 = tpu.memref_slice %arg9[%rem3A_36, %dma_wait3A_74, %dma_wait3A_75] : memref<2x128x128xf32, #tpu.memory_space<vmem>> -> memref<1x128x128xf32, #tpu.memory_space<vmem>>
          %dma_wait3A_77 = tpu.memref_squeeze %dma_wait3A_76 : memref<1x128x128xf32, #tpu.memory_space<vmem>> -> memref<128x128xf32, #tpu.memory_space<vmem>>
          %dma_wait3A_78 = arith.constant 0 : i32
          %dma_wait3A_79 = tpu.memref_slice %arg8[%scan3A_35, %dma_wait3A_78] : memref<104x128xi32, #tpu.memory_space<vmem>> -> memref<1x128xi32, #tpu.memory_space<vmem>>
          %dma_wait3A_80 = tpu.memref_squeeze %dma_wait3A_79 : memref<1x128xi32, #tpu.memory_space<vmem>> -> memref<128xi32, #tpu.memory_space<vmem>>
          %dma_wait3A_81 = arith.constant 0 : i32
          %dma_wait3A_82 = arith.constant 0 : i32
          %dma_wait3A_83 = tpu.memref_slice %arg10[%dma_wait3A_81, %dma_wait3A_82] : memref<10240x128xf32, #tpu.memory_space<vmem_shared>> -> memref<10240x128xf32, #tpu.memory_space<vmem_shared>>
          tpu.wait_indirect_dma semaphore(%run_scoped3A_63 : memref<!tpu.dma_semaphore, #tpu.memory_space<semaphore_mem>>) src(%dma_wait3A_77 : memref<128x128xf32, #tpu.memory_space<vmem>>) dst(%dma_wait3A_83 : memref<10240x128xf32, #tpu.memory_space<vmem_shared>>)
          tpu.yield
        }) : () -> ()
        %add3A_56 = arith.constant 2 : i32
        %add3A_57 = arith.addi %scan3A_35, %add3A_56 : i32
        %lt3A_58 = arith.constant 56 : i32
        %lt3A_59 = arith.cmpi slt, %add3A_57, %lt3A_58 : i32
        %convert_element_type3A_60 = arith.extui %lt3A_59 : i1 to i32
        %cond3A_61 = arith.constant 0 : i32
        %cond3A_62 = arith.cmpi ne, %convert_element_type3A_60, %cond3A_61 : i32
        scf.if %cond3A_62 {
          %add3A_63 = arith.addi %add3A_15, %scan3A_35 : i32
          %add3A_64 = arith.constant 2 : i32
          %add3A_65 = arith.addi %add3A_63, %add3A_64 : i32
          "tpu.region"() ({
            %run_scoped3A_66 = tpu.sem_alloc : memref<!tpu.dma_semaphore, #tpu.memory_space<semaphore_mem>>
            %dma_start3A_67 = arith.constant 0 : i32
            %dma_start3A_68 = tpu.memref_slice %arg7[%rem3A_36, %dma_start3A_67] : memref<2x128xi32, #tpu.memory_space<vmem>> -> memref<1x128xi32, #tpu.memory_space<vmem>>
            %dma_start3A_69 = tpu.memref_squeeze %dma_start3A_68 : memref<1x128xi32, #tpu.memory_space<vmem>> -> memref<128xi32, #tpu.memory_space<vmem>>
            %dma_start3A_70 = arith.constant 0 : i32
            %dma_start3A_71 = tpu.memref_slice %arg2[%add3A_65, %dma_start3A_70] : memref<2608x128xi32, #tpu.memory_space<hbm>> -> memref<1x128xi32, #tpu.memory_space<hbm>>
            %dma_start3A_72 = tpu.memref_squeeze %dma_start3A_71 : memref<1x128xi32, #tpu.memory_space<hbm>> -> memref<128xi32, #tpu.memory_space<hbm>>
            %dma_start3A_73 = arith.constant 0 : i32
            %dma_start3A_74 = tpu.memref_slice %arg7[%rem3A_36, %dma_start3A_73] : memref<2x128xi32, #tpu.memory_space<vmem>> -> memref<1x128xi32, #tpu.memory_space<vmem>>
            %dma_start3A_75 = tpu.memref_squeeze %dma_start3A_74 : memref<1x128xi32, #tpu.memory_space<vmem>> -> memref<128xi32, #tpu.memory_space<vmem>>
            %dma_start3A_76 = arith.constant 0 : i32
            %dma_start3A_77 = tpu.memref_slice %arg2[%add3A_65, %dma_start3A_76] : memref<2608x128xi32, #tpu.memory_space<hbm>> -> memref<1x128xi32, #tpu.memory_space<hbm>>
            %dma_start3A_78 = tpu.memref_squeeze %dma_start3A_77 : memref<1x128xi32, #tpu.memory_space<hbm>> -> memref<128xi32, #tpu.memory_space<hbm>>
            tpu.enqueue_dma source(%dma_start3A_78 : memref<128xi32, #tpu.memory_space<hbm>>) target(%dma_start3A_75 : memref<128xi32, #tpu.memory_space<vmem>>) target_semaphore(%run_scoped3A_66 : memref<!tpu.dma_semaphore, #tpu.memory_space<semaphore_mem>>)
            %dma_wait3A_79 = arith.constant 0 : i32
            %dma_wait3A_80 = tpu.memref_slice %arg7[%rem3A_36, %dma_wait3A_79] : memref<2x128xi32, #tpu.memory_space<vmem>> -> memref<1x128xi32, #tpu.memory_space<vmem>>
            %dma_wait3A_81 = tpu.memref_squeeze %dma_wait3A_80 : memref<1x128xi32, #tpu.memory_space<vmem>> -> memref<128xi32, #tpu.memory_space<vmem>>
            %dma_wait3A_82 = arith.constant 0 : i32
            %dma_wait3A_83 = tpu.memref_slice %arg2[%add3A_65, %dma_wait3A_82] : memref<2608x128xi32, #tpu.memory_space<hbm>> -> memref<1x128xi32, #tpu.memory_space<hbm>>
            %dma_wait3A_84 = tpu.memref_squeeze %dma_wait3A_83 : memref<1x128xi32, #tpu.memory_space<hbm>> -> memref<128xi32, #tpu.memory_space<hbm>>
            %dma_wait3A_85 = arith.constant 0 : i32
            %dma_wait3A_86 = tpu.memref_slice %arg7[%rem3A_36, %dma_wait3A_85] : memref<2x128xi32, #tpu.memory_space<vmem>> -> memref<1x128xi32, #tpu.memory_space<vmem>>
            %dma_wait3A_87 = tpu.memref_squeeze %dma_wait3A_86 : memref<1x128xi32, #tpu.memory_space<vmem>> -> memref<128xi32, #tpu.memory_space<vmem>>
            %dma_wait3A_88 = arith.constant 0 : i32
            %dma_wait3A_89 = tpu.memref_slice %arg2[%add3A_65, %dma_wait3A_88] : memref<2608x128xi32, #tpu.memory_space<hbm>> -> memref<1x128xi32, #tpu.memory_space<hbm>>
            %dma_wait3A_90 = tpu.memref_squeeze %dma_wait3A_89 : memref<1x128xi32, #tpu.memory_space<hbm>> -> memref<128xi32, #tpu.memory_space<hbm>>
            tpu.wait_dma2 semaphore(%run_scoped3A_66 : memref<!tpu.dma_semaphore, #tpu.memory_space<semaphore_mem>>) src(%dma_wait3A_90 : memref<128xi32, #tpu.memory_space<hbm>>) dst(%dma_wait3A_87 : memref<128xi32, #tpu.memory_space<vmem>>)
            tpu.yield
          }) : () -> ()
        } else {
        }
      }
      %scan3A_34 = arith.constant 56 : i32
    } else {
    }
    %barrier3A_8 = arith.constant 0 : index
    tpu.barrier barrier_id(%barrier3A_8)
    %mul3A_9 = arith.constant 640 : i32
    %mul3A_10 = arith.muli %arg1, %mul3A_9 : i32
    %mul3A_11 = arith.constant 640 : i32
    %mul3A_12 = arith.muli %arg1, %mul3A_11 : i32
    "tpu.region"() ({
      %run_scoped3A = tpu.sem_alloc : memref<!tpu.dma_semaphore, #tpu.memory_space<semaphore_mem>>
      %dma_start3A = arith.constant 0 : i32
      %dma_start3A_13 = tpu.memref_slice %arg6[%arg0, %mul3A_12, %dma_start3A] : memref<2x10240x128xf32, #tpu.memory_space<hbm>> -> memref<1x640x128xf32, #tpu.memory_space<hbm>>
      %dma_start3A_14 = tpu.memref_squeeze %dma_start3A_13 : memref<1x640x128xf32, #tpu.memory_space<hbm>> -> memref<640x128xf32, #tpu.memory_space<hbm>>
      %dma_start3A_15 = arith.constant 0 : i32
      %dma_start3A_16 = tpu.memref_slice %arg10[%mul3A_10, %dma_start3A_15] : memref<10240x128xf32, #tpu.memory_space<vmem_shared>> -> memref<640x128xf32, #tpu.memory_space<vmem_shared>>
      tpu.enqueue_dma source(%dma_start3A_16 : memref<640x128xf32, #tpu.memory_space<vmem_shared>>) target(%dma_start3A_14 : memref<640x128xf32, #tpu.memory_space<hbm>>) target_semaphore(%run_scoped3A : memref<!tpu.dma_semaphore, #tpu.memory_space<semaphore_mem>>)
      %dma_wait3A = arith.constant 0 : i32
      %dma_wait3A_17 = tpu.memref_slice %arg6[%arg0, %mul3A_12, %dma_wait3A] : memref<2x10240x128xf32, #tpu.memory_space<hbm>> -> memref<1x640x128xf32, #tpu.memory_space<hbm>>
      %dma_wait3A_18 = tpu.memref_squeeze %dma_wait3A_17 : memref<1x640x128xf32, #tpu.memory_space<hbm>> -> memref<640x128xf32, #tpu.memory_space<hbm>>
      %dma_wait3A_19 = arith.constant 0 : i32
      %dma_wait3A_20 = tpu.memref_slice %arg10[%mul3A_10, %dma_wait3A_19] : memref<10240x128xf32, #tpu.memory_space<vmem_shared>> -> memref<640x128xf32, #tpu.memory_space<vmem_shared>>
      tpu.wait_dma2 semaphore(%run_scoped3A : memref<!tpu.dma_semaphore, #tpu.memory_space<semaphore_mem>>) src(%dma_wait3A_20 : memref<640x128xf32, #tpu.memory_space<vmem_shared>>) dst(%dma_wait3A_18 : memref<640x128xf32, #tpu.memory_space<hbm>>)
      tpu.yield
    }) : () -> ()
    return
  }
}

module attributes {stable_mosaic.version = 14 : i64} {
  func.func @_tc_mid_body(%arg0: memref<2x10240x128xf32, #tpu.memory_space<vmem>>, %arg1: memref<10240x128xf32, #tpu.memory_space<vmem>>, %arg2: memref<2x10240xf32, #tpu.memory_space<vmem>>, %arg3: memref<128xf32, #tpu.memory_space<vmem>>, %arg4: memref<128x128xf32, #tpu.memory_space<vmem>>, %arg5: memref<10240x128xf32, #tpu.memory_space<vmem>>) attributes {dimension_semantics = [], scalar_prefetch = 0 : i64, scratch_operands = 0 : i64, tpu.core_type = #tpu.core_type<tc>} {
    %get3A = arith.constant 0 : index
    %get3A_0 = arith.constant 0 : index
    %get3A_1 = vector.load %arg2[%get3A, %get3A_0] : memref<2x10240xf32, #tpu.memory_space<vmem>>, vector<1x10240xf32>
    %get3A_2 = vector.shape_cast %get3A_1 : vector<1x10240xf32> to vector<10240xf32>
    %get3A_3 = arith.constant 1 : index
    %get3A_4 = arith.constant 0 : index
    %get3A_5 = vector.load %arg2[%get3A_3, %get3A_4] : memref<2x10240xf32, #tpu.memory_space<vmem>>, vector<1x10240xf32>
    %get3A_6 = vector.shape_cast %get3A_5 : vector<1x10240xf32> to vector<10240xf32>
    %add3A = arith.addf %get3A_2, %get3A_6 : vector<10240xf32>
    %add3A_7 = arith.constant 1.000000e+00 : f32
    %add3A_8 = vector.broadcast %add3A_7 : f32 to vector<10240xf32>
    %add3A_9 = arith.addf %add3A, %add3A_8 : vector<10240xf32>
    %rsqrt3A = math.rsqrt %add3A_9 : vector<10240xf32>
    %broadcast_in_dim3A = vector.shape_cast %rsqrt3A : vector<10240xf32> to vector<10240x1xf32>
    %get3A_10 = arith.constant 0 : index
    %get3A_11 = arith.constant 0 : index
    %get3A_12 = arith.constant 0 : index
    %get3A_13 = vector.load %arg0[%get3A_10, %get3A_11, %get3A_12] : memref<2x10240x128xf32, #tpu.memory_space<vmem>>, vector<1x10240x128xf32>
    %get3A_14 = vector.shape_cast %get3A_13 : vector<1x10240x128xf32> to vector<10240x128xf32>
    %get3A_15 = arith.constant 1 : index
    %get3A_16 = arith.constant 0 : index
    %get3A_17 = arith.constant 0 : index
    %get3A_18 = vector.load %arg0[%get3A_15, %get3A_16, %get3A_17] : memref<2x10240x128xf32, #tpu.memory_space<vmem>>, vector<1x10240x128xf32>
    %get3A_19 = vector.shape_cast %get3A_18 : vector<1x10240x128xf32> to vector<10240x128xf32>
    %add3A_20 = arith.addf %get3A_14, %get3A_19 : vector<10240x128xf32>
    %get3A_21 = arith.constant 0 : index
    %get3A_22 = arith.constant 0 : index
    %get3A_23 = vector.load %arg1[%get3A_21, %get3A_22] : memref<10240x128xf32, #tpu.memory_space<vmem>>, vector<10240x128xf32>
    %add3A_24 = arith.addf %add3A_20, %get3A_23 : vector<10240x128xf32>
    %mul3A = vector.broadcast %broadcast_in_dim3A : vector<10240x1xf32> to vector<10240x128xf32>
    %mul3A_25 = arith.mulf %mul3A, %add3A_24 : vector<10240x128xf32>
    %get3A_26 = arith.constant 0 : index
    %get3A_27 = vector.load %arg3[%get3A_26] : memref<128xf32, #tpu.memory_space<vmem>>, vector<128xf32>
    %broadcast_in_dim3A_28 = vector.shape_cast %get3A_27 : vector<128xf32> to vector<1x128xf32>
    %add3A_29 = vector.broadcast %broadcast_in_dim3A_28 : vector<1x128xf32> to vector<10240x128xf32>
    %add3A_30 = arith.addf %mul3A_25, %add3A_29 : vector<10240x128xf32>
    %max3A = arith.constant 0.000000e+00 : f32
    %max3A_31 = vector.broadcast %max3A : f32 to vector<10240x128xf32>
    %max3A_32 = arith.maximumf %add3A_30, %max3A_31 : vector<10240x128xf32>
    %get3A_33 = arith.constant 0 : index
    %get3A_34 = arith.constant 0 : index
    %get3A_35 = vector.load %arg4[%get3A_33, %get3A_34] : memref<128x128xf32, #tpu.memory_space<vmem>>, vector<128x128xf32>
    %dot_general3A = arith.constant dense<0.000000e+00> : vector<10240x128xf32>
    %dot_general3A_36 = tpu.matmul %max3A_32, %get3A_35, %dot_general3A {dimension_numbers = #tpu.dot_dimension_numbers<[1], [0], [0], [1], [0, 0, 1, 1], [], []>, transpose_lhs_hint = false} : vector<10240x128xf32>, vector<128x128xf32>, vector<10240x128xf32> -> vector<10240x128xf32>
    %broadcast_in_dim3A_37 = vector.shape_cast %rsqrt3A : vector<10240xf32> to vector<10240x1xf32>
    %mul3A_38 = vector.broadcast %broadcast_in_dim3A_37 : vector<10240x1xf32> to vector<10240x128xf32>
    %mul3A_39 = arith.mulf %dot_general3A_36, %mul3A_38 : vector<10240x128xf32>
    %swap3A = arith.constant 0 : index
    %swap3A_40 = arith.constant 0 : index
    %swap3A_41 = vector.load %arg5[%swap3A, %swap3A_40] : memref<10240x128xf32, #tpu.memory_space<vmem>>, vector<10240x128xf32>
    tpu.vector_store %arg5[%swap3A, %swap3A_40], %mul3A_39 {strides = array<i32>} : memref<10240x128xf32, #tpu.memory_space<vmem>>, vector<10240x128xf32>,
    return
  }
}

module attributes {stable_mosaic.version = 14 : i64} {
  func.func @_tc_pre_body(%arg0: memref<10240x128xf32, #tpu.memory_space<vmem>>, %arg1: memref<2x10240xf32, #tpu.memory_space<vmem>>, %arg2: memref<128x128xf32, #tpu.memory_space<vmem>>, %arg3: memref<128xf32, #tpu.memory_space<vmem>>, %arg4: memref<128x128xf32, #tpu.memory_space<vmem>>, %arg5: memref<10240x128xf32, #tpu.memory_space<vmem>>) attributes {dimension_semantics = [], scalar_prefetch = 0 : i64, scratch_operands = 0 : i64, tpu.core_type = #tpu.core_type<tc>} {
    %get3A = arith.constant 0 : index
    %get3A_0 = arith.constant 0 : index
    %get3A_1 = vector.load %arg1[%get3A, %get3A_0] : memref<2x10240xf32, #tpu.memory_space<vmem>>, vector<1x10240xf32>
    %get3A_2 = vector.shape_cast %get3A_1 : vector<1x10240xf32> to vector<10240xf32>
    %get3A_3 = arith.constant 1 : index
    %get3A_4 = arith.constant 0 : index
    %get3A_5 = vector.load %arg1[%get3A_3, %get3A_4] : memref<2x10240xf32, #tpu.memory_space<vmem>>, vector<1x10240xf32>
    %get3A_6 = vector.shape_cast %get3A_5 : vector<1x10240xf32> to vector<10240xf32>
    %add3A = arith.addf %get3A_2, %get3A_6 : vector<10240xf32>
    %add3A_7 = arith.constant 1.000000e+00 : f32
    %add3A_8 = vector.broadcast %add3A_7 : f32 to vector<10240xf32>
    %add3A_9 = arith.addf %add3A, %add3A_8 : vector<10240xf32>
    %rsqrt3A = math.rsqrt %add3A_9 : vector<10240xf32>
    %get3A_10 = arith.constant 0 : index
    %get3A_11 = arith.constant 0 : index
    %get3A_12 = vector.load %arg0[%get3A_10, %get3A_11] : memref<10240x128xf32, #tpu.memory_space<vmem>>, vector<10240x128xf32>
    %get3A_13 = arith.constant 0 : index
    %get3A_14 = arith.constant 0 : index
    %get3A_15 = vector.load %arg2[%get3A_13, %get3A_14] : memref<128x128xf32, #tpu.memory_space<vmem>>, vector<128x128xf32>
    %dot_general3A = arith.constant dense<0.000000e+00> : vector<10240x128xf32>
    %dot_general3A_16 = tpu.matmul %get3A_12, %get3A_15, %dot_general3A {dimension_numbers = #tpu.dot_dimension_numbers<[1], [0], [0], [1], [0, 0, 1, 1], [], []>, transpose_lhs_hint = false} : vector<10240x128xf32>, vector<128x128xf32>, vector<10240x128xf32> -> vector<10240x128xf32>
    %get3A_17 = arith.constant 0 : index
    %get3A_18 = vector.load %arg3[%get3A_17] : memref<128xf32, #tpu.memory_space<vmem>>, vector<128xf32>
    %broadcast_in_dim3A = vector.shape_cast %get3A_18 : vector<128xf32> to vector<1x128xf32>
    %add3A_19 = vector.broadcast %broadcast_in_dim3A : vector<1x128xf32> to vector<10240x128xf32>
    %add3A_20 = arith.addf %dot_general3A_16, %add3A_19 : vector<10240x128xf32>
    %get3A_21 = arith.constant 0 : index
    %get3A_22 = arith.constant 0 : index
    %get3A_23 = vector.load %arg4[%get3A_21, %get3A_22] : memref<128x128xf32, #tpu.memory_space<vmem>>, vector<128x128xf32>
    %dot_general3A_24 = arith.constant dense<0.000000e+00> : vector<10240x128xf32>
    %dot_general3A_25 = tpu.matmul %add3A_20, %get3A_23, %dot_general3A_24 {dimension_numbers = #tpu.dot_dimension_numbers<[1], [0], [0], [1], [0, 0, 1, 1], [], []>, transpose_lhs_hint = false} : vector<10240x128xf32>, vector<128x128xf32>, vector<10240x128xf32> -> vector<10240x128xf32>
    %broadcast_in_dim3A_26 = vector.shape_cast %rsqrt3A : vector<10240xf32> to vector<10240x1xf32>
    %mul3A = vector.broadcast %broadcast_in_dim3A_26 : vector<10240x1xf32> to vector<10240x128xf32>
    %mul3A_27 = arith.mulf %dot_general3A_25, %mul3A : vector<10240x128xf32>
    %swap3A = arith.constant 0 : index
    %swap3A_28 = arith.constant 0 : index
    %swap3A_29 = vector.load %arg5[%swap3A, %swap3A_28] : memref<10240x128xf32, #tpu.memory_space<vmem>>, vector<10240x128xf32>
    tpu.vector_store %arg5[%swap3A, %swap3A_28], %mul3A_27 {strides = array<i32>} : memref<10240x128xf32, #tpu.memory_space<vmem>>, vector<10240x128xf32>,
    return
  }
}

module attributes {stable_mosaic.version = 14 : i64} {
  func.func @_tc_fin_body(%arg0: memref<2x10240x128xf32, #tpu.memory_space<vmem>>, %arg1: memref<10240x128xf32, #tpu.memory_space<vmem>>, %arg2: memref<2x10240xf32, #tpu.memory_space<vmem>>, %arg3: memref<128xf32, #tpu.memory_space<vmem>>, %arg4: memref<128x128xf32, #tpu.memory_space<vmem>>, %arg5: memref<128xf32, #tpu.memory_space<vmem>>, %arg6: memref<10240x128xf32, #tpu.memory_space<vmem>>, %arg7: memref<128x128xf32, #tpu.memory_space<vmem>>, %arg8: memref<128xf32, #tpu.memory_space<vmem>>, %arg9: memref<128x128xf32, #tpu.memory_space<vmem>>, %arg10: memref<128xf32, #tpu.memory_space<vmem>>, %arg11: memref<128x128xf32, #tpu.memory_space<vmem>>, %arg12: memref<128xf32, #tpu.memory_space<vmem>>, %arg13: memref<128x128xf32, #tpu.memory_space<vmem>>, %arg14: memref<128xf32, #tpu.memory_space<vmem>>, %arg15: memref<256x1xf32, #tpu.memory_space<vmem>>, %arg16: memref<1xf32, #tpu.memory_space<vmem>>, %arg17: memref<10240x1xf32, #tpu.memory_space<vmem>>) attributes {dimension_semantics = [], scalar_prefetch = 0 : i64, scratch_operands = 0 : i64, tpu.core_type = #tpu.core_type<tc>} {
    %get3A = arith.constant 0 : index
    %get3A_0 = arith.constant 0 : index
    %get3A_1 = vector.load %arg2[%get3A, %get3A_0] : memref<2x10240xf32, #tpu.memory_space<vmem>>, vector<1x10240xf32>
    %get3A_2 = vector.shape_cast %get3A_1 : vector<1x10240xf32> to vector<10240xf32>
    %get3A_3 = arith.constant 1 : index
    %get3A_4 = arith.constant 0 : index
    %get3A_5 = vector.load %arg2[%get3A_3, %get3A_4] : memref<2x10240xf32, #tpu.memory_space<vmem>>, vector<1x10240xf32>
    %get3A_6 = vector.shape_cast %get3A_5 : vector<1x10240xf32> to vector<10240xf32>
    %add3A = arith.addf %get3A_2, %get3A_6 : vector<10240xf32>
    %add3A_7 = arith.constant 1.000000e+00 : f32
    %add3A_8 = vector.broadcast %add3A_7 : f32 to vector<10240xf32>
    %add3A_9 = arith.addf %add3A, %add3A_8 : vector<10240xf32>
    %rsqrt3A = math.rsqrt %add3A_9 : vector<10240xf32>
    %broadcast_in_dim3A = vector.shape_cast %rsqrt3A : vector<10240xf32> to vector<10240x1xf32>
    %get3A_10 = arith.constant 0 : index
    %get3A_11 = arith.constant 0 : index
    %get3A_12 = arith.constant 0 : index
    %get3A_13 = vector.load %arg0[%get3A_10, %get3A_11, %get3A_12] : memref<2x10240x128xf32, #tpu.memory_space<vmem>>, vector<1x10240x128xf32>
    %get3A_14 = vector.shape_cast %get3A_13 : vector<1x10240x128xf32> to vector<10240x128xf32>
    %get3A_15 = arith.constant 1 : index
    %get3A_16 = arith.constant 0 : index
    %get3A_17 = arith.constant 0 : index
    %get3A_18 = vector.load %arg0[%get3A_15, %get3A_16, %get3A_17] : memref<2x10240x128xf32, #tpu.memory_space<vmem>>, vector<1x10240x128xf32>
    %get3A_19 = vector.shape_cast %get3A_18 : vector<1x10240x128xf32> to vector<10240x128xf32>
    %add3A_20 = arith.addf %get3A_14, %get3A_19 : vector<10240x128xf32>
    %get3A_21 = arith.constant 0 : index
    %get3A_22 = arith.constant 0 : index
    %get3A_23 = vector.load %arg1[%get3A_21, %get3A_22] : memref<10240x128xf32, #tpu.memory_space<vmem>>, vector<10240x128xf32>
    %add3A_24 = arith.addf %add3A_20, %get3A_23 : vector<10240x128xf32>
    %mul3A = vector.broadcast %broadcast_in_dim3A : vector<10240x1xf32> to vector<10240x128xf32>
    %mul3A_25 = arith.mulf %mul3A, %add3A_24 : vector<10240x128xf32>
    %get3A_26 = arith.constant 0 : index
    %get3A_27 = vector.load %arg3[%get3A_26] : memref<128xf32, #tpu.memory_space<vmem>>, vector<128xf32>
    %broadcast_in_dim3A_28 = vector.shape_cast %get3A_27 : vector<128xf32> to vector<1x128xf32>
    %add3A_29 = vector.broadcast %broadcast_in_dim3A_28 : vector<1x128xf32> to vector<10240x128xf32>
    %add3A_30 = arith.addf %mul3A_25, %add3A_29 : vector<10240x128xf32>
    %max3A = arith.constant 0.000000e+00 : f32
    %max3A_31 = vector.broadcast %max3A : f32 to vector<10240x128xf32>
    %max3A_32 = arith.maximumf %add3A_30, %max3A_31 : vector<10240x128xf32>
    %get3A_33 = arith.constant 0 : index
    %get3A_34 = arith.constant 0 : index
    %get3A_35 = vector.load %arg4[%get3A_33, %get3A_34] : memref<128x128xf32, #tpu.memory_space<vmem>>, vector<128x128xf32>
    %dot_general3A = arith.constant dense<0.000000e+00> : vector<10240x128xf32>
    %dot_general3A_36 = tpu.matmul %max3A_32, %get3A_35, %dot_general3A {dimension_numbers = #tpu.dot_dimension_numbers<[1], [0], [0], [1], [0, 0, 1, 1], [], []>, transpose_lhs_hint = false} : vector<10240x128xf32>, vector<128x128xf32>, vector<10240x128xf32> -> vector<10240x128xf32>
    %get3A_37 = arith.constant 0 : index
    %get3A_38 = vector.load %arg5[%get3A_37] : memref<128xf32, #tpu.memory_space<vmem>>, vector<128xf32>
    %broadcast_in_dim3A_39 = vector.shape_cast %get3A_38 : vector<128xf32> to vector<1x128xf32>
    %add3A_40 = vector.broadcast %broadcast_in_dim3A_39 : vector<1x128xf32> to vector<10240x128xf32>
    %add3A_41 = arith.addf %dot_general3A_36, %add3A_40 : vector<10240x128xf32>
    %get3A_42 = arith.constant 0 : index
    %get3A_43 = arith.constant 0 : index
    %get3A_44 = vector.load %arg6[%get3A_42, %get3A_43] : memref<10240x128xf32, #tpu.memory_space<vmem>>, vector<10240x128xf32>
    %get3A_45 = arith.constant 0 : index
    %get3A_46 = arith.constant 0 : index
    %get3A_47 = vector.load %arg7[%get3A_45, %get3A_46] : memref<128x128xf32, #tpu.memory_space<vmem>>, vector<128x128xf32>
    %dot_general3A_48 = arith.constant dense<0.000000e+00> : vector<10240x128xf32>
    %dot_general3A_49 = tpu.matmul %get3A_44, %get3A_47, %dot_general3A_48 {dimension_numbers = #tpu.dot_dimension_numbers<[1], [0], [0], [1], [0, 0, 1, 1], [], []>, transpose_lhs_hint = false} : vector<10240x128xf32>, vector<128x128xf32>, vector<10240x128xf32> -> vector<10240x128xf32>
    %get3A_50 = arith.constant 0 : index
    %get3A_51 = vector.load %arg8[%get3A_50] : memref<128xf32, #tpu.memory_space<vmem>>, vector<128xf32>
    %broadcast_in_dim3A_52 = vector.shape_cast %get3A_51 : vector<128xf32> to vector<1x128xf32>
    %add3A_53 = vector.broadcast %broadcast_in_dim3A_52 : vector<1x128xf32> to vector<10240x128xf32>
    %add3A_54 = arith.addf %dot_general3A_49, %add3A_53 : vector<10240x128xf32>
    %max3A_55 = arith.constant 0.000000e+00 : f32
    %max3A_56 = vector.broadcast %max3A_55 : f32 to vector<10240x128xf32>
    %max3A_57 = arith.maximumf %add3A_54, %max3A_56 : vector<10240x128xf32>
    %get3A_58 = arith.constant 0 : index
    %get3A_59 = arith.constant 0 : index
    %get3A_60 = vector.load %arg9[%get3A_58, %get3A_59] : memref<128x128xf32, #tpu.memory_space<vmem>>, vector<128x128xf32>
    %dot_general3A_61 = arith.constant dense<0.000000e+00> : vector<10240x128xf32>
    %dot_general3A_62 = tpu.matmul %max3A_57, %get3A_60, %dot_general3A_61 {dimension_numbers = #tpu.dot_dimension_numbers<[1], [0], [0], [1], [0, 0, 1, 1], [], []>, transpose_lhs_hint = false} : vector<10240x128xf32>, vector<128x128xf32>, vector<10240x128xf32> -> vector<10240x128xf32>
    %get3A_63 = arith.constant 0 : index
    %get3A_64 = vector.load %arg10[%get3A_63] : memref<128xf32, #tpu.memory_space<vmem>>, vector<128xf32>
    %broadcast_in_dim3A_65 = vector.shape_cast %get3A_64 : vector<128xf32> to vector<1x128xf32>
    %add3A_66 = vector.broadcast %broadcast_in_dim3A_65 : vector<1x128xf32> to vector<10240x128xf32>
    %add3A_67 = arith.addf %dot_general3A_62, %add3A_66 : vector<10240x128xf32>
    %max3A_68 = arith.constant 0.000000e+00 : f32
    %max3A_69 = vector.broadcast %max3A_68 : f32 to vector<10240x128xf32>
    %max3A_70 = arith.maximumf %add3A_67, %max3A_69 : vector<10240x128xf32>
    %get3A_71 = arith.constant 0 : index
    %get3A_72 = arith.constant 0 : index
    %get3A_73 = vector.load %arg11[%get3A_71, %get3A_72] : memref<128x128xf32, #tpu.memory_space<vmem>>, vector<128x128xf32>
    %dot_general3A_74 = arith.constant dense<0.000000e+00> : vector<10240x128xf32>
    %dot_general3A_75 = tpu.matmul %max3A_70, %get3A_73, %dot_general3A_74 {dimension_numbers = #tpu.dot_dimension_numbers<[1], [0], [0], [1], [0, 0, 1, 1], [], []>, transpose_lhs_hint = false} : vector<10240x128xf32>, vector<128x128xf32>, vector<10240x128xf32> -> vector<10240x128xf32>
    %get3A_76 = arith.constant 0 : index
    %get3A_77 = vector.load %arg12[%get3A_76] : memref<128xf32, #tpu.memory_space<vmem>>, vector<128xf32>
    %broadcast_in_dim3A_78 = vector.shape_cast %get3A_77 : vector<128xf32> to vector<1x128xf32>
    %add3A_79 = vector.broadcast %broadcast_in_dim3A_78 : vector<1x128xf32> to vector<10240x128xf32>
    %add3A_80 = arith.addf %dot_general3A_75, %add3A_79 : vector<10240x128xf32>
    %max3A_81 = arith.constant 0.000000e+00 : f32
    %max3A_82 = vector.broadcast %max3A_81 : f32 to vector<10240x128xf32>
    %max3A_83 = arith.maximumf %add3A_80, %max3A_82 : vector<10240x128xf32>
    %get3A_84 = arith.constant 0 : index
    %get3A_85 = arith.constant 0 : index
    %get3A_86 = vector.load %arg13[%get3A_84, %get3A_85] : memref<128x128xf32, #tpu.memory_space<vmem>>, vector<128x128xf32>
    %dot_general3A_87 = arith.constant dense<0.000000e+00> : vector<10240x128xf32>
    %dot_general3A_88 = tpu.matmul %max3A_83, %get3A_86, %dot_general3A_87 {dimension_numbers = #tpu.dot_dimension_numbers<[1], [0], [0], [1], [0, 0, 1, 1], [], []>, transpose_lhs_hint = false} : vector<10240x128xf32>, vector<128x128xf32>, vector<10240x128xf32> -> vector<10240x128xf32>
    %get3A_89 = arith.constant 0 : index
    %get3A_90 = vector.load %arg14[%get3A_89] : memref<128xf32, #tpu.memory_space<vmem>>, vector<128xf32>
    %broadcast_in_dim3A_91 = vector.shape_cast %get3A_90 : vector<128xf32> to vector<1x128xf32>
    %add3A_92 = vector.broadcast %broadcast_in_dim3A_91 : vector<1x128xf32> to vector<10240x128xf32>
    %add3A_93 = arith.addf %dot_general3A_88, %add3A_92 : vector<10240x128xf32>
    %concatenate3A = tpu.concatenate %add3A_41, %add3A_93 in 1 : vector<10240x128xf32>, vector<10240x128xf32> -> vector<10240x256xf32>
    %get3A_94 = arith.constant 0 : index
    %get3A_95 = arith.constant 0 : index
    %get3A_96 = vector.load %arg15[%get3A_94, %get3A_95] : memref<256x1xf32, #tpu.memory_space<vmem>>, vector<256x1xf32>
    %dot_general3A_97 = arith.constant dense<0.000000e+00> : vector<10240x1xf32>
    %dot_general3A_98 = tpu.matmul %concatenate3A, %get3A_96, %dot_general3A_97 {dimension_numbers = #tpu.dot_dimension_numbers<[1], [0], [0], [1], [0, 0, 1, 1], [], []>, transpose_lhs_hint = false} : vector<10240x256xf32>, vector<256x1xf32>, vector<10240x1xf32> -> vector<10240x1xf32>
    %get3A_99 = arith.constant 0 : index
    %get3A_100 = vector.load %arg16[%get3A_99] : memref<1xf32, #tpu.memory_space<vmem>>, vector<1xf32>
    %broadcast_in_dim3A_101 = vector.shape_cast %get3A_100 : vector<1xf32> to vector<1x1xf32>
    %add3A_102 = vector.broadcast %broadcast_in_dim3A_101 : vector<1x1xf32> to vector<10240x1xf32>
    %add3A_103 = arith.addf %dot_general3A_98, %add3A_102 : vector<10240x1xf32>
    %logistic3A = arith.negf %add3A_103 : vector<10240x1xf32>
    %logistic3A_104 = math.exp %logistic3A : vector<10240x1xf32>
    %logistic3A_105 = arith.constant 1.000000e+00 : f32
    %logistic3A_106 = vector.broadcast %logistic3A_105 : f32 to vector<10240x1xf32>
    %logistic3A_107 = arith.addf %logistic3A_106, %logistic3A_104 : vector<10240x1xf32>
    %logistic3A_108 = arith.divf %logistic3A_106, %logistic3A_107 : vector<10240x1xf32>
    %swap3A = arith.constant 0 : index
    %swap3A_109 = arith.constant 0 : index
    %swap3A_110 = vector.load %arg17[%swap3A, %swap3A_109] : memref<10240x1xf32, #tpu.memory_space<vmem>>, vector<10240x1xf32>
    tpu.vector_store %arg17[%swap3A, %swap3A_109], %logistic3A_108 {strides = array<i32>} : memref<10240x1xf32, #tpu.memory_space<vmem>>, vector<10240x1xf32>,
    return
  }
}

</mosaic_0001>

<sc_bundles>
// kernel: kernel.11.cloned.1.call-start
scs
__scs_entry_jumppad:
0x0: {  	(pc) =	sbr.rel $0x88, $3  }
0x1: {  	(tag) =	ssettag $0x0;
	lr =	simm.s32 $0x1  }
0x2: {  	[smem:$0x3F8C] =	sst lr;
	_ =	strace $0xD0000000  }
0x3: {  	_ = 	snop  }
0x4: {  	_ = 	snop  }
0x5: {  	_ = 	snop  }
0x6: {  	_ = 	snop  }
0x7: {  	_ = 	snop  }
__scs_overlays_trampoline_lowered:
0x8: {  	[smem:$0x3F9B] =	sst s0  }
0x9: {  	[smem:$0x3F9C] =	sst s1  }
0xa: {  	[smem:$0x3F9D] =	sst s2  }
0xb: {  	[smem:$0x3F9E] =	sst s3  }
0xc: {  	[smem:$0x3F9F] =	sst s4  }
0xd: {  	[smem:$0x3FA0] =	sst s5  }
0xe: {  	[smem:$0x3FA1] =	sst s6  }
0xf: {  	[smem:$0x3FA2] =	sst s7  }
0x10: {  	[smem:$0x3FA3] =	sst s8  }
0x11: {  	[smem:$0x3FA4] =	sst s9;
	s0 =	simm.s32 @!p0 $0x0  }
0x12: {  	s1 =	sld [smem:$0x3F8A];
	s0 =	simm.s32 @p0 $0x1  }
0x13: {  	[smem:$0x3FA5] =	sst s0;
	s0 =	simm.s32 @!p1 $0x0  }
0x14: {  	s2 =	sld [smem:$0x3F89];
	s0 =	simm.s32 @p1 $0x1  }
0x15: {  	[smem:$0x3FA6] =	sst s0;
	s0 =	simm.s32 @!p2 $0x0  }
0x16: {  	s3 =	sld [smem:$0x3FDB];
	s0 =	simm.s32 @p2 $0x1  }
0x17: {  	s4 =	simm.s32 $0x1BF5;
	[smem:$0x3FA8] =	sst s0  }
0x18: {  	s0 =	sld [smem:$0x3F8B];
	_ =	swait.ge [sflag:s4], $0x0  }
0x19: {  	s7 =	sld [smem:$0x3F8C]  }
0x1a: {  	s8 =	sadd.s32 $0xFFFFE003, lr  }
0x1b: {  	s9 =	sadd.s32 $0xFFFFFEF7, lr;
	s5 =	simm.s32 $0xFFFFFFFF;
	p2 =	slt.u32 s8, $0xFFFFF086  }
0x1c: {  	p1 =	slt.u32 s9, $0xF7A;
	s5 =	simm.s32 @!p2 $0x0  }
0x1d: {  	s5 =	simm.s32 @p1 $0x1;
	p0 =	seq.s32 s7, s2  }
0x1e: {  	s7 =	smul.u32 @!p0 $0xF7A, s2;
	p2 =	seq.s32 @!p0 s5, $0x0  }
0x1f: {  	s9 =	smul.u32 $0xF7A, s1;
	s8 =	simm.s32 @!p0 $0x1BF5;
	p2 =	por !p2, p0  }
0x20: {  	[sflag:s8] =	ssyncset.s32 @!p0 $0xFFFFF086;
	s6 =	sadd.s32 @!p0 s3, s7;
	s7 =	simm.s32 @!p0 $0x108  }
0x21: {  	s3 =	sadd.s32 s3, s9;
	s6 =	sadd.s32 @!p0 $0x88, s6;
	s7 =	simm.s32 @p2 $0x1082  }
0x22: {  	[simem:s7], [sflag:s8] =	dma.local @!p0 [hbm:s6], $0xF7A  }
0x23: {  	s9 =	sor.u32 $0xD0000000, s2;
	s6 =	simm.s32 $0x108;
	_ =	swait.ge @!p0 [sflag:s8], $0x0  }
0x24: {  	s3 =	sadd.s32 $0x88, s3;
	s6 =	simm.s32 @!p1 $0x1082;
	[sflag:s4] =	ssyncset.s32 $0xFFFFF086  }
0x25: {  	[simem:s6], [sflag:s4] =	dma.local [hbm:s3], $0xF7A  }
0x26: {  	[smem:$0x3F8C] =	sst s1;
	(tag) =	ssettag s2;
	_ =	strace s9  }
0x27: {  	s1 =	sld [smem:$0x3F9C]  }
0x28: {  	s2 =	sld [smem:$0x3F9D]  }
0x29: {  	s4 =	sld [smem:$0x3F9F]  }
0x2a: {  	p0 =	seq.s32 s5, $0x0;
	s5 =	sld [smem:$0x3FA0]  }
0x2b: {  	s6 =	sld [smem:$0x3FA1]  }
0x2c: {  	s7 =	sld [smem:$0x3FA2]  }
0x2d: {  	s3 =	simm.s32 $0x108;
	s8 =	sld [smem:$0x3FA3]  }
0x2e: {  	s3 =	simm.s32 @!p0 $0x1082;
	s9 =	sld [smem:$0x3FA4]  }
0x2f: {  	lr =	sadd.s32 s0, s3;
	s0 =	sld [smem:$0x3F9B]  }
0x30: {  	s3 =	sld [smem:$0x3F9E]  }
0x31: {  	[smem:$0x3FA7] =	sst s10  }
0x32: {  	s10 =	sld [smem:$0x3FA5];
	_ =	sdelay $0x3  }
0x33: {  	p0 =	seq.s32 s10, $0x1;
	s10 =	sld [smem:$0x3FA7];
	_ =	sdelay $0x3  }
0x34: {  	[smem:$0x3FA7] =	sst s10  }
0x35: {  	s10 =	sld [smem:$0x3FA6];
	_ =	sdelay $0x3  }
0x36: {  	p1 =	seq.s32 s10, $0x1;
	s10 =	sld [smem:$0x3FA7];
	_ =	sdelay $0x3  }
0x37: {  	[smem:$0x3FA7] =	sst s10  }
0x38: {  	s10 =	sld [smem:$0x3FA8]  }
0x39: {  	_ = 	snop;
	(pc) =	sbr.ind lr, $3  }
0x3a: {  	_ = 	snop  }
0x3b: {  	_ = 	snop  }
0x3c: {  	p2 =	seq.s32 s10, $0x1;
	s10 =	sld [smem:$0x3FA7]  }
0x3d: {  	_ =	shalt  }
0x3e: {  	_ =	shalt  }
0x3f: {  	_ =	shalt  }
0x40: {  	_ =	shalt  }
0x41: {  	_ =	shalt  }
0x42: {  	_ =	shalt  }
0x43: {  	_ =	shalt  }
0x44: {  	_ =	shalt  }
0x45: {  	_ =	shalt  }
0x46: {  	_ =	shalt  }
0x47: {  	_ =	shalt  }
0x48: {  	_ =	shalt  }
0x49: {  	_ =	shalt  }
0x4a: {  	_ =	shalt  }
0x4b: {  	_ =	shalt  }
0x4c: {  	_ =	shalt  }
0x4d: {  	_ =	shalt  }
0x4e: {  	_ =	shalt  }
0x4f: {  	_ =	shalt  }
0x50: {  	_ =	shalt  }
0x51: {  	_ =	shalt  }
0x52: {  	_ =	shalt  }
0x53: {  	_ =	shalt  }
0x54: {  	_ =	shalt  }
0x55: {  	_ =	shalt  }
0x56: {  	_ =	shalt  }
0x57: {  	_ =	shalt  }
0x58: {  	_ =	shalt  }
0x59: {  	_ =	shalt  }
0x5a: {  	_ =	shalt  }
0x5b: {  	_ =	shalt  }
0x5c: {  	_ =	shalt  }
0x5d: {  	_ =	shalt  }
0x5e: {  	_ =	shalt  }
0x5f: {  	_ =	shalt  }
0x60: {  	_ =	shalt  }
0x61: {  	_ =	shalt  }
0x62: {  	_ =	shalt  }
0x63: {  	_ =	shalt  }
0x64: {  	_ =	shalt  }
0x65: {  	_ =	shalt  }
0x66: {  	_ =	shalt  }
0x67: {  	_ =	shalt  }
0x68: {  	_ =	shalt  }
0x69: {  	_ =	shalt  }
0x6a: {  	_ =	shalt  }
0x6b: {  	_ =	shalt  }
0x6c: {  	_ =	shalt  }
0x6d: {  	_ =	shalt  }
0x6e: {  	_ =	shalt  }
0x6f: {  	_ =	shalt  }
0x70: {  	_ =	shalt  }
0x71: {  	_ =	shalt  }
0x72: {  	_ =	shalt  }
0x73: {  	_ =	shalt  }
0x74: {  	_ =	shalt  }
0x75: {  	_ =	shalt  }
0x76: {  	_ =	shalt  }
0x77: {  	_ =	shalt  }
0x78: {  	_ =	shalt  }
0x79: {  	_ =	shalt  }
0x7a: {  	_ =	shalt  }
0x7b: {  	_ =	shalt  }
0x7c: {  	_ =	shalt  }
0x7d: {  	_ =	shalt  }
0x7e: {  	_ =	shalt  }
0x7f: {  	_ =	shalt  }
0x80: {  	_ =	shalt  }
0x81: {  	_ =	shalt  }
0x82: {  	_ =	shalt  }
0x83: {  	_ =	shalt  }
0x84: {  	_ =	shalt  }
0x85: {  	_ =	shalt  }
0x86: {  	_ =	shalt  }
0x87: {  	_ =	shalt  }
.Lfunc_end0:
.L_simem_size_0:
called_computation.1_lowered:
.L_overlay_start_0:
0x88: {  	s2 =	sld [smem:$0x3FD9]  }
0x89: {  	s3 =	sld [smem:$0x3FFE];
	_ =	sdelay $0x1  }
0x8a: {  	s1 =	srdreg.scid  }
0x8b: {  	s0 =	sand.u32 $0x1, s1  }
0x8c: {  	s16 =	sshll.u32 s0, $0xA;
	s2 =	sadd.s32 s3, s2  }
0x8d: {  	s2 =	sadd.s32 s2, s16  }
0x8e: {  	[smem:$0x3FB3] =	sst s2  }
0x8f: {  	_ = 	snop  }
0x90: {  	(tm) =	ssettm $0x1  }
0x91: {  	s17 =	sld [smem:$0x3FFB];
	_ =	sdelay $0x3  }
0x92: {  	_ =	strace s17  }
0x93: {  	s2 =	sld [smem:$0x3FFC];
	_ =	sdelay $0x3  }
0x94: {  	_ =	strace s2  }
0x95: {  	s2 =	sld [smem:$0x3FFD];
	_ =	sdelay $0x3  }
0x96: {  	_ =	strace s2  }
0x97: {  	_ =	strace $0x8FFFFFFF  }
0x98: {  	s18 =	sld [smem:$0x3FDB];
	_ =	sdelay $0x1  }
0x99: {  	s19 =	simm.s32 $_scs_section_size  }
0x9a: {  	s4 =	simm.s32 $_size__tile_overlayer_lowered;
	s5 =	simm.s32 $_tile_overlayer_lowered  }
0x9b: {  	s22 =	simm.s32 $0x1BFF;
	s21 =	sshll.u32 s5, $0x1;
	s2 =	sadd.s32 s19, s18  }
0x9c: {  	s6 =	simm.s32 $0x0;
	s20 =	sshll.u32 s4, $0x1;
	s4 =	sadd.s32 s21, s2  }
0x9d: {  	[timem:s6], [sflag:s22] =	dma.local [hbm:s4], s20  }
0x9e: {  	_ =	swait.ge [sflag:s22], s20  }
0x9f: {  	s3 =	ssub.s32 $0x0, s20;
	[sflag:s22] =	ssyncset.done $0x0  }
0xa0: {  	[sflag:s22] =	ssyncadd.s32 s3;
	_ =	sdelay $0x1  }
0xa1: {  	s23 =	simm.s32 $0x1B8B  }
0xa2: {  	_ =	swait.ge [sflag:s23], $0x1  }
0xa3: {  	[sflag:s23] =	ssyncset.done $0x0  }
0xa4: {  	s25 =	simm.s32 $0x1B8E;
	s24 =	sld [smem:$0x3FFE];
	[sflag:s23] =	ssyncadd.s32 $0xFFFFFFFF  }
0xa5: {  	s26 =	simm.s32 $execute0_lowered;
	[smem:$0x3FD2] =	sst s25  }
0xa6: {  	s4 =	sshll.u32 s26, $0x1;
	_ =	strace $0x80000049;
	[dreg:$0x1] =	wrdreg $0xFFFFFFFF  }
0xa7: {  	s28 =	simm.s32 $_size_execute0_lowered;
	s2 =	sadd.s32 s2, s4;
	[dreg:$0x0] =	wrdreg $0x0  }
0xa8: {  	s4 =	sshll.u32 s28, $0x1;
	[dreg:$0x2] =	wrdreg s2  }
0xa9: {  	[dreg:$0x3] =	wrdreg s4  }
0xaa: {  	[dreg:$0x4] =	wrdreg $0xC0  }
0xab: {  	_ =	task [dreg:s6], $0x5FFFF  }
0xac: {  	[dreg:$0x1] =	wrdreg $0xFFFFFFFF  }
0xad: {  	[dreg:$0x0] =	wrdreg $0x60  }
0xae: {  	[dreg:$0x2] =	wrdreg s24  }
0xaf: {  	[dreg:$0x3] =	wrdreg $0xB5000  }
0xb0: {  	[dreg:$0x4] =	wrdreg $0x9  }
0xb1: {  	_ =	task.clear_ibuf [dreg:s6], $0x5FFFF;
	_ =	strace $0x90000049  }
0xb2: {  	s29 =	simm.s32 $0x9;
	_ =	strace $0x8000004B  }
0xb3: {  	_ =	swait.ge [sflag:s29], $0x1  }
0xb4: {  	[sflag:s29] =	ssyncadd.s32 $0xFFFFFFFF  }
0xb5: {  	_ =	strace $0x9000004B  }
0xb6: {  	_ =	sfence  }
0xb7: {  	s30 =	sld [smem:$0x0];
	_ =	sdelay $0x2  }
0xb8: {  	s31 =	sshll.u32 s1, $0xD;
	s1 =	sshrl.u32 s1, $0x2  }
0xb9: {  	s3 =	sand.u32 $0x4000, s31;
	s1 =	sadd.s32 s1, s30  }
0xba: {  	s0 =	sor.u32 s3, s0;
	s1 =	sshll.u32 s1, $0x11  }
0xbb: {  	s0 =	sor.u32 s1, s0  }
0xbc: {  	s0 =	sadd.s32 $0x8F2B, s0  }
0xbd: {  	[sflag:s0] =	ssyncadd.remote.s32 $0x1  }
0xbe: {  	_ =	sfence.sel $0xFFFF  }
0xbf: {  	[dreg:$0x0] =	wrdreg $0xFFFFFFFF;
	(pc) =	sbr.abs _section_cstart, $3  }
0xc0: {  	[dreg:$0x1] =	wrdreg $0xFFFFFFFF  }
0xc1: {  	_ =	task.clear_ibuf [dreg:s6], $0x2FFFF;
	_ =	strace $0x9FFFFFFF  }
0xc2: {  	(tm) =	ssettm $0x7FFFFFFF  }
0xc3: {  	_ =	shalt  }
tec
execute0_lowered:
.L_overlay_start_1:
0x0: {  	(tag) =	ssettag $0x1  }
0x1: {  	s0 =	rddreg [dreg:$0x0]  }
0x2: {  	s1 =	rddreg [dreg:$0x1]  }
0x3: {  	s3 =	simm.s32 $0x0;
	s2 =	srdreg.scid;
	s11 =	stileid.u32  }
0x4: {  	s18 =	simm.s32 $0x2;
	s19 =	simm.s32 $0x80;
	s20 =	simm.s32 $0x3500  }
0x5: {  	s21 =	simm.s32 $0x1;
	s28 =	simm.s32 $0x3480;
	s7 =	smul.u32 $0x14000, s11  }
0x6: {  	s29 =	simm.s32 $0x0;
	[smem:$0x7FF] =	sst s3;
	s9 =	smul.u32 $0x50000, s11  }
0x7: {  	s2 =	sand.u32 $0x1, s2;
	s14 =	sadd.s32 $0x19200, s0;
	s23 =	smul.u32 $0x680, s11  }
0x8: {  	s10 =	sadd.s32 $0xEE00, s0;
	s4 =	sadd.s32 $0x23600, s0;
	s16 =	smul.u32 $0x380, s11  }
0x9: {  	s5 =	sadd.s32 $0x4400, s0;
	s25 =	sshll.u32 s11, $0x6;
	s11 =	smul.u32 $0x1C00, s11  }
0xa: {  	s6 =	smul.u32 $0x140000, s2;
	_ =	strace $0x8000004A;
	s22 =	ssub.s32 $0x2, s2  }
0xb: {  	p0 =	seq.s32 s2, $0x1;
	s8 =	sshrl.u32 s22, $0x1;
	s24 =	sshrl.u32 s9, $0x2  }
0xc: {  	s26 =	sadd.s32 $0x6800, s16;
	s12 =	sshrl.u32 s11, $0x3;
	s31 =	sadd.s32 s16, s14  }
0xd: {  	s6 =	sadd.s32 s7, s6;
	s15 =	ssub.s32 s22, s8;
	s17 =	sadd.s32 s24, s1  }
0xe: {  	s7 =	sadd.s32 s10, s23;
	s8 =	sadd.s32 s14, s23;
	s10 =	sadd.s32 s10, s26  }
.Ltmp0:
0xf: {  	s11 =	sadd.s32 s14, s26;
	s30 =	sadd.s32 s14, s12;
	(pc) =	sbr.rel .LBB2_1-.Ltmp0, $4  }
0x10: {  	s16 =	sadd.s32 $0x6820, s31;
	s22 =	simm.s32 $0x3;
	s6 =	sshrl.u32 s6, $0x3  }
0x11: {  	s9 =	sadd.s32 $0x10, s8;
	s12 =	sadd.s32 $0x6810, s30;
	s14 =	smax.u32 s15, $0x1  }
0x12: {  	s17 =	sshrl.u32 s17, $0x3;
	s0 =	sadd.s32 s6, s0;
	s6 =	sor.u32 $0x1C02, s25  }
0x13: {  	s25 =	simm.s32 $0x7500;
	s13 =	sadd.s32 $0x4B600, s0;
	s0 =	sadd.s32 $0x20, s8  }
.LBB2_7:
0x14: {  	[sflag:s18] =	ssyncset.done $0x0  }
0x15: {  	[sflag:s18] =	ssyncadd.s32 $0xFFFFFF80  }
0x16: {  	_ =	swait.ge [sflag:s21], $0x4000  }
0x17: {  	[sflag:s21] =	ssyncset.done $0x0  }
0x18: {  	[sflag:s21] =	ssyncadd.s32 $0xFFFFC000  }
0x19: {  	[tilespmem:s2], [sflag:$0x1] =	stream.indirect.gather [hbm4b:s4+s19], $0x80, s23, s19, $0xb8;
	[tilespmem:$0x1F500] =	vst v63  }
0x1a: {  	s30 =	simm.s32 $0x1C00  }
0x1b: {  	[spmem:s1] =	stream.indirect.scatter.add.f32 [tilespmem:s20], [sflag:$0x3], $0x80, s30, s19, $0xb8;
	[tilespmem:$0x1F500] =	vst v63  }
0x1c: {  	_ =	swait.ge [sflag:s22], $0x4000  }
0x1d: {  	[sflag:s22] =	ssyncset.done $0x0  }
0x1e: {  	[sflag:s22] =	ssyncadd.s32 $0xFFFFC000  }
0x1f: {  	_ =	swait.ge [sflag:s21], $0x4000  }
0x20: {  	[sflag:s21] =	ssyncset.done $0x0  }
0x21: {  	s31 =	simm.s32 $0x1C80;
	[sflag:s21] =	ssyncadd.s32 $0xFFFFC000  }
0x22: {  	[spmem:s1] =	stream.indirect.scatter.add.f32 [tilespmem:s25], [sflag:$0x3], $0x80, s31, s19, $0xb8;
	[tilespmem:$0x1F500] =	vst v63  }
.LBB2_8:
0x23: {  	_ =	swait.ge [sflag:s22], $0x4000  }
0x24: {  	s29 =	sadd.s32 $0x1, s29;
	[sflag:s22] =	ssyncset.done $0x0  }
0x25: {  	p1 =	sne.s32 s29, s14;
	[sflag:s22] =	ssyncadd.s32 $0xFFFFC000  }
.Ltmp1:
0x26: {  	[bflag:$0x0] =	sbarrier.arrive $0xFFFF;
	(pc) =	sbr.rel @!p1 .LBB2_9-.Ltmp1, $4  }
0x27: {  	[hbm:s13], [sflag:s6] =	dma.local [spmem:s17], $0x2800  }
0x28: {  	_ =	swait.ge [sflag:s18], $0x2800  }
0x29: {  	[sflag:s18] =	ssyncset.done $0x0  }
0x2a: {  	[sflag:s18] =	ssyncadd.s32 $0xFFFFD800  }
.LBB2_1:
0x2b: {  	[spmem:s17], [sflag:s6] =	dma.local [hbm:s5], $0x2800  }
.Ltmp2:
0x2c: {  	_ =	swait.ge [sflag:s18], $0x2800;
	(pc) =	sbr.rel @!p0 .LBB2_2-.Ltmp2, $4  }
0x2d: {  	[sflag:s18] =	ssyncset.done $0x0  }
0x2e: {  	[sflag:s18] =	ssyncadd.s32 $0xFFFFD800  }
0x2f: {  	[bflag:$0x0] =	sbarrier.arrive $0xFFFF  }
0x30: {  	s30 =	simm.s32 $0x100  }
0x31: {  	[tilespmem:s30], [sflag:$0x2] =	stream.linear.gather [hbm4b:s10+s3], $0x1C00, $0x38;
	[tilespmem:$0x1F500] =	vst v63  }
0x32: {  	_ =	swait.ge [sflag:s18], $0x1C00  }
0x33: {  	[sflag:s18] =	ssyncset.done $0x0  }
0x34: {  	[sflag:s18] =	ssyncadd.s32 $0xFFFFE400  }
0x35: {  	[tilespmem:s3], [sflag:$0x2] =	stream.linear.gather [hbm4b:s11+s3], $0x80, $0x38;
	[tilespmem:$0x1F500] =	vst v63  }
0x36: {  	_ =	swait.ge [sflag:s18], $0x80  }
0x37: {  	[sflag:s18] =	ssyncset.done $0x0  }
0x38: {  	[sflag:s18] =	ssyncadd.s32 $0xFFFFFF80  }
0x39: {  	[tilespmem:s20], [sflag:$0x1] =	stream.indirect.gather [hbm4b:s4+s19], $0x80, s3, s19, $0xb8;
	[tilespmem:$0x1F500] =	vst v63  }
0x3a: {  	_ = 	snop  }
0x3b: {  	[tilespmem:s19], [sflag:$0x2] =	stream.linear.gather [hbm4b:s12+s3], $0x80, $0x38;
	[tilespmem:$0x1F500] =	vst v63  }
0x3c: {  	_ =	swait.ge [sflag:s18], $0x80  }
0x3d: {  	[sflag:s18] =	ssyncset.done $0x0  }
0x3e: {  	s2 =	simm.s32 $0x1;
	s15 =	simm.s32 $0x0;
	[sflag:s18] =	ssyncadd.s32 $0xFFFFFF80  }
0x3f: {  	s2 =	sand.u32 $0x1, s2;
	s15 =	sand.u32 $0x1, s15;
	_ =	swait.ge [sflag:s21], $0x4000  }
0x40: {  	s23 =	sshll.u32 s2, $0xE;
	s2 =	sshll.u32 s2, $0x7;
	[sflag:s21] =	ssyncset.done $0x0  }
0x41: {  	s24 =	sshll.u32 s15, $0xE;
	s23 =	sor.u32 $0x3500, s23;
	[sflag:s21] =	ssyncadd.s32 $0xFFFFC000  }
0x42: {  	[tilespmem:s23], [sflag:$0x1] =	stream.indirect.gather [hbm4b:s4+s19], $0x80, s2, s19, $0xb8;
	[tilespmem:$0x1F500] =	vst v63  }
0x43: {  	s24 =	sor.u32 $0x3500, s24  }
0x44: {  	[spmem:s1] =	stream.indirect.scatter.add.f32 [tilespmem:s24], [sflag:$0x3], $0x80, s30, s19, $0xb8;
	[tilespmem:$0x1F500] =	vst v63  }
0x45: {  	_ =	swait.ge [sflag:s22], $0x4000  }
0x46: {  	[sflag:s22] =	ssyncset.done $0x0  }
0x47: {  	s26 =	sshll.u32 s15, $0x7;
	[sflag:s22] =	ssyncadd.s32 $0xFFFFC000  }
0x48: {  	[tilespmem:s26], [sflag:$0x2] =	stream.linear.gather [hbm4b:s16+s3], $0x80, $0x38;
	[tilespmem:$0x1F500] =	vst v63  }
0x49: {  	s31 =	simm.s32 $0x2;
	s15 =	smov.u32 s16;
	_ =	swait.ge [sflag:s18], $0x80  }
.LBB2_6:
0x4a: {  	[sflag:s18] =	ssyncset.done $0x0;
	s15 =	sadd.s32 $0x10, s15;
	s30 =	sadd.s32 $0x80, s30  }
0x4b: {  	s2 =	sadd.s32 $0xFFFFFFFF, s31;
	s23 =	sand.u32 $0x1, s31;
	[sflag:s18] =	ssyncadd.s32 $0xFFFFFF80  }
0x4c: {  	s24 =	sshll.u32 s23, $0xE;
	s23 =	sshll.u32 s23, $0x7;
	_ =	swait.ge [sflag:s21], $0x4000  }
0x4d: {  	s26 =	sand.u32 $0x1, s2;
	s2 =	sor.u32 $0x3500, s24;
	[sflag:s21] =	ssyncset.done $0x0  }
0x4e: {  	p1 =	sne.s32 s31, $0x36;
	s24 =	sshll.u32 s26, $0xE;
	[sflag:s21] =	ssyncadd.s32 $0xFFFFC000  }
0x4f: {  	[tilespmem:s2], [sflag:$0x1] =	stream.indirect.gather [hbm4b:s4+s19], $0x80, s23, s19, $0xb8;
	[tilespmem:$0x1F500] =	vst v63  }
0x50: {  	s31 =	sadd.s32 $0x1, s31;
	s2 =	sor.u32 $0x3500, s24  }
0x51: {  	[spmem:s1] =	stream.indirect.scatter.add.f32 [tilespmem:s2], [sflag:$0x3], $0x80, s30, s19, $0xb8;
	[tilespmem:$0x1F500] =	vst v63  }
.Ltmp3:
0x52: {  	_ =	swait.ge [sflag:s22], $0x4000;
	(pc) =	sbr.rel @p1 .LBB2_6-.Ltmp3, $4  }
0x53: {  	s23 =	sshll.u32 s26, $0x7;
	[sflag:s22] =	ssyncset.done $0x0  }
0x54: {  	[sflag:s22] =	ssyncadd.s32 $0xFFFFC000  }
0x55: {  	[tilespmem:s23], [sflag:$0x2] =	stream.linear.gather [hbm4b:s15+s3], $0x80, $0x38;
	[tilespmem:$0x1F500] =	vst v63  }
0x56: {  	_ =	swait.ge [sflag:s18], $0x80  }
.Ltmp4:
0x57: {  	_ = 	snop;
	(pc) =	sbr.rel .LBB2_7-.Ltmp4, $1  }
0x58: {  	_ =	sdelay $0x3  }
.LBB2_2:
0x59: {  	[tilespmem:s30], [sflag:$0x2] =	stream.linear.gather [hbm4b:s7+s3], $0x3400, $0x38;
	[tilespmem:$0x1F500] =	vst v63  }
0x5a: {  	_ =	swait.ge [sflag:s18], $0x3400  }
0x5b: {  	[sflag:s18] =	ssyncset.done $0x0  }
0x5c: {  	[sflag:s18] =	ssyncadd.s32 $0xFFFFCC00  }
0x5d: {  	[tilespmem:s3], [sflag:$0x2] =	stream.linear.gather [hbm4b:s8+s3], $0x80, $0x38;
	[tilespmem:$0x1F500] =	vst v63  }
0x5e: {  	_ =	swait.ge [sflag:s18], $0x80  }
0x5f: {  	[sflag:s18] =	ssyncset.done $0x0  }
0x60: {  	[sflag:s18] =	ssyncadd.s32 $0xFFFFFF80  }
0x61: {  	[tilespmem:s20], [sflag:$0x1] =	stream.indirect.gather [hbm4b:s4+s19], $0x80, s3, s19, $0xb8;
	[tilespmem:$0x1F500] =	vst v63  }
0x62: {  	_ = 	snop  }
0x63: {  	[tilespmem:s19], [sflag:$0x2] =	stream.linear.gather [hbm4b:s9+s3], $0x80, $0x38;
	[tilespmem:$0x1F500] =	vst v63  }
0x64: {  	_ =	swait.ge [sflag:s18], $0x80  }
0x65: {  	[sflag:s18] =	ssyncset.done $0x0  }
0x66: {  	s2 =	simm.s32 $0x1;
	s15 =	simm.s32 $0x0;
	[sflag:s18] =	ssyncadd.s32 $0xFFFFFF80  }
0x67: {  	s2 =	sand.u32 $0x1, s2;
	s15 =	sand.u32 $0x1, s15;
	_ =	swait.ge [sflag:s21], $0x4000  }
0x68: {  	s23 =	sshll.u32 s2, $0xE;
	s2 =	sshll.u32 s2, $0x7;
	[sflag:s21] =	ssyncset.done $0x0  }
0x69: {  	s31 =	sshll.u32 s15, $0xE;
	s23 =	sor.u32 $0x3500, s23;
	[sflag:s21] =	ssyncadd.s32 $0xFFFFC000  }
0x6a: {  	[tilespmem:s23], [sflag:$0x1] =	stream.indirect.gather [hbm4b:s4+s19], $0x80, s2, s19, $0xb8;
	[tilespmem:$0x1F500] =	vst v63  }
0x6b: {  	s24 =	sor.u32 $0x3500, s31  }
0x6c: {  	[spmem:s1] =	stream.indirect.scatter.add.f32 [tilespmem:s24], [sflag:$0x3], $0x80, s30, s19, $0xb8;
	[tilespmem:$0x1F500] =	vst v63  }
0x6d: {  	_ =	swait.ge [sflag:s22], $0x4000  }
0x6e: {  	[sflag:s22] =	ssyncset.done $0x0  }
0x6f: {  	s26 =	sshll.u32 s15, $0x7;
	[sflag:s22] =	ssyncadd.s32 $0xFFFFC000  }
0x70: {  	[tilespmem:s26], [sflag:$0x2] =	stream.linear.gather [hbm4b:s0+s3], $0x80, $0x38;
	[tilespmem:$0x1F500] =	vst v63  }
0x71: {  	s15 =	smov.u32 s0;
	s31 =	simm.s32 $0x2;
	_ =	swait.ge [sflag:s18], $0x80  }
.LBB2_3:
0x72: {  	[sflag:s18] =	ssyncset.done $0x0;
	s15 =	sadd.s32 $0x10, s15;
	s30 =	sadd.s32 $0x80, s30  }
0x73: {  	s2 =	sadd.s32 $0xFFFFFFFF, s31;
	s23 =	sand.u32 $0x1, s31;
	[sflag:s18] =	ssyncadd.s32 $0xFFFFFF80  }
0x74: {  	s24 =	sshll.u32 s23, $0xE;
	s23 =	sshll.u32 s23, $0x7;
	_ =	swait.ge [sflag:s21], $0x4000  }
0x75: {  	s26 =	sand.u32 $0x1, s2;
	s2 =	sor.u32 $0x3500, s24;
	[sflag:s21] =	ssyncset.done $0x0  }
0x76: {  	p1 =	seq.s32 s31, $0x66;
	s24 =	sshll.u32 s26, $0xE;
	[sflag:s21] =	ssyncadd.s32 $0xFFFFC000  }
0x77: {  	[tilespmem:s2], [sflag:$0x1] =	stream.indirect.gather [hbm4b:s4+s19], $0x80, s23, s19, $0xb8;
	[tilespmem:$0x1F500] =	vst v63  }
0x78: {  	s31 =	sadd.s32 $0x1, s31;
	s2 =	sor.u32 $0x3500, s24  }
0x79: {  	[spmem:s1] =	stream.indirect.scatter.add.f32 [tilespmem:s2], [sflag:$0x3], $0x80, s30, s19, $0xb8;
	[tilespmem:$0x1F500] =	vst v63  }
.Ltmp5:
0x7a: {  	_ =	swait.ge [sflag:s22], $0x4000;
	(pc) =	sbr.rel @!p1 .LBB2_3-.Ltmp5, $4  }
0x7b: {  	s23 =	sshll.u32 s26, $0x7;
	[sflag:s22] =	ssyncset.done $0x0  }
0x7c: {  	[sflag:s22] =	ssyncadd.s32 $0xFFFFC000  }
0x7d: {  	[tilespmem:s23], [sflag:$0x2] =	stream.linear.gather [hbm4b:s15+s3], $0x80, $0x38;
	[tilespmem:$0x1F500] =	vst v63  }
0x7e: {  	_ =	swait.ge [sflag:s18], $0x80  }
0x7f: {  	[sflag:s18] =	ssyncset.done $0x0  }
0x80: {  	[sflag:s18] =	ssyncadd.s32 $0xFFFFFF80  }
0x81: {  	_ =	swait.ge [sflag:s21], $0x4000  }
0x82: {  	[sflag:s21] =	ssyncset.done $0x0  }
0x83: {  	[sflag:s21] =	ssyncadd.s32 $0xFFFFC000  }
0x84: {  	[tilespmem:s2], [sflag:$0x1] =	stream.indirect.gather [hbm4b:s4+s19], $0x80, s23, s19, $0xb8;
	[tilespmem:$0x1F500] =	vst v63  }
0x85: {  	s31 =	simm.s32 $0x3400  }
0x86: {  	[spmem:s1] =	stream.indirect.scatter.add.f32 [tilespmem:s20], [sflag:$0x3], $0x80, s31, s19, $0xb8;
	[tilespmem:$0x1F500] =	vst v63  }
0x87: {  	_ =	swait.ge [sflag:s22], $0x4000  }
0x88: {  	[sflag:s22] =	ssyncset.done $0x0  }
.Ltmp6:
0x89: {  	[sflag:s22] =	ssyncadd.s32 $0xFFFFC000;
	(pc) =	sbr.rel .LBB2_8-.Ltmp6, $4  }
0x8a: {  	_ =	swait.ge [sflag:s21], $0x4000  }
0x8b: {  	[sflag:s21] =	ssyncset.done $0x0  }
0x8c: {  	[sflag:s21] =	ssyncadd.s32 $0xFFFFC000  }
0x8d: {  	[spmem:s1] =	stream.indirect.scatter.add.f32 [tilespmem:s25], [sflag:$0x3], $0x80, s28, s19, $0xb8;
	[tilespmem:$0x1F500] =	vst v63  }
.LBB2_9:
0x8e: {  	_ =	sfence.sel $0x180000  }
0x8f: {  	[bflag:$0x0] =	sbarrier.arrive $0xFFFF  }
0x90: {  	_ =	strace $0x9000004A  }
0x91: {  	s0 =	stileid.u32;
	[bflag:$0x2] =	sbarrier.arrive $0xFFFF  }
0x92: {  	p0 =	sne.s32 s0, $0x0;
	s0 =	rddreg [dreg:$0x2]  }
0x93: {  	s0 =	sadd.s32 @!p0 $0x100000, s0  }
0x94: {  	[sflag:s0] =	ssyncadd.tile.s32 @!p0 $0x1;
	_ =	shalt  }
.Lfunc_end2:
_tile_overlayer_lowered:
.L_overlay_start_2:
0x95: {  	(tag) =	ssettag $0x2  }
0x96: {  	s0 =	rddreg [dreg:$0x0];
	s2 =	stileid.u32  }
0x97: {  	s1 =	rddreg [dreg:$0x1];
	p0 =	sne.s32 s2, $0x0  }
0x98: {  	s3 =	rddreg [dreg:$0x2];
	[bflag:$0x3] =	sbarrier.arrive $0xFFFF;
	s2 =	simm.s32 @!p0 $0x1C02  }
0x99: {  	[timem:s3], [sflag:s2] =	dma.local @!p0 [hbm:s0], s1  }
0x9a: {  	s0 =	simm.s32 @!p0 $0x2  }
0x9b: {  	_ =	swait.ge @!p0 [sflag:s0], s1  }
0x9c: {  	s1 =	ssub.s32 @!p0 $0x0, s1;
	[sflag:s0] =	ssyncset.done @!p0 $0x0  }
0x9d: {  	[sflag:s0] =	ssyncadd.s32 @!p0 s1  }
0x9e: {  	[bflag:$0x3] =	sbarrier.arrive $0xFFFF  }
0x9f: {  	_ =	shalt  }

// kernel: kernel.14.cloned.1.call-start
scs
__scs_entry_jumppad:
0x0: {  	(pc) =	sbr.rel $0x88, $3  }
0x1: {  	(tag) =	ssettag $0x0;
	lr =	simm.s32 $0x1  }
0x2: {  	[smem:$0x3F8C] =	sst lr;
	_ =	strace $0xD0000000  }
0x3: {  	_ = 	snop  }
0x4: {  	_ = 	snop  }
0x5: {  	_ = 	snop  }
0x6: {  	_ = 	snop  }
0x7: {  	_ = 	snop  }
__scs_overlays_trampoline_lowered:
0x8: {  	[smem:$0x3F9B] =	sst s0  }
0x9: {  	[smem:$0x3F9C] =	sst s1  }
0xa: {  	[smem:$0x3F9D] =	sst s2  }
0xb: {  	[smem:$0x3F9E] =	sst s3  }
0xc: {  	[smem:$0x3F9F] =	sst s4  }
0xd: {  	[smem:$0x3FA0] =	sst s5  }
0xe: {  	[smem:$0x3FA1] =	sst s6  }
0xf: {  	[smem:$0x3FA2] =	sst s7  }
0x10: {  	[smem:$0x3FA3] =	sst s8  }
0x11: {  	[smem:$0x3FA4] =	sst s9;
	s0 =	simm.s32 @!p0 $0x0  }
0x12: {  	s1 =	sld [smem:$0x3F8A];
	s0 =	simm.s32 @p0 $0x1  }
0x13: {  	[smem:$0x3FA5] =	sst s0;
	s0 =	simm.s32 @!p1 $0x0  }
0x14: {  	s2 =	sld [smem:$0x3F89];
	s0 =	simm.s32 @p1 $0x1  }
0x15: {  	[smem:$0x3FA6] =	sst s0;
	s0 =	simm.s32 @!p2 $0x0  }
0x16: {  	s3 =	sld [smem:$0x3FDB];
	s0 =	simm.s32 @p2 $0x1  }
0x17: {  	s4 =	simm.s32 $0x1BF5;
	[smem:$0x3FA8] =	sst s0  }
0x18: {  	s0 =	sld [smem:$0x3F8B];
	_ =	swait.ge [sflag:s4], $0x0  }
0x19: {  	s7 =	sld [smem:$0x3F8C]  }
0x1a: {  	s8 =	sadd.s32 $0xFFFFE003, lr  }
0x1b: {  	s9 =	sadd.s32 $0xFFFFFEF7, lr;
	s5 =	simm.s32 $0xFFFFFFFF;
	p2 =	slt.u32 s8, $0xFFFFF086  }
0x1c: {  	p1 =	slt.u32 s9, $0xF7A;
	s5 =	simm.s32 @!p2 $0x0  }
0x1d: {  	s5 =	simm.s32 @p1 $0x1;
	p0 =	seq.s32 s7, s2  }
0x1e: {  	s7 =	smul.u32 @!p0 $0xF7A, s2;
	p2 =	seq.s32 @!p0 s5, $0x0  }
0x1f: {  	s9 =	smul.u32 $0xF7A, s1;
	s8 =	simm.s32 @!p0 $0x1BF5;
	p2 =	por !p2, p0  }
0x20: {  	[sflag:s8] =	ssyncset.s32 @!p0 $0xFFFFF086;
	s6 =	sadd.s32 @!p0 s3, s7;
	s7 =	simm.s32 @!p0 $0x108  }
0x21: {  	s3 =	sadd.s32 s3, s9;
	s6 =	sadd.s32 @!p0 $0x88, s6;
	s7 =	simm.s32 @p2 $0x1082  }
0x22: {  	[simem:s7], [sflag:s8] =	dma.local @!p0 [hbm:s6], $0xF7A  }
0x23: {  	s9 =	sor.u32 $0xD0000000, s2;
	s6 =	simm.s32 $0x108;
	_ =	swait.ge @!p0 [sflag:s8], $0x0  }
0x24: {  	s3 =	sadd.s32 $0x88, s3;
	s6 =	simm.s32 @!p1 $0x1082;
	[sflag:s4] =	ssyncset.s32 $0xFFFFF086  }
0x25: {  	[simem:s6], [sflag:s4] =	dma.local [hbm:s3], $0xF7A  }
0x26: {  	[smem:$0x3F8C] =	sst s1;
	(tag) =	ssettag s2;
	_ =	strace s9  }
0x27: {  	s1 =	sld [smem:$0x3F9C]  }
0x28: {  	s2 =	sld [smem:$0x3F9D]  }
0x29: {  	s4 =	sld [smem:$0x3F9F]  }
0x2a: {  	p0 =	seq.s32 s5, $0x0;
	s5 =	sld [smem:$0x3FA0]  }
0x2b: {  	s6 =	sld [smem:$0x3FA1]  }
0x2c: {  	s7 =	sld [smem:$0x3FA2]  }
0x2d: {  	s3 =	simm.s32 $0x108;
	s8 =	sld [smem:$0x3FA3]  }
0x2e: {  	s3 =	simm.s32 @!p0 $0x1082;
	s9 =	sld [smem:$0x3FA4]  }
0x2f: {  	lr =	sadd.s32 s0, s3;
	s0 =	sld [smem:$0x3F9B]  }
0x30: {  	s3 =	sld [smem:$0x3F9E]  }
0x31: {  	[smem:$0x3FA7] =	sst s10  }
0x32: {  	s10 =	sld [smem:$0x3FA5];
	_ =	sdelay $0x3  }
0x33: {  	p0 =	seq.s32 s10, $0x1;
	s10 =	sld [smem:$0x3FA7];
	_ =	sdelay $0x3  }
0x34: {  	[smem:$0x3FA7] =	sst s10  }
0x35: {  	s10 =	sld [smem:$0x3FA6];
	_ =	sdelay $0x3  }
0x36: {  	p1 =	seq.s32 s10, $0x1;
	s10 =	sld [smem:$0x3FA7];
	_ =	sdelay $0x3  }
0x37: {  	[smem:$0x3FA7] =	sst s10  }
0x38: {  	s10 =	sld [smem:$0x3FA8]  }
0x39: {  	_ = 	snop;
	(pc) =	sbr.ind lr, $3  }
0x3a: {  	_ = 	snop  }
0x3b: {  	_ = 	snop  }
0x3c: {  	p2 =	seq.s32 s10, $0x1;
	s10 =	sld [smem:$0x3FA7]  }
0x3d: {  	_ =	shalt  }
0x3e: {  	_ =	shalt  }
0x3f: {  	_ =	shalt  }
0x40: {  	_ =	shalt  }
0x41: {  	_ =	shalt  }
0x42: {  	_ =	shalt  }
0x43: {  	_ =	shalt  }
0x44: {  	_ =	shalt  }
0x45: {  	_ =	shalt  }
0x46: {  	_ =	shalt  }
0x47: {  	_ =	shalt  }
0x48: {  	_ =	shalt  }
0x49: {  	_ =	shalt  }
0x4a: {  	_ =	shalt  }
0x4b: {  	_ =	shalt  }
0x4c: {  	_ =	shalt  }
0x4d: {  	_ =	shalt  }
0x4e: {  	_ =	shalt  }
0x4f: {  	_ =	shalt  }
0x50: {  	_ =	shalt  }
0x51: {  	_ =	shalt  }
0x52: {  	_ =	shalt  }
0x53: {  	_ =	shalt  }
0x54: {  	_ =	shalt  }
0x55: {  	_ =	shalt  }
0x56: {  	_ =	shalt  }
0x57: {  	_ =	shalt  }
0x58: {  	_ =	shalt  }
0x59: {  	_ =	shalt  }
0x5a: {  	_ =	shalt  }
0x5b: {  	_ =	shalt  }
0x5c: {  	_ =	shalt  }
0x5d: {  	_ =	shalt  }
0x5e: {  	_ =	shalt  }
0x5f: {  	_ =	shalt  }
0x60: {  	_ =	shalt  }
0x61: {  	_ =	shalt  }
0x62: {  	_ =	shalt  }
0x63: {  	_ =	shalt  }
0x64: {  	_ =	shalt  }
0x65: {  	_ =	shalt  }
0x66: {  	_ =	shalt  }
0x67: {  	_ =	shalt  }
0x68: {  	_ =	shalt  }
0x69: {  	_ =	shalt  }
0x6a: {  	_ =	shalt  }
0x6b: {  	_ =	shalt  }
0x6c: {  	_ =	shalt  }
0x6d: {  	_ =	shalt  }
0x6e: {  	_ =	shalt  }
0x6f: {  	_ =	shalt  }
0x70: {  	_ =	shalt  }
0x71: {  	_ =	shalt  }
0x72: {  	_ =	shalt  }
0x73: {  	_ =	shalt  }
0x74: {  	_ =	shalt  }
0x75: {  	_ =	shalt  }
0x76: {  	_ =	shalt  }
0x77: {  	_ =	shalt  }
0x78: {  	_ =	shalt  }
0x79: {  	_ =	shalt  }
0x7a: {  	_ =	shalt  }
0x7b: {  	_ =	shalt  }
0x7c: {  	_ =	shalt  }
0x7d: {  	_ =	shalt  }
0x7e: {  	_ =	shalt  }
0x7f: {  	_ =	shalt  }
0x80: {  	_ =	shalt  }
0x81: {  	_ =	shalt  }
0x82: {  	_ =	shalt  }
0x83: {  	_ =	shalt  }
0x84: {  	_ =	shalt  }
0x85: {  	_ =	shalt  }
0x86: {  	_ =	shalt  }
0x87: {  	_ =	shalt  }
.Lfunc_end0:
.L_simem_size_0:
called_computation.2_lowered:
.L_overlay_start_0:
0x88: {  	s2 =	sld [smem:$0x3FD9]  }
0x89: {  	s3 =	sld [smem:$0x3FFE];
	_ =	sdelay $0x1  }
0x8a: {  	s1 =	srdreg.scid  }
0x8b: {  	s0 =	sand.u32 $0x1, s1  }
0x8c: {  	s16 =	sshll.u32 s0, $0xA;
	s2 =	sadd.s32 s3, s2  }
0x8d: {  	s2 =	sadd.s32 s2, s16  }
0x8e: {  	[smem:$0x3FB3] =	sst s2  }
0x8f: {  	_ = 	snop  }
0x90: {  	(tm) =	ssettm $0x1  }
0x91: {  	s17 =	sld [smem:$0x3FFB];
	_ =	sdelay $0x3  }
0x92: {  	_ =	strace s17  }
0x93: {  	s2 =	sld [smem:$0x3FFC];
	_ =	sdelay $0x3  }
0x94: {  	_ =	strace s2  }
0x95: {  	s2 =	sld [smem:$0x3FFD];
	_ =	sdelay $0x3  }
0x96: {  	_ =	strace s2  }
0x97: {  	_ =	strace $0x8FFFFFFF  }
0x98: {  	s18 =	sld [smem:$0x3FDB];
	_ =	sdelay $0x1  }
0x99: {  	s19 =	simm.s32 $_scs_section_size  }
0x9a: {  	s4 =	simm.s32 $_size__tile_overlayer_lowered;
	s5 =	simm.s32 $_tile_overlayer_lowered  }
0x9b: {  	s22 =	simm.s32 $0x1BFF;
	s21 =	sshll.u32 s5, $0x1;
	s2 =	sadd.s32 s19, s18  }
0x9c: {  	s6 =	simm.s32 $0x0;
	s20 =	sshll.u32 s4, $0x1;
	s4 =	sadd.s32 s21, s2  }
0x9d: {  	[timem:s6], [sflag:s22] =	dma.local [hbm:s4], s20  }
0x9e: {  	_ =	swait.ge [sflag:s22], s20  }
0x9f: {  	s3 =	ssub.s32 $0x0, s20;
	[sflag:s22] =	ssyncset.done $0x0  }
0xa0: {  	[sflag:s22] =	ssyncadd.s32 s3;
	_ =	sdelay $0x1  }
0xa1: {  	s23 =	simm.s32 $0x1B8B  }
0xa2: {  	_ =	swait.ge [sflag:s23], $0x1  }
0xa3: {  	[sflag:s23] =	ssyncset.done $0x0  }
0xa4: {  	s25 =	simm.s32 $0x1B8E;
	s24 =	sld [smem:$0x3FFE];
	[sflag:s23] =	ssyncadd.s32 $0xFFFFFFFF  }
0xa5: {  	s26 =	simm.s32 $execute0_lowered;
	[smem:$0x3FD2] =	sst s25  }
0xa6: {  	s4 =	sshll.u32 s26, $0x1;
	_ =	strace $0x8000004C;
	[dreg:$0x1] =	wrdreg $0xFFFFFFFF  }
0xa7: {  	s28 =	simm.s32 $_size_execute0_lowered;
	s2 =	sadd.s32 s2, s4;
	[dreg:$0x0] =	wrdreg $0x0  }
0xa8: {  	s4 =	sshll.u32 s28, $0x1;
	[dreg:$0x2] =	wrdreg s2  }
0xa9: {  	[dreg:$0x3] =	wrdreg s4  }
0xaa: {  	[dreg:$0x4] =	wrdreg $0xC0  }
0xab: {  	_ =	task [dreg:s6], $0x5FFFF  }
0xac: {  	[dreg:$0x1] =	wrdreg $0xFFFFFFFF  }
0xad: {  	[dreg:$0x0] =	wrdreg $0x60  }
0xae: {  	[dreg:$0x2] =	wrdreg s24  }
0xaf: {  	[dreg:$0x3] =	wrdreg $0xB5000  }
0xb0: {  	[dreg:$0x4] =	wrdreg $0x9  }
0xb1: {  	_ =	task.clear_ibuf [dreg:s6], $0x5FFFF;
	_ =	strace $0x9000004C  }
0xb2: {  	s29 =	simm.s32 $0x9;
	_ =	strace $0x8000004E  }
0xb3: {  	_ =	swait.ge [sflag:s29], $0x1  }
0xb4: {  	[sflag:s29] =	ssyncadd.s32 $0xFFFFFFFF  }
0xb5: {  	_ =	strace $0x9000004E  }
0xb6: {  	_ =	sfence  }
0xb7: {  	s30 =	sld [smem:$0x0];
	_ =	sdelay $0x2  }
0xb8: {  	s31 =	sshll.u32 s1, $0xD;
	s1 =	sshrl.u32 s1, $0x2  }
0xb9: {  	s3 =	sand.u32 $0x4000, s31;
	s1 =	sadd.s32 s1, s30  }
0xba: {  	s0 =	sor.u32 s3, s0;
	s1 =	sshll.u32 s1, $0x11  }
0xbb: {  	s0 =	sor.u32 s1, s0  }
0xbc: {  	s0 =	sadd.s32 $0x8F2B, s0  }
0xbd: {  	[sflag:s0] =	ssyncadd.remote.s32 $0x1  }
0xbe: {  	_ =	sfence.sel $0xFFFF  }
0xbf: {  	[dreg:$0x0] =	wrdreg $0xFFFFFFFF;
	(pc) =	sbr.abs _section_cstart, $3  }
0xc0: {  	[dreg:$0x1] =	wrdreg $0xFFFFFFFF  }
0xc1: {  	_ =	task.clear_ibuf [dreg:s6], $0x2FFFF;
	_ =	strace $0x9FFFFFFF  }
0xc2: {  	(tm) =	ssettm $0x7FFFFFFF  }
0xc3: {  	_ =	shalt  }
tec
execute0_lowered:
.L_overlay_start_1:
0x0: {  	(tag) =	ssettag $0x1  }
0x1: {  	s0 =	rddreg [dreg:$0x0]  }
0x2: {  	s1 =	rddreg [dreg:$0x1]  }
0x3: {  	s3 =	simm.s32 $0x0;
	s2 =	srdreg.scid;
	s11 =	stileid.u32  }
0x4: {  	s18 =	simm.s32 $0x2;
	s19 =	simm.s32 $0x80;
	s20 =	simm.s32 $0x3500  }
0x5: {  	s21 =	simm.s32 $0x1;
	s28 =	simm.s32 $0x3480;
	s7 =	smul.u32 $0x14000, s11  }
0x6: {  	s29 =	simm.s32 $0x0;
	[smem:$0x7FF] =	sst s3;
	s9 =	smul.u32 $0x50000, s11  }
0x7: {  	s2 =	sand.u32 $0x1, s2;
	s14 =	sadd.s32 $0x19200, s0;
	s23 =	smul.u32 $0x680, s11  }
0x8: {  	s10 =	sadd.s32 $0xEE00, s0;
	s4 =	sadd.s32 $0x23600, s0;
	s16 =	smul.u32 $0x380, s11  }
0x9: {  	s5 =	sadd.s32 $0x4400, s0;
	s25 =	sshll.u32 s11, $0x6;
	s11 =	smul.u32 $0x1C00, s11  }
0xa: {  	s6 =	smul.u32 $0x140000, s2;
	_ =	strace $0x8000004D;
	s22 =	ssub.s32 $0x2, s2  }
0xb: {  	p0 =	seq.s32 s2, $0x1;
	s8 =	sshrl.u32 s22, $0x1;
	s24 =	sshrl.u32 s9, $0x2  }
0xc: {  	s26 =	sadd.s32 $0x6800, s16;
	s12 =	sshrl.u32 s11, $0x3;
	s31 =	sadd.s32 s16, s14  }
0xd: {  	s6 =	sadd.s32 s7, s6;
	s15 =	ssub.s32 s22, s8;
	s17 =	sadd.s32 s24, s1  }
0xe: {  	s7 =	sadd.s32 s10, s23;
	s8 =	sadd.s32 s14, s23;
	s10 =	sadd.s32 s10, s26  }
.Ltmp0:
0xf: {  	s11 =	sadd.s32 s14, s26;
	s30 =	sadd.s32 s14, s12;
	(pc) =	sbr.rel .LBB2_1-.Ltmp0, $4  }
0x10: {  	s16 =	sadd.s32 $0x6820, s31;
	s22 =	simm.s32 $0x3;
	s6 =	sshrl.u32 s6, $0x3  }
0x11: {  	s9 =	sadd.s32 $0x10, s8;
	s12 =	sadd.s32 $0x6810, s30;
	s14 =	smax.u32 s15, $0x1  }
0x12: {  	s17 =	sshrl.u32 s17, $0x3;
	s0 =	sadd.s32 s6, s0;
	s6 =	sor.u32 $0x1C02, s25  }
0x13: {  	s25 =	simm.s32 $0x7500;
	s13 =	sadd.s32 $0x4B600, s0;
	s0 =	sadd.s32 $0x20, s8  }
.LBB2_7:
0x14: {  	[sflag:s18] =	ssyncset.done $0x0  }
0x15: {  	[sflag:s18] =	ssyncadd.s32 $0xFFFFFF80  }
0x16: {  	_ =	swait.ge [sflag:s21], $0x4000  }
0x17: {  	[sflag:s21] =	ssyncset.done $0x0  }
0x18: {  	[sflag:s21] =	ssyncadd.s32 $0xFFFFC000  }
0x19: {  	[tilespmem:s2], [sflag:$0x1] =	stream.indirect.gather [hbm4b:s4+s19], $0x80, s23, s19, $0xb8;
	[tilespmem:$0x1F500] =	vst v63  }
0x1a: {  	s30 =	simm.s32 $0x1C00  }
0x1b: {  	[spmem:s1] =	stream.indirect.scatter.add.f32 [tilespmem:s20], [sflag:$0x3], $0x80, s30, s19, $0xb8;
	[tilespmem:$0x1F500] =	vst v63  }
0x1c: {  	_ =	swait.ge [sflag:s22], $0x4000  }
0x1d: {  	[sflag:s22] =	ssyncset.done $0x0  }
0x1e: {  	[sflag:s22] =	ssyncadd.s32 $0xFFFFC000  }
0x1f: {  	_ =	swait.ge [sflag:s21], $0x4000  }
0x20: {  	[sflag:s21] =	ssyncset.done $0x0  }
0x21: {  	s31 =	simm.s32 $0x1C80;
	[sflag:s21] =	ssyncadd.s32 $0xFFFFC000  }
0x22: {  	[spmem:s1] =	stream.indirect.scatter.add.f32 [tilespmem:s25], [sflag:$0x3], $0x80, s31, s19, $0xb8;
	[tilespmem:$0x1F500] =	vst v63  }
.LBB2_8:
0x23: {  	_ =	swait.ge [sflag:s22], $0x4000  }
0x24: {  	s29 =	sadd.s32 $0x1, s29;
	[sflag:s22] =	ssyncset.done $0x0  }
0x25: {  	p1 =	sne.s32 s29, s14;
	[sflag:s22] =	ssyncadd.s32 $0xFFFFC000  }
.Ltmp1:
0x26: {  	[bflag:$0x0] =	sbarrier.arrive $0xFFFF;
	(pc) =	sbr.rel @!p1 .LBB2_9-.Ltmp1, $4  }
0x27: {  	[hbm:s13], [sflag:s6] =	dma.local [spmem:s17], $0x2800  }
0x28: {  	_ =	swait.ge [sflag:s18], $0x2800  }
0x29: {  	[sflag:s18] =	ssyncset.done $0x0  }
0x2a: {  	[sflag:s18] =	ssyncadd.s32 $0xFFFFD800  }
.LBB2_1:
0x2b: {  	[spmem:s17], [sflag:s6] =	dma.local [hbm:s5], $0x2800  }
.Ltmp2:
0x2c: {  	_ =	swait.ge [sflag:s18], $0x2800;
	(pc) =	sbr.rel @!p0 .LBB2_2-.Ltmp2, $4  }
0x2d: {  	[sflag:s18] =	ssyncset.done $0x0  }
0x2e: {  	[sflag:s18] =	ssyncadd.s32 $0xFFFFD800  }
0x2f: {  	[bflag:$0x0] =	sbarrier.arrive $0xFFFF  }
0x30: {  	s30 =	simm.s32 $0x100  }
0x31: {  	[tilespmem:s30], [sflag:$0x2] =	stream.linear.gather [hbm4b:s10+s3], $0x1C00, $0x38;
	[tilespmem:$0x1F500] =	vst v63  }
0x32: {  	_ =	swait.ge [sflag:s18], $0x1C00  }
0x33: {  	[sflag:s18] =	ssyncset.done $0x0  }
0x34: {  	[sflag:s18] =	ssyncadd.s32 $0xFFFFE400  }
0x35: {  	[tilespmem:s3], [sflag:$0x2] =	stream.linear.gather [hbm4b:s11+s3], $0x80, $0x38;
	[tilespmem:$0x1F500] =	vst v63  }
0x36: {  	_ =	swait.ge [sflag:s18], $0x80  }
0x37: {  	[sflag:s18] =	ssyncset.done $0x0  }
0x38: {  	[sflag:s18] =	ssyncadd.s32 $0xFFFFFF80  }
0x39: {  	[tilespmem:s20], [sflag:$0x1] =	stream.indirect.gather [hbm4b:s4+s19], $0x80, s3, s19, $0xb8;
	[tilespmem:$0x1F500] =	vst v63  }
0x3a: {  	_ = 	snop  }
0x3b: {  	[tilespmem:s19], [sflag:$0x2] =	stream.linear.gather [hbm4b:s12+s3], $0x80, $0x38;
	[tilespmem:$0x1F500] =	vst v63  }
0x3c: {  	_ =	swait.ge [sflag:s18], $0x80  }
0x3d: {  	[sflag:s18] =	ssyncset.done $0x0  }
0x3e: {  	s2 =	simm.s32 $0x1;
	s15 =	simm.s32 $0x0;
	[sflag:s18] =	ssyncadd.s32 $0xFFFFFF80  }
0x3f: {  	s2 =	sand.u32 $0x1, s2;
	s15 =	sand.u32 $0x1, s15;
	_ =	swait.ge [sflag:s21], $0x4000  }
0x40: {  	s23 =	sshll.u32 s2, $0xE;
	s2 =	sshll.u32 s2, $0x7;
	[sflag:s21] =	ssyncset.done $0x0  }
0x41: {  	s24 =	sshll.u32 s15, $0xE;
	s23 =	sor.u32 $0x3500, s23;
	[sflag:s21] =	ssyncadd.s32 $0xFFFFC000  }
0x42: {  	[tilespmem:s23], [sflag:$0x1] =	stream.indirect.gather [hbm4b:s4+s19], $0x80, s2, s19, $0xb8;
	[tilespmem:$0x1F500] =	vst v63  }
0x43: {  	s24 =	sor.u32 $0x3500, s24  }
0x44: {  	[spmem:s1] =	stream.indirect.scatter.add.f32 [tilespmem:s24], [sflag:$0x3], $0x80, s30, s19, $0xb8;
	[tilespmem:$0x1F500] =	vst v63  }
0x45: {  	_ =	swait.ge [sflag:s22], $0x4000  }
0x46: {  	[sflag:s22] =	ssyncset.done $0x0  }
0x47: {  	s26 =	sshll.u32 s15, $0x7;
	[sflag:s22] =	ssyncadd.s32 $0xFFFFC000  }
0x48: {  	[tilespmem:s26], [sflag:$0x2] =	stream.linear.gather [hbm4b:s16+s3], $0x80, $0x38;
	[tilespmem:$0x1F500] =	vst v63  }
0x49: {  	s31 =	simm.s32 $0x2;
	s15 =	smov.u32 s16;
	_ =	swait.ge [sflag:s18], $0x80  }
.LBB2_6:
0x4a: {  	[sflag:s18] =	ssyncset.done $0x0;
	s15 =	sadd.s32 $0x10, s15;
	s30 =	sadd.s32 $0x80, s30  }
0x4b: {  	s2 =	sadd.s32 $0xFFFFFFFF, s31;
	s23 =	sand.u32 $0x1, s31;
	[sflag:s18] =	ssyncadd.s32 $0xFFFFFF80  }
0x4c: {  	s24 =	sshll.u32 s23, $0xE;
	s23 =	sshll.u32 s23, $0x7;
	_ =	swait.ge [sflag:s21], $0x4000  }
0x4d: {  	s26 =	sand.u32 $0x1, s2;
	s2 =	sor.u32 $0x3500, s24;
	[sflag:s21] =	ssyncset.done $0x0  }
0x4e: {  	p1 =	sne.s32 s31, $0x36;
	s24 =	sshll.u32 s26, $0xE;
	[sflag:s21] =	ssyncadd.s32 $0xFFFFC000  }
0x4f: {  	[tilespmem:s2], [sflag:$0x1] =	stream.indirect.gather [hbm4b:s4+s19], $0x80, s23, s19, $0xb8;
	[tilespmem:$0x1F500] =	vst v63  }
0x50: {  	s31 =	sadd.s32 $0x1, s31;
	s2 =	sor.u32 $0x3500, s24  }
0x51: {  	[spmem:s1] =	stream.indirect.scatter.add.f32 [tilespmem:s2], [sflag:$0x3], $0x80, s30, s19, $0xb8;
	[tilespmem:$0x1F500] =	vst v63  }
.Ltmp3:
0x52: {  	_ =	swait.ge [sflag:s22], $0x4000;
	(pc) =	sbr.rel @p1 .LBB2_6-.Ltmp3, $4  }
0x53: {  	s23 =	sshll.u32 s26, $0x7;
	[sflag:s22] =	ssyncset.done $0x0  }
0x54: {  	[sflag:s22] =	ssyncadd.s32 $0xFFFFC000  }
0x55: {  	[tilespmem:s23], [sflag:$0x2] =	stream.linear.gather [hbm4b:s15+s3], $0x80, $0x38;
	[tilespmem:$0x1F500] =	vst v63  }
0x56: {  	_ =	swait.ge [sflag:s18], $0x80  }
.Ltmp4:
0x57: {  	_ = 	snop;
	(pc) =	sbr.rel .LBB2_7-.Ltmp4, $1  }
0x58: {  	_ =	sdelay $0x3  }
.LBB2_2:
0x59: {  	[tilespmem:s30], [sflag:$0x2] =	stream.linear.gather [hbm4b:s7+s3], $0x3400, $0x38;
	[tilespmem:$0x1F500] =	vst v63  }
0x5a: {  	_ =	swait.ge [sflag:s18], $0x3400  }
0x5b: {  	[sflag:s18] =	ssyncset.done $0x0  }
0x5c: {  	[sflag:s18] =	ssyncadd.s32 $0xFFFFCC00  }
0x5d: {  	[tilespmem:s3], [sflag:$0x2] =	stream.linear.gather [hbm4b:s8+s3], $0x80, $0x38;
	[tilespmem:$0x1F500] =	vst v63  }
0x5e: {  	_ =	swait.ge [sflag:s18], $0x80  }
0x5f: {  	[sflag:s18] =	ssyncset.done $0x0  }
0x60: {  	[sflag:s18] =	ssyncadd.s32 $0xFFFFFF80  }
0x61: {  	[tilespmem:s20], [sflag:$0x1] =	stream.indirect.gather [hbm4b:s4+s19], $0x80, s3, s19, $0xb8;
	[tilespmem:$0x1F500] =	vst v63  }
0x62: {  	_ = 	snop  }
0x63: {  	[tilespmem:s19], [sflag:$0x2] =	stream.linear.gather [hbm4b:s9+s3], $0x80, $0x38;
	[tilespmem:$0x1F500] =	vst v63  }
0x64: {  	_ =	swait.ge [sflag:s18], $0x80  }
0x65: {  	[sflag:s18] =	ssyncset.done $0x0  }
0x66: {  	s2 =	simm.s32 $0x1;
	s15 =	simm.s32 $0x0;
	[sflag:s18] =	ssyncadd.s32 $0xFFFFFF80  }
0x67: {  	s2 =	sand.u32 $0x1, s2;
	s15 =	sand.u32 $0x1, s15;
	_ =	swait.ge [sflag:s21], $0x4000  }
0x68: {  	s23 =	sshll.u32 s2, $0xE;
	s2 =	sshll.u32 s2, $0x7;
	[sflag:s21] =	ssyncset.done $0x0  }
0x69: {  	s31 =	sshll.u32 s15, $0xE;
	s23 =	sor.u32 $0x3500, s23;
	[sflag:s21] =	ssyncadd.s32 $0xFFFFC000  }
0x6a: {  	[tilespmem:s23], [sflag:$0x1] =	stream.indirect.gather [hbm4b:s4+s19], $0x80, s2, s19, $0xb8;
	[tilespmem:$0x1F500] =	vst v63  }
0x6b: {  	s24 =	sor.u32 $0x3500, s31  }
0x6c: {  	[spmem:s1] =	stream.indirect.scatter.add.f32 [tilespmem:s24], [sflag:$0x3], $0x80, s30, s19, $0xb8;
	[tilespmem:$0x1F500] =	vst v63  }
0x6d: {  	_ =	swait.ge [sflag:s22], $0x4000  }
0x6e: {  	[sflag:s22] =	ssyncset.done $0x0  }
0x6f: {  	s26 =	sshll.u32 s15, $0x7;
	[sflag:s22] =	ssyncadd.s32 $0xFFFFC000  }
0x70: {  	[tilespmem:s26], [sflag:$0x2] =	stream.linear.gather [hbm4b:s0+s3], $0x80, $0x38;
	[tilespmem:$0x1F500] =	vst v63  }
0x71: {  	s15 =	smov.u32 s0;
	s31 =	simm.s32 $0x2;
	_ =	swait.ge [sflag:s18], $0x80  }
.LBB2_3:
0x72: {  	[sflag:s18] =	ssyncset.done $0x0;
	s15 =	sadd.s32 $0x10, s15;
	s30 =	sadd.s32 $0x80, s30  }
0x73: {  	s2 =	sadd.s32 $0xFFFFFFFF, s31;
	s23 =	sand.u32 $0x1, s31;
	[sflag:s18] =	ssyncadd.s32 $0xFFFFFF80  }
0x74: {  	s24 =	sshll.u32 s23, $0xE;
	s23 =	sshll.u32 s23, $0x7;
	_ =	swait.ge [sflag:s21], $0x4000  }
0x75: {  	s26 =	sand.u32 $0x1, s2;
	s2 =	sor.u32 $0x3500, s24;
	[sflag:s21] =	ssyncset.done $0x0  }
0x76: {  	p1 =	seq.s32 s31, $0x66;
	s24 =	sshll.u32 s26, $0xE;
	[sflag:s21] =	ssyncadd.s32 $0xFFFFC000  }
0x77: {  	[tilespmem:s2], [sflag:$0x1] =	stream.indirect.gather [hbm4b:s4+s19], $0x80, s23, s19, $0xb8;
	[tilespmem:$0x1F500] =	vst v63  }
0x78: {  	s31 =	sadd.s32 $0x1, s31;
	s2 =	sor.u32 $0x3500, s24  }
0x79: {  	[spmem:s1] =	stream.indirect.scatter.add.f32 [tilespmem:s2], [sflag:$0x3], $0x80, s30, s19, $0xb8;
	[tilespmem:$0x1F500] =	vst v63  }
.Ltmp5:
0x7a: {  	_ =	swait.ge [sflag:s22], $0x4000;
	(pc) =	sbr.rel @!p1 .LBB2_3-.Ltmp5, $4  }
0x7b: {  	s23 =	sshll.u32 s26, $0x7;
	[sflag:s22] =	ssyncset.done $0x0  }
0x7c: {  	[sflag:s22] =	ssyncadd.s32 $0xFFFFC000  }
0x7d: {  	[tilespmem:s23], [sflag:$0x2] =	stream.linear.gather [hbm4b:s15+s3], $0x80, $0x38;
	[tilespmem:$0x1F500] =	vst v63  }
0x7e: {  	_ =	swait.ge [sflag:s18], $0x80  }
0x7f: {  	[sflag:s18] =	ssyncset.done $0x0  }
0x80: {  	[sflag:s18] =	ssyncadd.s32 $0xFFFFFF80  }
0x81: {  	_ =	swait.ge [sflag:s21], $0x4000  }
0x82: {  	[sflag:s21] =	ssyncset.done $0x0  }
0x83: {  	[sflag:s21] =	ssyncadd.s32 $0xFFFFC000  }
0x84: {  	[tilespmem:s2], [sflag:$0x1] =	stream.indirect.gather [hbm4b:s4+s19], $0x80, s23, s19, $0xb8;
	[tilespmem:$0x1F500] =	vst v63  }
0x85: {  	s31 =	simm.s32 $0x3400  }
0x86: {  	[spmem:s1] =	stream.indirect.scatter.add.f32 [tilespmem:s20], [sflag:$0x3], $0x80, s31, s19, $0xb8;
	[tilespmem:$0x1F500] =	vst v63  }
0x87: {  	_ =	swait.ge [sflag:s22], $0x4000  }
0x88: {  	[sflag:s22] =	ssyncset.done $0x0  }
.Ltmp6:
0x89: {  	[sflag:s22] =	ssyncadd.s32 $0xFFFFC000;
	(pc) =	sbr.rel .LBB2_8-.Ltmp6, $4  }
0x8a: {  	_ =	swait.ge [sflag:s21], $0x4000  }
0x8b: {  	[sflag:s21] =	ssyncset.done $0x0  }
0x8c: {  	[sflag:s21] =	ssyncadd.s32 $0xFFFFC000  }
0x8d: {  	[spmem:s1] =	stream.indirect.scatter.add.f32 [tilespmem:s25], [sflag:$0x3], $0x80, s28, s19, $0xb8;
	[tilespmem:$0x1F500] =	vst v63  }
.LBB2_9:
0x8e: {  	_ =	sfence.sel $0x180000  }
0x8f: {  	[bflag:$0x0] =	sbarrier.arrive $0xFFFF  }
0x90: {  	_ =	strace $0x9000004D  }
0x91: {  	s0 =	stileid.u32;
	[bflag:$0x2] =	sbarrier.arrive $0xFFFF  }
0x92: {  	p0 =	sne.s32 s0, $0x0;
	s0 =	rddreg [dreg:$0x2]  }
0x93: {  	s0 =	sadd.s32 @!p0 $0x100000, s0  }
0x94: {  	[sflag:s0] =	ssyncadd.tile.s32 @!p0 $0x1;
	_ =	shalt  }
.Lfunc_end2:
_tile_overlayer_lowered:
.L_overlay_start_2:
0x95: {  	(tag) =	ssettag $0x2  }
0x96: {  	s0 =	rddreg [dreg:$0x0];
	s2 =	stileid.u32  }
0x97: {  	s1 =	rddreg [dreg:$0x1];
	p0 =	sne.s32 s2, $0x0  }
0x98: {  	s3 =	rddreg [dreg:$0x2];
	[bflag:$0x3] =	sbarrier.arrive $0xFFFF;
	s2 =	simm.s32 @!p0 $0x1C02  }
0x99: {  	[timem:s3], [sflag:s2] =	dma.local @!p0 [hbm:s0], s1  }
0x9a: {  	s0 =	simm.s32 @!p0 $0x2  }
0x9b: {  	_ =	swait.ge @!p0 [sflag:s0], s1  }
0x9c: {  	s1 =	ssub.s32 @!p0 $0x0, s1;
	[sflag:s0] =	ssyncset.done @!p0 $0x0  }
0x9d: {  	[sflag:s0] =	ssyncadd.s32 @!p0 s1  }
0x9e: {  	[bflag:$0x3] =	sbarrier.arrive $0xFFFF  }
0x9f: {  	_ =	shalt  }

// kernel: kernel.8.cloned.1.call-start
scs
__scs_entry_jumppad:
0x0: {  	(pc) =	sbr.rel $0x88, $3  }
0x1: {  	(tag) =	ssettag $0x0;
	lr =	simm.s32 $0x1  }
0x2: {  	[smem:$0x3F8C] =	sst lr;
	_ =	strace $0xD0000000  }
0x3: {  	_ = 	snop  }
0x4: {  	_ = 	snop  }
0x5: {  	_ = 	snop  }
0x6: {  	_ = 	snop  }
0x7: {  	_ = 	snop  }
__scs_overlays_trampoline_lowered:
0x8: {  	[smem:$0x3F9B] =	sst s0  }
0x9: {  	[smem:$0x3F9C] =	sst s1  }
0xa: {  	[smem:$0x3F9D] =	sst s2  }
0xb: {  	[smem:$0x3F9E] =	sst s3  }
0xc: {  	[smem:$0x3F9F] =	sst s4  }
0xd: {  	[smem:$0x3FA0] =	sst s5  }
0xe: {  	[smem:$0x3FA1] =	sst s6  }
0xf: {  	[smem:$0x3FA2] =	sst s7  }
0x10: {  	[smem:$0x3FA3] =	sst s8  }
0x11: {  	[smem:$0x3FA4] =	sst s9;
	s0 =	simm.s32 @!p0 $0x0  }
0x12: {  	s1 =	sld [smem:$0x3F8A];
	s0 =	simm.s32 @p0 $0x1  }
0x13: {  	[smem:$0x3FA5] =	sst s0;
	s0 =	simm.s32 @!p1 $0x0  }
0x14: {  	s2 =	sld [smem:$0x3F89];
	s0 =	simm.s32 @p1 $0x1  }
0x15: {  	[smem:$0x3FA6] =	sst s0;
	s0 =	simm.s32 @!p2 $0x0  }
0x16: {  	s3 =	sld [smem:$0x3FDB];
	s0 =	simm.s32 @p2 $0x1  }
0x17: {  	s4 =	simm.s32 $0x1BF5;
	[smem:$0x3FA8] =	sst s0  }
0x18: {  	s0 =	sld [smem:$0x3F8B];
	_ =	swait.ge [sflag:s4], $0x0  }
0x19: {  	s7 =	sld [smem:$0x3F8C]  }
0x1a: {  	s8 =	sadd.s32 $0xFFFFE003, lr  }
0x1b: {  	s9 =	sadd.s32 $0xFFFFFEF7, lr;
	s5 =	simm.s32 $0xFFFFFFFF;
	p2 =	slt.u32 s8, $0xFFFFF086  }
0x1c: {  	p1 =	slt.u32 s9, $0xF7A;
	s5 =	simm.s32 @!p2 $0x0  }
0x1d: {  	s5 =	simm.s32 @p1 $0x1;
	p0 =	seq.s32 s7, s2  }
0x1e: {  	s7 =	smul.u32 @!p0 $0xF7A, s2;
	p2 =	seq.s32 @!p0 s5, $0x0  }
0x1f: {  	s9 =	smul.u32 $0xF7A, s1;
	s8 =	simm.s32 @!p0 $0x1BF5;
	p2 =	por !p2, p0  }
0x20: {  	[sflag:s8] =	ssyncset.s32 @!p0 $0xFFFFF086;
	s6 =	sadd.s32 @!p0 s3, s7;
	s7 =	simm.s32 @!p0 $0x108  }
0x21: {  	s3 =	sadd.s32 s3, s9;
	s6 =	sadd.s32 @!p0 $0x88, s6;
	s7 =	simm.s32 @p2 $0x1082  }
0x22: {  	[simem:s7], [sflag:s8] =	dma.local @!p0 [hbm:s6], $0xF7A  }
0x23: {  	s9 =	sor.u32 $0xD0000000, s2;
	s6 =	simm.s32 $0x108;
	_ =	swait.ge @!p0 [sflag:s8], $0x0  }
0x24: {  	s3 =	sadd.s32 $0x88, s3;
	s6 =	simm.s32 @!p1 $0x1082;
	[sflag:s4] =	ssyncset.s32 $0xFFFFF086  }
0x25: {  	[simem:s6], [sflag:s4] =	dma.local [hbm:s3], $0xF7A  }
0x26: {  	[smem:$0x3F8C] =	sst s1;
	(tag) =	ssettag s2;
	_ =	strace s9  }
0x27: {  	s1 =	sld [smem:$0x3F9C]  }
0x28: {  	s2 =	sld [smem:$0x3F9D]  }
0x29: {  	s4 =	sld [smem:$0x3F9F]  }
0x2a: {  	p0 =	seq.s32 s5, $0x0;
	s5 =	sld [smem:$0x3FA0]  }
0x2b: {  	s6 =	sld [smem:$0x3FA1]  }
0x2c: {  	s7 =	sld [smem:$0x3FA2]  }
0x2d: {  	s3 =	simm.s32 $0x108;
	s8 =	sld [smem:$0x3FA3]  }
0x2e: {  	s3 =	simm.s32 @!p0 $0x1082;
	s9 =	sld [smem:$0x3FA4]  }
0x2f: {  	lr =	sadd.s32 s0, s3;
	s0 =	sld [smem:$0x3F9B]  }
0x30: {  	s3 =	sld [smem:$0x3F9E]  }
0x31: {  	[smem:$0x3FA7] =	sst s10  }
0x32: {  	s10 =	sld [smem:$0x3FA5];
	_ =	sdelay $0x3  }
0x33: {  	p0 =	seq.s32 s10, $0x1;
	s10 =	sld [smem:$0x3FA7];
	_ =	sdelay $0x3  }
0x34: {  	[smem:$0x3FA7] =	sst s10  }
0x35: {  	s10 =	sld [smem:$0x3FA6];
	_ =	sdelay $0x3  }
0x36: {  	p1 =	seq.s32 s10, $0x1;
	s10 =	sld [smem:$0x3FA7];
	_ =	sdelay $0x3  }
0x37: {  	[smem:$0x3FA7] =	sst s10  }
0x38: {  	s10 =	sld [smem:$0x3FA8]  }
0x39: {  	_ = 	snop;
	(pc) =	sbr.ind lr, $3  }
0x3a: {  	_ = 	snop  }
0x3b: {  	_ = 	snop  }
0x3c: {  	p2 =	seq.s32 s10, $0x1;
	s10 =	sld [smem:$0x3FA7]  }
0x3d: {  	_ =	shalt  }
0x3e: {  	_ =	shalt  }
0x3f: {  	_ =	shalt  }
0x40: {  	_ =	shalt  }
0x41: {  	_ =	shalt  }
0x42: {  	_ =	shalt  }
0x43: {  	_ =	shalt  }
0x44: {  	_ =	shalt  }
0x45: {  	_ =	shalt  }
0x46: {  	_ =	shalt  }
0x47: {  	_ =	shalt  }
0x48: {  	_ =	shalt  }
0x49: {  	_ =	shalt  }
0x4a: {  	_ =	shalt  }
0x4b: {  	_ =	shalt  }
0x4c: {  	_ =	shalt  }
0x4d: {  	_ =	shalt  }
0x4e: {  	_ =	shalt  }
0x4f: {  	_ =	shalt  }
0x50: {  	_ =	shalt  }
0x51: {  	_ =	shalt  }
0x52: {  	_ =	shalt  }
0x53: {  	_ =	shalt  }
0x54: {  	_ =	shalt  }
0x55: {  	_ =	shalt  }
0x56: {  	_ =	shalt  }
0x57: {  	_ =	shalt  }
0x58: {  	_ =	shalt  }
0x59: {  	_ =	shalt  }
0x5a: {  	_ =	shalt  }
0x5b: {  	_ =	shalt  }
0x5c: {  	_ =	shalt  }
0x5d: {  	_ =	shalt  }
0x5e: {  	_ =	shalt  }
0x5f: {  	_ =	shalt  }
0x60: {  	_ =	shalt  }
0x61: {  	_ =	shalt  }
0x62: {  	_ =	shalt  }
0x63: {  	_ =	shalt  }
0x64: {  	_ =	shalt  }
0x65: {  	_ =	shalt  }
0x66: {  	_ =	shalt  }
0x67: {  	_ =	shalt  }
0x68: {  	_ =	shalt  }
0x69: {  	_ =	shalt  }
0x6a: {  	_ =	shalt  }
0x6b: {  	_ =	shalt  }
0x6c: {  	_ =	shalt  }
0x6d: {  	_ =	shalt  }
0x6e: {  	_ =	shalt  }
0x6f: {  	_ =	shalt  }
0x70: {  	_ =	shalt  }
0x71: {  	_ =	shalt  }
0x72: {  	_ =	shalt  }
0x73: {  	_ =	shalt  }
0x74: {  	_ =	shalt  }
0x75: {  	_ =	shalt  }
0x76: {  	_ =	shalt  }
0x77: {  	_ =	shalt  }
0x78: {  	_ =	shalt  }
0x79: {  	_ =	shalt  }
0x7a: {  	_ =	shalt  }
0x7b: {  	_ =	shalt  }
0x7c: {  	_ =	shalt  }
0x7d: {  	_ =	shalt  }
0x7e: {  	_ =	shalt  }
0x7f: {  	_ =	shalt  }
0x80: {  	_ =	shalt  }
0x81: {  	_ =	shalt  }
0x82: {  	_ =	shalt  }
0x83: {  	_ =	shalt  }
0x84: {  	_ =	shalt  }
0x85: {  	_ =	shalt  }
0x86: {  	_ =	shalt  }
0x87: {  	_ =	shalt  }
.Lfunc_end0:
.L_simem_size_0:
called_computation_lowered:
.L_overlay_start_0:
0x88: {  	s2 =	sld [smem:$0x3FD9]  }
0x89: {  	s3 =	sld [smem:$0x3FFE];
	_ =	sdelay $0x1  }
0x8a: {  	s1 =	srdreg.scid  }
0x8b: {  	s0 =	sand.u32 $0x1, s1  }
0x8c: {  	s16 =	sshll.u32 s0, $0xA;
	s2 =	sadd.s32 s3, s2  }
0x8d: {  	s2 =	sadd.s32 s2, s16  }
0x8e: {  	[smem:$0x3FB3] =	sst s2  }
0x8f: {  	_ = 	snop  }
0x90: {  	(tm) =	ssettm $0x1  }
0x91: {  	s17 =	sld [smem:$0x3FFB];
	_ =	sdelay $0x3  }
0x92: {  	_ =	strace s17  }
0x93: {  	s2 =	sld [smem:$0x3FFC];
	_ =	sdelay $0x3  }
0x94: {  	_ =	strace s2  }
0x95: {  	s2 =	sld [smem:$0x3FFD];
	_ =	sdelay $0x3  }
0x96: {  	_ =	strace s2  }
0x97: {  	_ =	strace $0x8FFFFFFF  }
0x98: {  	s18 =	sld [smem:$0x3FDB];
	_ =	sdelay $0x1  }
0x99: {  	s19 =	simm.s32 $_scs_section_size  }
0x9a: {  	s4 =	simm.s32 $_size__tile_overlayer_lowered;
	s5 =	simm.s32 $_tile_overlayer_lowered  }
0x9b: {  	s22 =	simm.s32 $0x1BFF;
	s21 =	sshll.u32 s5, $0x1;
	s2 =	sadd.s32 s19, s18  }
0x9c: {  	s6 =	simm.s32 $0x0;
	s20 =	sshll.u32 s4, $0x1;
	s4 =	sadd.s32 s21, s2  }
0x9d: {  	[timem:s6], [sflag:s22] =	dma.local [hbm:s4], s20  }
0x9e: {  	_ =	swait.ge [sflag:s22], s20  }
0x9f: {  	s3 =	ssub.s32 $0x0, s20;
	[sflag:s22] =	ssyncset.done $0x0  }
0xa0: {  	[sflag:s22] =	ssyncadd.s32 s3;
	_ =	sdelay $0x1  }
0xa1: {  	s23 =	simm.s32 $0x1B8B  }
0xa2: {  	_ =	swait.ge [sflag:s23], $0x1  }
0xa3: {  	[sflag:s23] =	ssyncset.done $0x0  }
0xa4: {  	s25 =	simm.s32 $0x1B8E;
	s24 =	sld [smem:$0x3FFE];
	[sflag:s23] =	ssyncadd.s32 $0xFFFFFFFF  }
0xa5: {  	s26 =	simm.s32 $execute0_lowered;
	[smem:$0x3FD2] =	sst s25  }
0xa6: {  	s4 =	sshll.u32 s26, $0x1;
	_ =	strace $0x80000046;
	[dreg:$0x1] =	wrdreg $0xFFFFFFFF  }
0xa7: {  	s28 =	simm.s32 $_size_execute0_lowered;
	s2 =	sadd.s32 s2, s4;
	[dreg:$0x0] =	wrdreg $0x0  }
0xa8: {  	s4 =	sshll.u32 s28, $0x1;
	[dreg:$0x2] =	wrdreg s2  }
0xa9: {  	[dreg:$0x3] =	wrdreg s4  }
0xaa: {  	[dreg:$0x4] =	wrdreg $0xC0  }
0xab: {  	_ =	task [dreg:s6], $0x5FFFF  }
0xac: {  	[dreg:$0x1] =	wrdreg $0xFFFFFFFF  }
0xad: {  	[dreg:$0x0] =	wrdreg $0x60  }
0xae: {  	[dreg:$0x2] =	wrdreg s24  }
0xaf: {  	[dreg:$0x3] =	wrdreg $0x2B000  }
0xb0: {  	[dreg:$0x4] =	wrdreg $0x9  }
0xb1: {  	_ =	task.clear_ibuf [dreg:s6], $0x5FFFF;
	_ =	strace $0x90000046  }
0xb2: {  	s29 =	simm.s32 $0x9;
	_ =	strace $0x80000048  }
0xb3: {  	_ =	swait.ge [sflag:s29], $0x1  }
0xb4: {  	[sflag:s29] =	ssyncadd.s32 $0xFFFFFFFF  }
0xb5: {  	_ =	strace $0x90000048  }
0xb6: {  	_ =	sfence  }
0xb7: {  	s30 =	sld [smem:$0x0];
	_ =	sdelay $0x2  }
0xb8: {  	s31 =	sshll.u32 s1, $0xD;
	s1 =	sshrl.u32 s1, $0x2  }
0xb9: {  	s3 =	sand.u32 $0x4000, s31;
	s1 =	sadd.s32 s1, s30  }
0xba: {  	s0 =	sor.u32 s3, s0;
	s1 =	sshll.u32 s1, $0x11  }
0xbb: {  	s0 =	sor.u32 s1, s0  }
0xbc: {  	s0 =	sadd.s32 $0x8F2B, s0  }
0xbd: {  	[sflag:s0] =	ssyncadd.remote.s32 $0x1  }
0xbe: {  	_ =	sfence.sel $0xFFFF  }
0xbf: {  	[dreg:$0x0] =	wrdreg $0xFFFFFFFF;
	(pc) =	sbr.abs _section_cstart, $3  }
0xc0: {  	[dreg:$0x1] =	wrdreg $0xFFFFFFFF  }
0xc1: {  	_ =	task.clear_ibuf [dreg:s6], $0x2FFFF;
	_ =	strace $0x9FFFFFFF  }
0xc2: {  	(tm) =	ssettm $0x7FFFFFFF  }
0xc3: {  	_ =	shalt  }
tec
execute0_lowered:
.L_overlay_start_1:
0x0: {  	(tag) =	ssettag $0x1  }
0x1: {  	s4 =	rddreg [dreg:$0x0];
	s0 =	srdreg.scid  }
0x2: {  	s2 =	rddreg [dreg:$0x1];
	s1 =	stileid.u32  }
0x3: {  	s3 =	simm.s32 $0x0;
	s10 =	simm.s32 $0x80;
	s11 =	simm.s32 $0x2800  }
0x4: {  	s14 =	simm.s32 $0x20;
	s15 =	simm.s32 $0x10;
	s16 =	simm.s32 $0x0  }
0x5: {  	s5 =	sand.u32 $0x1, s0;
	s0 =	rddreg [dreg:$0x2];
	s7 =	smul.u32 $0x500, s1  }
0x6: {  	[smem:$0x7FF] =	sst s3;
	s30 =	smul.u32 $0xA00, s1;
	s12 =	sshll.u32 s1, $0x6  }
0x7: {  	s6 =	sshll.u32 s5, $0x4;
	s8 =	sshll.u32 s5, $0x7;
	_ =	strace $0x80000047  }
0x8: {  	s5 =	ssub.s32 $0x2, s5;
	s12 =	sor.u32 $0x1C01, s12;
	s6 =	sor.u32 s1, s6  }
0x9: {  	s7 =	sor.u32 s8, s7;
	s31 =	sshrl.u32 s5, $0x1;
	s6 =	smul.u32 $0x500, s6  }
0xa: {  	s8 =	sshrl.u32 s30, $0x2;
	s7 =	sshrl.u32 s7, $0x3;
	s9 =	ssub.s32 s5, s31  }
0xb: {  	s5 =	sadd.s32 s8, s2;
	s8 =	simm.s32 $0x1;
	s6 =	sadd.s32 s6, s4  }
0xc: {  	s7 =	sadd.s32 s7, s4;
	s13 =	sshrl.u32 s5, $0x3;
	s4 =	sadd.s32 $0x4400, s6  }
0xd: {  	v0 =	vimm.f32 $1.000000000e+00;
	v1 =	vimm.f32 $0.0e+00;
	s6 =	sadd.s32 $0xE400, s7;
	s7 =	smax.u32 s9, $0x1;
	s9 =	simm.s32 $0x2880  }
.LBB2_1:
0xe: {  	[tilespmem:s3], [sflag:$0x1] =	stream.linear.gather [hbm4b:s4+s3], $0x2780, $0x38;
	[tilespmem:$0x2D80] =	vst v63  }
0xf: {  	_ =	swait.ge [sflag:s8], $0x2780  }
0x10: {  	[sflag:s8] =	ssyncset.done $0x0  }
0x11: {  	[sflag:s8] =	ssyncadd.s32 $0xFFFFD880  }
0x12: {  	[tilespmem:$0x2800] =	vst v0  }
0x13: {  	[tilespmem:$0x2810] =	vst v0  }
0x14: {  	[tilespmem:$0x2820] =	vst v0  }
0x15: {  	[tilespmem:$0x2830] =	vst v0  }
0x16: {  	[tilespmem:$0x2840] =	vst v0  }
0x17: {  	[tilespmem:$0x2850] =	vst v0  }
0x18: {  	[tilespmem:$0x2860] =	vst v0  }
0x19: {  	[tilespmem:$0x2870] =	vst v0  }
0x1a: {  	[tilespmem:$0x2880] =	vst v1  }
0x1b: {  	[tilespmem:$0x2890] =	vst v1  }
0x1c: {  	[tilespmem:$0x28A0] =	vst v1  }
0x1d: {  	[tilespmem:$0x28B0] =	vst v1  }
0x1e: {  	[tilespmem:$0x28C0] =	vst v1  }
0x1f: {  	[tilespmem:$0x28D0] =	vst v1  }
0x20: {  	[tilespmem:$0x28E0] =	vst v1  }
0x21: {  	[tilespmem:$0x28F0] =	vst v1  }
0x22: {  	[tilespmem:$0x2900] =	vst v1  }
0x23: {  	[tilespmem:$0x2910] =	vst v1  }
0x24: {  	[tilespmem:$0x2920] =	vst v1  }
0x25: {  	[tilespmem:$0x2930] =	vst v1  }
0x26: {  	[tilespmem:$0x2940] =	vst v1  }
0x27: {  	[tilespmem:$0x2950] =	vst v1  }
0x28: {  	[tilespmem:$0x2960] =	vst v1  }
0x29: {  	[tilespmem:$0x2970] =	vst v1  }
0x2a: {  	[tilespmem:$0x2980] =	vst v1  }
0x2b: {  	[tilespmem:$0x2990] =	vst v1  }
0x2c: {  	[tilespmem:$0x29A0] =	vst v1  }
0x2d: {  	[tilespmem:$0x29B0] =	vst v1  }
0x2e: {  	[tilespmem:$0x29C0] =	vst v1  }
0x2f: {  	[tilespmem:$0x29D0] =	vst v1  }
0x30: {  	[tilespmem:$0x29E0] =	vst v1  }
0x31: {  	[tilespmem:$0x29F0] =	vst v1  }
0x32: {  	[tilespmem:$0x2A00] =	vst v1  }
0x33: {  	[tilespmem:$0x2A10] =	vst v1  }
0x34: {  	[tilespmem:$0x2A20] =	vst v1  }
0x35: {  	[tilespmem:$0x2A30] =	vst v1  }
0x36: {  	[tilespmem:$0x2A40] =	vst v1  }
0x37: {  	[tilespmem:$0x2A50] =	vst v1  }
0x38: {  	[tilespmem:$0x2A60] =	vst v1  }
0x39: {  	[tilespmem:$0x2A70] =	vst v1  }
0x3a: {  	[tilespmem:$0x2A80] =	vst v1  }
0x3b: {  	[tilespmem:$0x2A90] =	vst v1  }
0x3c: {  	[tilespmem:$0x2AA0] =	vst v1  }
0x3d: {  	[tilespmem:$0x2AB0] =	vst v1  }
0x3e: {  	[tilespmem:$0x2AC0] =	vst v1  }
0x3f: {  	[tilespmem:$0x2AD0] =	vst v1  }
0x40: {  	[tilespmem:$0x2AE0] =	vst v1  }
0x41: {  	[tilespmem:$0x2AF0] =	vst v1  }
0x42: {  	[spmem:s5] =	stream.linear.scatter [tilespmem:s9], [sflag:$0x1], $0x280, $0x38;
	[tilespmem:$0x2D80] =	vst v63  }
0x43: {  	_ =	swait.ge [sflag:s8], $0x280  }
0x44: {  	[sflag:s8] =	ssyncset.done $0x0  }
0x45: {  	[sflag:s8] =	ssyncadd.s32 $0xFFFFFD80  }
0x46: {  	s17 =	simm.s32 $0x0;
	[bflag:$0x0] =	sbarrier.arrive $0xFFFF  }
0x47: {  	[spmem:s2] =	stream.indirect.scatter.add.f32 [tilespmem:s11], [sflag:$0x1], $0x1, s17, s10, $0xb8;
	[tilespmem:$0x2D80] =	vst v63  }
0x48: {  	_ =	swait.ge [sflag:s8], $0x80  }
0x49: {  	s17 =	simm.s32 $0x200;
	[sflag:s8] =	ssyncset.done $0x0  }
.LBB2_2:
0x4a: {  	s18 =	sshra.s32 s17, $0x2;
	[sflag:s8] =	ssyncadd.s32 $0xFFFFFF80;
	p0 =	sne.s32 s17, $0x9C00  }
0x4b: {  	[spmem:s2] =	stream.indirect.scatter.add.f32 [tilespmem:s11], [sflag:$0x1], $0x1, s18, s10, $0xb8;
	[tilespmem:$0x2D80] =	vst v63  }
.Ltmp0:
0x4c: {  	_ = 	snop;
	(pc) =	sbr.rel @p0 .LBB2_2-.Ltmp0, $4  }
0x4d: {  	_ = 	snop  }
0x4e: {  	s17 =	sadd.s32 $0x200, s17  }
0x4f: {  	_ =	swait.ge [sflag:s8], $0x80  }
0x50: {  	[sflag:s8] =	ssyncset.done $0x0  }
0x51: {  	s16 =	sadd.s32 $0x1, s16  }
0x52: {  	[sflag:s8] =	ssyncadd.s32 $0xFFFFFF80;
	p0 =	sne.s32 s16, s7  }
.Ltmp1:
0x53: {  	[bflag:$0x0] =	sbarrier.arrive $0xFFFF;
	(pc) =	sbr.rel @p0 .LBB2_1-.Ltmp1, $4  }
0x54: {  	[hbm:s6@s14], [sflag:s12] =	dma.strided [spmem:s13@s15], $0x50, s8, $0x10   }
0x55: {  	_ =	swait.ge [sflag:s8], $0x50  }
0x56: {  	[sflag:s8] =	ssyncset.done $0x0  }
0x57: {  	[sflag:s8] =	ssyncadd.s32 $0xFFFFFFB0  }
0x58: {  	_ =	sfence.sel $0x180000  }
0x59: {  	[bflag:$0x0] =	sbarrier.arrive $0xFFFF  }
0x5a: {  	p0 =	sne.s32 s1, $0x0;
	_ =	strace $0x90000047  }
0x5b: {  	s0 =	sadd.s32 @!p0 $0x100000, s0;
	[bflag:$0x2] =	sbarrier.arrive $0xFFFF  }
0x5c: {  	[sflag:s0] =	ssyncadd.tile.s32 @!p0 $0x1;
	_ =	shalt  }
.Lfunc_end2:
_tile_overlayer_lowered:
.L_overlay_start_2:
0x5d: {  	(tag) =	ssettag $0x2  }
0x5e: {  	s0 =	rddreg [dreg:$0x0];
	s2 =	stileid.u32  }
0x5f: {  	s1 =	rddreg [dreg:$0x1];
	p0 =	sne.s32 s2, $0x0  }
0x60: {  	s3 =	rddreg [dreg:$0x2];
	[bflag:$0x3] =	sbarrier.arrive $0xFFFF;
	s2 =	simm.s32 @!p0 $0x1C01  }
0x61: {  	[timem:s3], [sflag:s2] =	dma.local @!p0 [hbm:s0], s1  }
0x62: {  	s0 =	simm.s32 @!p0 $0x1  }
0x63: {  	_ =	swait.ge @!p0 [sflag:s0], s1  }
0x64: {  	s1 =	ssub.s32 @!p0 $0x0, s1;
	[sflag:s0] =	ssyncset.done @!p0 $0x0  }
0x65: {  	[sflag:s0] =	ssyncadd.s32 @!p0 s1  }
0x66: {  	[bflag:$0x3] =	sbarrier.arrive $0xFFFF  }
0x67: {  	_ =	shalt  }

</sc_bundles>
